<compile_context>
chip_gen: v7x
topology: tpu7x:2x2x1
jax: 0.10.2.dev20260603
libtpu: 0.0.44.dev20260713+nightly
codegen_flags: <defaults>
</compile_context>

<pallas_src>
import functools

import jax
import jax.numpy as jnp
from jax import lax
from jax.experimental import pallas as pl
from jax.experimental.pallas import tpu as pltpu
from jax.experimental.pallas import tpu_sc as plsc

NUM_CORES = 2
NUM_SUBCORES = 16
LANES = 16
NUM_WORKERS = NUM_CORES * NUM_SUBCORES

FEAT = 128
ACC_W = 144
K_EDGES = 48
E_PER_W = 10176


def _sc_spmm(x, idx3, n_nodes):
    n_chunks = idx3.shape[1]
    n_pairs = n_chunks // 2
    rows_per_sub = n_nodes // NUM_SUBCORES

    mesh = plsc.VectorSubcoreMesh(core_axis_name="c", subcore_axis_name="s")

    @functools.partial(
        pl.kernel,
        out_type=jax.ShapeDtypeStruct((NUM_CORES, n_nodes, ACC_W), jnp.float32),
        mesh=mesh,
        scratch_types=[
            pltpu.VMEM((4, 3, K_EDGES), jnp.int32),
            pltpu.VMEM((2, K_EDGES), jnp.int32),
            pltpu.VMEM((4, K_EDGES, FEAT), jnp.float32),
            pltpu.VMEM((2, K_EDGES, ACC_W), jnp.float32),
            pltpu.VMEM_SHARED((n_nodes, ACC_W), jnp.float32),
        ] + [pltpu.SemaphoreType.DMA] * 10,
        compiler_params=pltpu.CompilerParams(
            use_tc_tiling_on_sc=False, needs_layout_passes=False),
    )
    def spmm(x_hbm, idx3_hbm, out_hbm,
             idx_v, dstbuf, gbuf, sbuf, acc, *sems):
        c = lax.axis_index("c")
        s = lax.axis_index("s")
        wid = c * NUM_SUBCORES + s
        sem_g = sems[0:4]
        sem_s = sems[4:6]
        sem_i = sems[6:10]

        zero16 = jnp.zeros((LANES,), jnp.float32)
        lane0 = lax.iota(jnp.int32, LANES) == 0

        def zrow(r, _):
            for j in range(ACC_W // LANES):
                sbuf[0, r, pl.ds(j * LANES, LANES)] = zero16
            return 0
        lax.fori_loop(0, K_EDGES, zrow, 0)
        done = 0
        while done < rows_per_sub:
            step = min(K_EDGES, rows_per_sub - done)
            pltpu.sync_copy(
                sbuf.at[0, pl.ds(0, step)],
                acc.at[pl.ds(s * rows_per_sub + done, step)])
            done += step
        plsc.subcore_barrier()

        def start_idx(g, i3):
            pltpu.async_copy(idx3_hbm.at[wid, g], idx_v.at[i3], sem_i[i3])

        def wait_idx(g, i3):
            pltpu.make_async_copy(idx3_hbm.at[wid, g], idx_v.at[i3],
                                  sem_i[i3]).wait()

        def start_gather(i4):
            pltpu.async_copy(x_hbm.at[idx_v.at[i4, 0]], gbuf.at[i4],
                             sem_g[i4])

        def wait_gather(i4):
            pltpu.make_async_copy(x_hbm.at[idx_v.at[i4, 0]], gbuf.at[i4],
                                  sem_g[i4]).wait()

        def start_scatter(b2):
            pltpu.async_copy(sbuf.at[b2], acc.at[dstbuf.at[b2]], sem_s[b2],
                             add=True)

        def wait_scatter(b2):
            pltpu.make_async_copy(sbuf.at[b2], acc.at[dstbuf.at[b2]],
                                  sem_s[b2]).wait()

        def scale(i4, b2):
            ew_row = idx_v.at[i4, 2]
            nj = FEAT // LANES

            def edge_pair(t, _):
                e0 = 2 * t
                wv = [plsc.bitcast(plsc.load_gather(
                    ew_row, [jnp.full((LANES,), e0 + q, jnp.int32)]),
                    jnp.float32) for q in range(2)]
                vs = [[gbuf[i4, e0 + q, pl.ds(j * LANES, LANES)]
                       for j in range(nj)] for q in range(2)]
                os = [[v * wv[q] for v in vs[q]] for q in range(2)]
                for q in range(2):
                    for j in range(nj):
                        sbuf[b2, e0 + q, pl.ds(j * LANES, LANES)] = os[q][j]
                for q in range(2):
                    sbuf[b2, e0 + q, pl.ds(FEAT, LANES)] = jnp.where(
                        lane0, wv[q], zero16)
                return 0
            lax.fori_loop(0, K_EDGES // 2, edge_pair, 0)

        def save_dst(i4, b2):
            for q in range(K_EDGES // LANES):
                dstbuf[b2, pl.ds(q * LANES, LANES)] = (
                    idx_v[i4, 1, pl.ds(q * LANES, LANES)])

        for g0 in (0, 1, 2, 3):
            start_idx(g0, g0)
        for g0 in (0, 1, 2):
            wait_idx(g0, g0)
            start_gather(g0)

        def chunk_body(g, u):
            i4, b2 = u % 4, u % 2
            wait_gather(i4)

            @pl.when(g >= 2)
            def _():
                wait_scatter(b2)

            scale(i4, b2)
            save_dst(i4, b2)

            @pl.when(g + 3 < n_chunks)
            def _():
                wait_idx(g + 3, (u + 3) % 4)
                start_gather((u + 3) % 4)

            @pl.when(g + 4 < n_chunks)
            def _():
                start_idx(g + 4, i4)

            start_scatter(b2)

        def four(t, _):
            base = 4 * t
            for u in range(4):
                chunk_body(base + u, u)
            return 0
        lax.fori_loop(0, n_chunks // 4, four, 0)
        wait_scatter(0)
        wait_scatter(1)
        plsc.subcore_barrier()

        pltpu.sync_copy(
            acc.at[pl.ds(s * rows_per_sub, rows_per_sub)],
            out_hbm.at[c, pl.ds(s * rows_per_sub, rows_per_sub)])

    return spmm(x, idx3)


def _tc_finish(partials, w1, b1, w2, b2):
    n_nodes = partials.shape[1]
    nout = w2.shape[1]

    def body(p_ref, w1_ref, b1_ref, w2_ref, b2_ref, o_ref):
        s = p_ref[0] + p_ref[1]
        w12 = jnp.dot(w1_ref[...], w2_ref[...],
                      preferred_element_type=jnp.float32)
        v = jnp.dot(b1_ref[...], w2_ref[...],
                    preferred_element_type=jnp.float32)
        o_ref[...] = (jnp.dot(s[:, :FEAT], w12,
                              preferred_element_type=jnp.float32)
                      + s[:, FEAT:FEAT + 1] * v + b2_ref[...])

    return pl.pallas_call(
        body,
        out_shape=jax.ShapeDtypeStruct((n_nodes, nout), jnp.float32),
    )(partials, w1, b1.reshape(1, -1), w2, b2.reshape(1, -1))


def kernel(x, edge_index, edge_weight, W1, b1, W2, b2):
    n_nodes = x.shape[0]
    n_edges = edge_index.shape[1]
    e_pad = NUM_WORKERS * E_PER_W - n_edges
    blk = (NUM_WORKERS, E_PER_W // K_EDGES, K_EDGES)
    pad = lambda a: jnp.concatenate([a, jnp.zeros((e_pad,), a.dtype)])
    src = pad(edge_index[1].astype(jnp.int32)).reshape(blk)
    dst = pad(edge_index[0].astype(jnp.int32)).reshape(blk)
    ewb = lax.bitcast_convert_type(
        pad(edge_weight.astype(jnp.float32)), jnp.int32).reshape(blk)
    idx3 = jnp.stack([src, dst, ewb], axis=2)
    partials = _sc_spmm(x, idx3, n_nodes)
    return _tc_finish(partials, W1, b1, W2, b2)

# --- scband reference (transcript-rebuilt; emitter-appended) ---
"""Pipeline reference for scband-scalar-sgc-3135326126432 (READ-ONLY COPY).

The authoritative reference and input builder live on the scoring server;
editing this copy changes nothing except your own understanding.
"""

import jax, jax.numpy as jnp
import numpy as np

N_NODES = 10000
N_EDGES = 320000
NFEAT = 128
NHID = 256
NOUT = 64


def setup_inputs(seed: int = 0) -> dict:
    key = jax.random.key(seed)
    k_x, k_ei, k_ew, k_w1, k_b1, k_w2, k_b2 = jax.random.split(key, 7)
    x = jax.random.normal(k_x, (N_NODES, NFEAT), dtype=jnp.float32)
    edge_index = jax.random.randint(k_ei, (2, N_EDGES), 0, N_NODES, dtype=jnp.int64)
    edge_weight = jax.random.uniform(k_ew, (N_EDGES,), dtype=jnp.float32)
    # Learned params: self.w = Linear(nfeat, nhid); self.linear = Linear(nhid, nout)
    W1 = jax.random.normal(k_w1, (NFEAT, NHID), dtype=jnp.float32) * (1.0 / np.sqrt(NFEAT))
    b1 = jax.random.normal(k_b1, (NHID,), dtype=jnp.float32) * 0.01
    W2 = jax.random.normal(k_w2, (NHID, NOUT), dtype=jnp.float32) * (1.0 / np.sqrt(NHID))
    b2 = jax.random.normal(k_b2, (NOUT,), dtype=jnp.float32) * 0.01
    return {"x": x, "edge_index": edge_index, "edge_weight": edge_weight,
            "W1": W1, "b1": b1, "W2": W2, "b2": b2}


def reference(x, edge_index, edge_weight, W1, b1, W2, b2):
    # x = self.w(x)  -- single Linear since nn_layers == 1
    h = x @ W1 + b1
    # x = torch.spmm(adj_k, x)  -- sparse adj in COO form: adj[dst, src] = edge_weight
    src = edge_index[1]
    dst = edge_index[0]
    msg = h[src] * edge_weight[:, None]
    agg = jax.ops.segment_sum(msg, dst, num_segments=x.shape[0])
    # dropout is identity in eval mode (p=0.0)
    # return self.linear(x)
    out = agg @ W2 + b2
    return out

if __name__ == "__main__":
    import jax
    _d = setup_inputs()
    print(jax.jit(kernel)(*tuple(_d.values())))

</pallas_src>

<mosaic_0001>
#map = affine_map<(d0, d1) -> (0, 0)>
#map1 = affine_map<(d0, d1) -> (0, 0, 0, 0)>
#map2 = affine_map<(d0, d1) -> (0, 0, 0)>
module attributes {stable_mosaic.version = 14 : i64} {
  func.func @spmm(%arg0: i32, %arg1: i32, %arg2: memref<10000x128xf32, #tpu.memory_space<hbm>>, %arg3: memref<32x212x3x48xi32, #tpu.memory_space<hbm>>, %arg4: memref<2x10000x144xf32, #tpu.memory_space<hbm>>, %arg5: memref<4x3x48xi32, #tpu.memory_space<vmem>>, %arg6: memref<2x48xi32, #tpu.memory_space<vmem>>, %arg7: memref<4x48x128xf32, #tpu.memory_space<vmem>>, %arg8: memref<2x48x144xf32, #tpu.memory_space<vmem>>, %arg9: memref<10000x144xf32, #tpu.memory_space<vmem_shared>>, %arg10: memref<!tpu.dma_semaphore, #tpu.memory_space<semaphore_mem>>, %arg11: memref<!tpu.dma_semaphore, #tpu.memory_space<semaphore_mem>>, %arg12: memref<!tpu.dma_semaphore, #tpu.memory_space<semaphore_mem>>, %arg13: memref<!tpu.dma_semaphore, #tpu.memory_space<semaphore_mem>>, %arg14: memref<!tpu.dma_semaphore, #tpu.memory_space<semaphore_mem>>, %arg15: memref<!tpu.dma_semaphore, #tpu.memory_space<semaphore_mem>>, %arg16: memref<!tpu.dma_semaphore, #tpu.memory_space<semaphore_mem>>, %arg17: memref<!tpu.dma_semaphore, #tpu.memory_space<semaphore_mem>>, %arg18: memref<!tpu.dma_semaphore, #tpu.memory_space<semaphore_mem>>, %arg19: memref<!tpu.dma_semaphore, #tpu.memory_space<semaphore_mem>>) attributes {dimension_semantics = [#tpu.dimension_semantics<core_parallel>, #tpu.dimension_semantics<subcore_parallel>], iteration_bounds = array<i64: 2, 16>, scalar_prefetch = 0 : i64, scratch_operands = 15 : i64, tpu.core_type = #tpu.core_type<sc_vector_subcore>, window_params = [{transform_indices = #map}, {transform_indices = #map1}, {transform_indices = #map2}]} {
    %mul3A = arith.constant 16 : i32
    %mul3A_0 = arith.muli %arg0, %mul3A : i32
    %add3A = arith.addi %mul3A_0, %arg1 : i32
    %broadcast_in_dim3A = arith.constant 0.000000e+00 : f32
    %broadcast_in_dim3A_1 = vector.broadcast %broadcast_in_dim3A : f32 to vector<16xf32>
    %iota3A = tpu.iota {dimensions = array<i32: 0>} : vector<16xi32>
    %eq3A = arith.constant 0 : i32
    %eq3A_2 = vector.broadcast %eq3A : i32 to vector<16xi32>
    %eq3A_3 = arith.cmpi eq, %iota3A, %eq3A_2 : vector<16xi32>
    %scan3A = arith.constant 0 : i32
    %scan3A_4 = arith.constant 0 : i32
    %scan3A_5 = arith.constant 48 : i32
    %scan3A_6 = arith.addi %scan3A_4, %scan3A_5 : i32
    %scan3A_7 = arith.constant 1 : i32
    %scan3A_8 = scf.for %scan3A_278 = %scan3A_4 to %scan3A_6 step %scan3A_7 iter_args(%scan3A_279 = %scan3A) -> (i32)  : i32 {
      %swap3A = arith.constant 0 : i32
      %swap3A_280 = arith.index_cast %swap3A : i32 to index
      %swap3A_281 = arith.index_cast %scan3A_278 : i32 to index
      %swap3A_282 = arith.constant 0 : index
      %swap3A_283 = tpu.vector_load %arg8[%swap3A_280, %swap3A_281, %swap3A_282] {strides = array<i32>} : memref<2x48x144xf32, #tpu.memory_space<vmem>>, vector<16xf32>,
      tpu.vector_store %arg8[%swap3A_280, %swap3A_281, %swap3A_282], %broadcast_in_dim3A_1 {strides = array<i32>} : memref<2x48x144xf32, #tpu.memory_space<vmem>>, vector<16xf32>,
      %swap3A_284 = arith.constant 0 : i32
      %swap3A_285 = arith.index_cast %swap3A_284 : i32 to index
      %swap3A_286 = arith.index_cast %scan3A_278 : i32 to index
      %swap3A_287 = arith.constant 16 : index
      %swap3A_288 = tpu.vector_load %arg8[%swap3A_285, %swap3A_286, %swap3A_287] {strides = array<i32>} : memref<2x48x144xf32, #tpu.memory_space<vmem>>, vector<16xf32>,
      tpu.vector_store %arg8[%swap3A_285, %swap3A_286, %swap3A_287], %broadcast_in_dim3A_1 {strides = array<i32>} : memref<2x48x144xf32, #tpu.memory_space<vmem>>, vector<16xf32>,
      %swap3A_289 = arith.constant 0 : i32
      %swap3A_290 = arith.index_cast %swap3A_289 : i32 to index
      %swap3A_291 = arith.index_cast %scan3A_278 : i32 to index
      %swap3A_292 = arith.constant 32 : index
      %swap3A_293 = tpu.vector_load %arg8[%swap3A_290, %swap3A_291, %swap3A_292] {strides = array<i32>} : memref<2x48x144xf32, #tpu.memory_space<vmem>>, vector<16xf32>,
      tpu.vector_store %arg8[%swap3A_290, %swap3A_291, %swap3A_292], %broadcast_in_dim3A_1 {strides = array<i32>} : memref<2x48x144xf32, #tpu.memory_space<vmem>>, vector<16xf32>,
      %swap3A_294 = arith.constant 0 : i32
      %swap3A_295 = arith.index_cast %swap3A_294 : i32 to index
      %swap3A_296 = arith.index_cast %scan3A_278 : i32 to index
      %swap3A_297 = arith.constant 48 : index
      %swap3A_298 = tpu.vector_load %arg8[%swap3A_295, %swap3A_296, %swap3A_297] {strides = array<i32>} : memref<2x48x144xf32, #tpu.memory_space<vmem>>, vector<16xf32>,
      tpu.vector_store %arg8[%swap3A_295, %swap3A_296, %swap3A_297], %broadcast_in_dim3A_1 {strides = array<i32>} : memref<2x48x144xf32, #tpu.memory_space<vmem>>, vector<16xf32>,
      %swap3A_299 = arith.constant 0 : i32
      %swap3A_300 = arith.index_cast %swap3A_299 : i32 to index
      %swap3A_301 = arith.index_cast %scan3A_278 : i32 to index
      %swap3A_302 = arith.constant 64 : index
      %swap3A_303 = tpu.vector_load %arg8[%swap3A_300, %swap3A_301, %swap3A_302] {strides = array<i32>} : memref<2x48x144xf32, #tpu.memory_space<vmem>>, vector<16xf32>,
      tpu.vector_store %arg8[%swap3A_300, %swap3A_301, %swap3A_302], %broadcast_in_dim3A_1 {strides = array<i32>} : memref<2x48x144xf32, #tpu.memory_space<vmem>>, vector<16xf32>,
      %swap3A_304 = arith.constant 0 : i32
      %swap3A_305 = arith.index_cast %swap3A_304 : i32 to index
      %swap3A_306 = arith.index_cast %scan3A_278 : i32 to index
      %swap3A_307 = arith.constant 80 : index
      %swap3A_308 = tpu.vector_load %arg8[%swap3A_305, %swap3A_306, %swap3A_307] {strides = array<i32>} : memref<2x48x144xf32, #tpu.memory_space<vmem>>, vector<16xf32>,
      tpu.vector_store %arg8[%swap3A_305, %swap3A_306, %swap3A_307], %broadcast_in_dim3A_1 {strides = array<i32>} : memref<2x48x144xf32, #tpu.memory_space<vmem>>, vector<16xf32>,
      %swap3A_309 = arith.constant 0 : i32
      %swap3A_310 = arith.index_cast %swap3A_309 : i32 to index
      %swap3A_311 = arith.index_cast %scan3A_278 : i32 to index
      %swap3A_312 = arith.constant 96 : index
      %swap3A_313 = tpu.vector_load %arg8[%swap3A_310, %swap3A_311, %swap3A_312] {strides = array<i32>} : memref<2x48x144xf32, #tpu.memory_space<vmem>>, vector<16xf32>,
      tpu.vector_store %arg8[%swap3A_310, %swap3A_311, %swap3A_312], %broadcast_in_dim3A_1 {strides = array<i32>} : memref<2x48x144xf32, #tpu.memory_space<vmem>>, vector<16xf32>,
      %swap3A_314 = arith.constant 0 : i32
      %swap3A_315 = arith.index_cast %swap3A_314 : i32 to index
      %swap3A_316 = arith.index_cast %scan3A_278 : i32 to index
      %swap3A_317 = arith.constant 112 : index
      %swap3A_318 = tpu.vector_load %arg8[%swap3A_315, %swap3A_316, %swap3A_317] {strides = array<i32>} : memref<2x48x144xf32, #tpu.memory_space<vmem>>, vector<16xf32>,
      tpu.vector_store %arg8[%swap3A_315, %swap3A_316, %swap3A_317], %broadcast_in_dim3A_1 {strides = array<i32>} : memref<2x48x144xf32, #tpu.memory_space<vmem>>, vector<16xf32>,
      %swap3A_319 = arith.constant 0 : i32
      %swap3A_320 = arith.index_cast %swap3A_319 : i32 to index
      %swap3A_321 = arith.index_cast %scan3A_278 : i32 to index
      %swap3A_322 = arith.constant 128 : index
      %swap3A_323 = tpu.vector_load %arg8[%swap3A_320, %swap3A_321, %swap3A_322] {strides = array<i32>} : memref<2x48x144xf32, #tpu.memory_space<vmem>>, vector<16xf32>,
      tpu.vector_store %arg8[%swap3A_320, %swap3A_321, %swap3A_322], %broadcast_in_dim3A_1 {strides = array<i32>} : memref<2x48x144xf32, #tpu.memory_space<vmem>>, vector<16xf32>,
      %scan3A_324 = arith.constant 0 : i32
      scf.yield %scan3A_324 : i32
    }
    %scan3A_9 = arith.constant 48 : i32
    %mul3A_10 = arith.constant 625 : i32
    %mul3A_11 = arith.muli %arg1, %mul3A_10 : i32
    %add3A_12 = arith.constant 0 : i32
    %add3A_13 = arith.addi %mul3A_11, %add3A_12 : i32
    %run_scoped3A = arith.constant 0 : i32
    "tpu.region"() ({
      %run_scoped3A_278 = tpu.sem_alloc : memref<!tpu.dma_semaphore, #tpu.memory_space<semaphore_mem>>
      %dma_start3A_279 = arith.constant 0 : i32
      %dma_start3A_280 = arith.constant 0 : i32
      %dma_start3A_281 = tpu.memref_slice %arg8[%run_scoped3A, %dma_start3A_279, %dma_start3A_280] : memref<2x48x144xf32, #tpu.memory_space<vmem>> -> memref<1x48x144xf32, #tpu.memory_space<vmem>>
      %dma_start3A_282 = tpu.memref_squeeze %dma_start3A_281 : memref<1x48x144xf32, #tpu.memory_space<vmem>> -> memref<48x144xf32, #tpu.memory_space<vmem>>
      %dma_start3A_283 = arith.constant 0 : i32
      %dma_start3A_284 = tpu.memref_slice %arg9[%add3A_13, %dma_start3A_283] : memref<10000x144xf32, #tpu.memory_space<vmem_shared>> -> memref<48x144xf32, #tpu.memory_space<vmem_shared>>
      %dma_start3A_285 = arith.constant 0 : i32
      %dma_start3A_286 = tpu.memref_slice %arg9[%add3A_13, %dma_start3A_285] : memref<10000x144xf32, #tpu.memory_space<vmem_shared>> -> memref<48x144xf32, #tpu.memory_space<vmem_shared>>
      %dma_start3A_287 = arith.constant 0 : i32
      %dma_start3A_288 = arith.constant 0 : i32
      %dma_start3A_289 = tpu.memref_slice %arg8[%run_scoped3A, %dma_start3A_287, %dma_start3A_288] : memref<2x48x144xf32, #tpu.memory_space<vmem>> -> memref<1x48x144xf32, #tpu.memory_space<vmem>>
      %dma_start3A_290 = tpu.memref_squeeze %dma_start3A_289 : memref<1x48x144xf32, #tpu.memory_space<vmem>> -> memref<48x144xf32, #tpu.memory_space<vmem>>
      tpu.enqueue_dma source(%dma_start3A_290 : memref<48x144xf32, #tpu.memory_space<vmem>>) target(%dma_start3A_286 : memref<48x144xf32, #tpu.memory_space<vmem_shared>>) target_semaphore(%run_scoped3A_278 : memref<!tpu.dma_semaphore, #tpu.memory_space<semaphore_mem>>)
      %dma_wait3A_291 = arith.constant 0 : i32
      %dma_wait3A_292 = arith.constant 0 : i32
      %dma_wait3A_293 = tpu.memref_slice %arg8[%run_scoped3A, %dma_wait3A_291, %dma_wait3A_292] : memref<2x48x144xf32, #tpu.memory_space<vmem>> -> memref<1x48x144xf32, #tpu.memory_space<vmem>>
      %dma_wait3A_294 = tpu.memref_squeeze %dma_wait3A_293 : memref<1x48x144xf32, #tpu.memory_space<vmem>> -> memref<48x144xf32, #tpu.memory_space<vmem>>
      %dma_wait3A_295 = arith.constant 0 : i32
      %dma_wait3A_296 = tpu.memref_slice %arg9[%add3A_13, %dma_wait3A_295] : memref<10000x144xf32, #tpu.memory_space<vmem_shared>> -> memref<48x144xf32, #tpu.memory_space<vmem_shared>>
      %dma_wait3A_297 = arith.constant 0 : i32
      %dma_wait3A_298 = tpu.memref_slice %arg9[%add3A_13, %dma_wait3A_297] : memref<10000x144xf32, #tpu.memory_space<vmem_shared>> -> memref<48x144xf32, #tpu.memory_space<vmem_shared>>
      %dma_wait3A_299 = arith.constant 0 : i32
      %dma_wait3A_300 = arith.constant 0 : i32
      %dma_wait3A_301 = tpu.memref_slice %arg8[%run_scoped3A, %dma_wait3A_299, %dma_wait3A_300] : memref<2x48x144xf32, #tpu.memory_space<vmem>> -> memref<1x48x144xf32, #tpu.memory_space<vmem>>
      %dma_wait3A_302 = tpu.memref_squeeze %dma_wait3A_301 : memref<1x48x144xf32, #tpu.memory_space<vmem>> -> memref<48x144xf32, #tpu.memory_space<vmem>>
      tpu.wait_dma2 semaphore(%run_scoped3A_278 : memref<!tpu.dma_semaphore, #tpu.memory_space<semaphore_mem>>) src(%dma_wait3A_302 : memref<48x144xf32, #tpu.memory_space<vmem>>) dst(%dma_wait3A_298 : memref<48x144xf32, #tpu.memory_space<vmem_shared>>)
      tpu.yield
    }) : () -> ()
    %mul3A_14 = arith.constant 625 : i32
    %mul3A_15 = arith.muli %arg1, %mul3A_14 : i32
    %add3A_16 = arith.constant 48 : i32
    %add3A_17 = arith.addi %mul3A_15, %add3A_16 : i32
    %run_scoped3A_18 = arith.constant 0 : i32
    "tpu.region"() ({
      %run_scoped3A_278 = tpu.sem_alloc : memref<!tpu.dma_semaphore, #tpu.memory_space<semaphore_mem>>
      %dma_start3A_279 = arith.constant 0 : i32
      %dma_start3A_280 = arith.constant 0 : i32
      %dma_start3A_281 = tpu.memref_slice %arg8[%run_scoped3A_18, %dma_start3A_279, %dma_start3A_280] : memref<2x48x144xf32, #tpu.memory_space<vmem>> -> memref<1x48x144xf32, #tpu.memory_space<vmem>>
      %dma_start3A_282 = tpu.memref_squeeze %dma_start3A_281 : memref<1x48x144xf32, #tpu.memory_space<vmem>> -> memref<48x144xf32, #tpu.memory_space<vmem>>
      %dma_start3A_283 = arith.constant 0 : i32
      %dma_start3A_284 = tpu.memref_slice %arg9[%add3A_17, %dma_start3A_283] : memref<10000x144xf32, #tpu.memory_space<vmem_shared>> -> memref<48x144xf32, #tpu.memory_space<vmem_shared>>
      %dma_start3A_285 = arith.constant 0 : i32
      %dma_start3A_286 = tpu.memref_slice %arg9[%add3A_17, %dma_start3A_285] : memref<10000x144xf32, #tpu.memory_space<vmem_shared>> -> memref<48x144xf32, #tpu.memory_space<vmem_shared>>
      %dma_start3A_287 = arith.constant 0 : i32
      %dma_start3A_288 = arith.constant 0 : i32
      %dma_start3A_289 = tpu.memref_slice %arg8[%run_scoped3A_18, %dma_start3A_287, %dma_start3A_288] : memref<2x48x144xf32, #tpu.memory_space<vmem>> -> memref<1x48x144xf32, #tpu.memory_space<vmem>>
      %dma_start3A_290 = tpu.memref_squeeze %dma_start3A_289 : memref<1x48x144xf32, #tpu.memory_space<vmem>> -> memref<48x144xf32, #tpu.memory_space<vmem>>
      tpu.enqueue_dma source(%dma_start3A_290 : memref<48x144xf32, #tpu.memory_space<vmem>>) target(%dma_start3A_286 : memref<48x144xf32, #tpu.memory_space<vmem_shared>>) target_semaphore(%run_scoped3A_278 : memref<!tpu.dma_semaphore, #tpu.memory_space<semaphore_mem>>)
      %dma_wait3A_291 = arith.constant 0 : i32
      %dma_wait3A_292 = arith.constant 0 : i32
      %dma_wait3A_293 = tpu.memref_slice %arg8[%run_scoped3A_18, %dma_wait3A_291, %dma_wait3A_292] : memref<2x48x144xf32, #tpu.memory_space<vmem>> -> memref<1x48x144xf32, #tpu.memory_space<vmem>>
      %dma_wait3A_294 = tpu.memref_squeeze %dma_wait3A_293 : memref<1x48x144xf32, #tpu.memory_space<vmem>> -> memref<48x144xf32, #tpu.memory_space<vmem>>
      %dma_wait3A_295 = arith.constant 0 : i32
      %dma_wait3A_296 = tpu.memref_slice %arg9[%add3A_17, %dma_wait3A_295] : memref<10000x144xf32, #tpu.memory_space<vmem_shared>> -> memref<48x144xf32, #tpu.memory_space<vmem_shared>>
      %dma_wait3A_297 = arith.constant 0 : i32
      %dma_wait3A_298 = tpu.memref_slice %arg9[%add3A_17, %dma_wait3A_297] : memref<10000x144xf32, #tpu.memory_space<vmem_shared>> -> memref<48x144xf32, #tpu.memory_space<vmem_shared>>
      %dma_wait3A_299 = arith.constant 0 : i32
      %dma_wait3A_300 = arith.constant 0 : i32
      %dma_wait3A_301 = tpu.memref_slice %arg8[%run_scoped3A_18, %dma_wait3A_299, %dma_wait3A_300] : memref<2x48x144xf32, #tpu.memory_space<vmem>> -> memref<1x48x144xf32, #tpu.memory_space<vmem>>
      %dma_wait3A_302 = tpu.memref_squeeze %dma_wait3A_301 : memref<1x48x144xf32, #tpu.memory_space<vmem>> -> memref<48x144xf32, #tpu.memory_space<vmem>>
      tpu.wait_dma2 semaphore(%run_scoped3A_278 : memref<!tpu.dma_semaphore, #tpu.memory_space<semaphore_mem>>) src(%dma_wait3A_302 : memref<48x144xf32, #tpu.memory_space<vmem>>) dst(%dma_wait3A_298 : memref<48x144xf32, #tpu.memory_space<vmem_shared>>)
      tpu.yield
    }) : () -> ()
    %mul3A_19 = arith.constant 625 : i32
    %mul3A_20 = arith.muli %arg1, %mul3A_19 : i32
    %add3A_21 = arith.constant 96 : i32
    %add3A_22 = arith.addi %mul3A_20, %add3A_21 : i32
    %run_scoped3A_23 = arith.constant 0 : i32
    "tpu.region"() ({
      %run_scoped3A_278 = tpu.sem_alloc : memref<!tpu.dma_semaphore, #tpu.memory_space<semaphore_mem>>
      %dma_start3A_279 = arith.constant 0 : i32
      %dma_start3A_280 = arith.constant 0 : i32
      %dma_start3A_281 = tpu.memref_slice %arg8[%run_scoped3A_23, %dma_start3A_279, %dma_start3A_280] : memref<2x48x144xf32, #tpu.memory_space<vmem>> -> memref<1x48x144xf32, #tpu.memory_space<vmem>>
      %dma_start3A_282 = tpu.memref_squeeze %dma_start3A_281 : memref<1x48x144xf32, #tpu.memory_space<vmem>> -> memref<48x144xf32, #tpu.memory_space<vmem>>
      %dma_start3A_283 = arith.constant 0 : i32
      %dma_start3A_284 = tpu.memref_slice %arg9[%add3A_22, %dma_start3A_283] : memref<10000x144xf32, #tpu.memory_space<vmem_shared>> -> memref<48x144xf32, #tpu.memory_space<vmem_shared>>
      %dma_start3A_285 = arith.constant 0 : i32
      %dma_start3A_286 = tpu.memref_slice %arg9[%add3A_22, %dma_start3A_285] : memref<10000x144xf32, #tpu.memory_space<vmem_shared>> -> memref<48x144xf32, #tpu.memory_space<vmem_shared>>
      %dma_start3A_287 = arith.constant 0 : i32
      %dma_start3A_288 = arith.constant 0 : i32
      %dma_start3A_289 = tpu.memref_slice %arg8[%run_scoped3A_23, %dma_start3A_287, %dma_start3A_288] : memref<2x48x144xf32, #tpu.memory_space<vmem>> -> memref<1x48x144xf32, #tpu.memory_space<vmem>>
      %dma_start3A_290 = tpu.memref_squeeze %dma_start3A_289 : memref<1x48x144xf32, #tpu.memory_space<vmem>> -> memref<48x144xf32, #tpu.memory_space<vmem>>
      tpu.enqueue_dma source(%dma_start3A_290 : memref<48x144xf32, #tpu.memory_space<vmem>>) target(%dma_start3A_286 : memref<48x144xf32, #tpu.memory_space<vmem_shared>>) target_semaphore(%run_scoped3A_278 : memref<!tpu.dma_semaphore, #tpu.memory_space<semaphore_mem>>)
      %dma_wait3A_291 = arith.constant 0 : i32
      %dma_wait3A_292 = arith.constant 0 : i32
      %dma_wait3A_293 = tpu.memref_slice %arg8[%run_scoped3A_23, %dma_wait3A_291, %dma_wait3A_292] : memref<2x48x144xf32, #tpu.memory_space<vmem>> -> memref<1x48x144xf32, #tpu.memory_space<vmem>>
      %dma_wait3A_294 = tpu.memref_squeeze %dma_wait3A_293 : memref<1x48x144xf32, #tpu.memory_space<vmem>> -> memref<48x144xf32, #tpu.memory_space<vmem>>
      %dma_wait3A_295 = arith.constant 0 : i32
      %dma_wait3A_296 = tpu.memref_slice %arg9[%add3A_22, %dma_wait3A_295] : memref<10000x144xf32, #tpu.memory_space<vmem_shared>> -> memref<48x144xf32, #tpu.memory_space<vmem_shared>>
      %dma_wait3A_297 = arith.constant 0 : i32
      %dma_wait3A_298 = tpu.memref_slice %arg9[%add3A_22, %dma_wait3A_297] : memref<10000x144xf32, #tpu.memory_space<vmem_shared>> -> memref<48x144xf32, #tpu.memory_space<vmem_shared>>
      %dma_wait3A_299 = arith.constant 0 : i32
      %dma_wait3A_300 = arith.constant 0 : i32
      %dma_wait3A_301 = tpu.memref_slice %arg8[%run_scoped3A_23, %dma_wait3A_299, %dma_wait3A_300] : memref<2x48x144xf32, #tpu.memory_space<vmem>> -> memref<1x48x144xf32, #tpu.memory_space<vmem>>
      %dma_wait3A_302 = tpu.memref_squeeze %dma_wait3A_301 : memref<1x48x144xf32, #tpu.memory_space<vmem>> -> memref<48x144xf32, #tpu.memory_space<vmem>>
      tpu.wait_dma2 semaphore(%run_scoped3A_278 : memref<!tpu.dma_semaphore, #tpu.memory_space<semaphore_mem>>) src(%dma_wait3A_302 : memref<48x144xf32, #tpu.memory_space<vmem>>) dst(%dma_wait3A_298 : memref<48x144xf32, #tpu.memory_space<vmem_shared>>)
      tpu.yield
    }) : () -> ()
    %mul3A_24 = arith.constant 625 : i32
    %mul3A_25 = arith.muli %arg1, %mul3A_24 : i32
    %add3A_26 = arith.constant 144 : i32
    %add3A_27 = arith.addi %mul3A_25, %add3A_26 : i32
    %run_scoped3A_28 = arith.constant 0 : i32
    "tpu.region"() ({
      %run_scoped3A_278 = tpu.sem_alloc : memref<!tpu.dma_semaphore, #tpu.memory_space<semaphore_mem>>
      %dma_start3A_279 = arith.constant 0 : i32
      %dma_start3A_280 = arith.constant 0 : i32
      %dma_start3A_281 = tpu.memref_slice %arg8[%run_scoped3A_28, %dma_start3A_279, %dma_start3A_280] : memref<2x48x144xf32, #tpu.memory_space<vmem>> -> memref<1x48x144xf32, #tpu.memory_space<vmem>>
      %dma_start3A_282 = tpu.memref_squeeze %dma_start3A_281 : memref<1x48x144xf32, #tpu.memory_space<vmem>> -> memref<48x144xf32, #tpu.memory_space<vmem>>
      %dma_start3A_283 = arith.constant 0 : i32
      %dma_start3A_284 = tpu.memref_slice %arg9[%add3A_27, %dma_start3A_283] : memref<10000x144xf32, #tpu.memory_space<vmem_shared>> -> memref<48x144xf32, #tpu.memory_space<vmem_shared>>
      %dma_start3A_285 = arith.constant 0 : i32
      %dma_start3A_286 = tpu.memref_slice %arg9[%add3A_27, %dma_start3A_285] : memref<10000x144xf32, #tpu.memory_space<vmem_shared>> -> memref<48x144xf32, #tpu.memory_space<vmem_shared>>
      %dma_start3A_287 = arith.constant 0 : i32
      %dma_start3A_288 = arith.constant 0 : i32
      %dma_start3A_289 = tpu.memref_slice %arg8[%run_scoped3A_28, %dma_start3A_287, %dma_start3A_288] : memref<2x48x144xf32, #tpu.memory_space<vmem>> -> memref<1x48x144xf32, #tpu.memory_space<vmem>>
      %dma_start3A_290 = tpu.memref_squeeze %dma_start3A_289 : memref<1x48x144xf32, #tpu.memory_space<vmem>> -> memref<48x144xf32, #tpu.memory_space<vmem>>
      tpu.enqueue_dma source(%dma_start3A_290 : memref<48x144xf32, #tpu.memory_space<vmem>>) target(%dma_start3A_286 : memref<48x144xf32, #tpu.memory_space<vmem_shared>>) target_semaphore(%run_scoped3A_278 : memref<!tpu.dma_semaphore, #tpu.memory_space<semaphore_mem>>)
      %dma_wait3A_291 = arith.constant 0 : i32
      %dma_wait3A_292 = arith.constant 0 : i32
      %dma_wait3A_293 = tpu.memref_slice %arg8[%run_scoped3A_28, %dma_wait3A_291, %dma_wait3A_292] : memref<2x48x144xf32, #tpu.memory_space<vmem>> -> memref<1x48x144xf32, #tpu.memory_space<vmem>>
      %dma_wait3A_294 = tpu.memref_squeeze %dma_wait3A_293 : memref<1x48x144xf32, #tpu.memory_space<vmem>> -> memref<48x144xf32, #tpu.memory_space<vmem>>
      %dma_wait3A_295 = arith.constant 0 : i32
      %dma_wait3A_296 = tpu.memref_slice %arg9[%add3A_27, %dma_wait3A_295] : memref<10000x144xf32, #tpu.memory_space<vmem_shared>> -> memref<48x144xf32, #tpu.memory_space<vmem_shared>>
      %dma_wait3A_297 = arith.constant 0 : i32
      %dma_wait3A_298 = tpu.memref_slice %arg9[%add3A_27, %dma_wait3A_297] : memref<10000x144xf32, #tpu.memory_space<vmem_shared>> -> memref<48x144xf32, #tpu.memory_space<vmem_shared>>
      %dma_wait3A_299 = arith.constant 0 : i32
      %dma_wait3A_300 = arith.constant 0 : i32
      %dma_wait3A_301 = tpu.memref_slice %arg8[%run_scoped3A_28, %dma_wait3A_299, %dma_wait3A_300] : memref<2x48x144xf32, #tpu.memory_space<vmem>> -> memref<1x48x144xf32, #tpu.memory_space<vmem>>
      %dma_wait3A_302 = tpu.memref_squeeze %dma_wait3A_301 : memref<1x48x144xf32, #tpu.memory_space<vmem>> -> memref<48x144xf32, #tpu.memory_space<vmem>>
      tpu.wait_dma2 semaphore(%run_scoped3A_278 : memref<!tpu.dma_semaphore, #tpu.memory_space<semaphore_mem>>) src(%dma_wait3A_302 : memref<48x144xf32, #tpu.memory_space<vmem>>) dst(%dma_wait3A_298 : memref<48x144xf32, #tpu.memory_space<vmem_shared>>)
      tpu.yield
    }) : () -> ()
    %mul3A_29 = arith.constant 625 : i32
    %mul3A_30 = arith.muli %arg1, %mul3A_29 : i32
    %add3A_31 = arith.constant 192 : i32
    %add3A_32 = arith.addi %mul3A_30, %add3A_31 : i32
    %run_scoped3A_33 = arith.constant 0 : i32
    "tpu.region"() ({
      %run_scoped3A_278 = tpu.sem_alloc : memref<!tpu.dma_semaphore, #tpu.memory_space<semaphore_mem>>
      %dma_start3A_279 = arith.constant 0 : i32
      %dma_start3A_280 = arith.constant 0 : i32
      %dma_start3A_281 = tpu.memref_slice %arg8[%run_scoped3A_33, %dma_start3A_279, %dma_start3A_280] : memref<2x48x144xf32, #tpu.memory_space<vmem>> -> memref<1x48x144xf32, #tpu.memory_space<vmem>>
      %dma_start3A_282 = tpu.memref_squeeze %dma_start3A_281 : memref<1x48x144xf32, #tpu.memory_space<vmem>> -> memref<48x144xf32, #tpu.memory_space<vmem>>
      %dma_start3A_283 = arith.constant 0 : i32
      %dma_start3A_284 = tpu.memref_slice %arg9[%add3A_32, %dma_start3A_283] : memref<10000x144xf32, #tpu.memory_space<vmem_shared>> -> memref<48x144xf32, #tpu.memory_space<vmem_shared>>
      %dma_start3A_285 = arith.constant 0 : i32
      %dma_start3A_286 = tpu.memref_slice %arg9[%add3A_32, %dma_start3A_285] : memref<10000x144xf32, #tpu.memory_space<vmem_shared>> -> memref<48x144xf32, #tpu.memory_space<vmem_shared>>
      %dma_start3A_287 = arith.constant 0 : i32
      %dma_start3A_288 = arith.constant 0 : i32
      %dma_start3A_289 = tpu.memref_slice %arg8[%run_scoped3A_33, %dma_start3A_287, %dma_start3A_288] : memref<2x48x144xf32, #tpu.memory_space<vmem>> -> memref<1x48x144xf32, #tpu.memory_space<vmem>>
      %dma_start3A_290 = tpu.memref_squeeze %dma_start3A_289 : memref<1x48x144xf32, #tpu.memory_space<vmem>> -> memref<48x144xf32, #tpu.memory_space<vmem>>
      tpu.enqueue_dma source(%dma_start3A_290 : memref<48x144xf32, #tpu.memory_space<vmem>>) target(%dma_start3A_286 : memref<48x144xf32, #tpu.memory_space<vmem_shared>>) target_semaphore(%run_scoped3A_278 : memref<!tpu.dma_semaphore, #tpu.memory_space<semaphore_mem>>)
      %dma_wait3A_291 = arith.constant 0 : i32
      %dma_wait3A_292 = arith.constant 0 : i32
      %dma_wait3A_293 = tpu.memref_slice %arg8[%run_scoped3A_33, %dma_wait3A_291, %dma_wait3A_292] : memref<2x48x144xf32, #tpu.memory_space<vmem>> -> memref<1x48x144xf32, #tpu.memory_space<vmem>>
      %dma_wait3A_294 = tpu.memref_squeeze %dma_wait3A_293 : memref<1x48x144xf32, #tpu.memory_space<vmem>> -> memref<48x144xf32, #tpu.memory_space<vmem>>
      %dma_wait3A_295 = arith.constant 0 : i32
      %dma_wait3A_296 = tpu.memref_slice %arg9[%add3A_32, %dma_wait3A_295] : memref<10000x144xf32, #tpu.memory_space<vmem_shared>> -> memref<48x144xf32, #tpu.memory_space<vmem_shared>>
      %dma_wait3A_297 = arith.constant 0 : i32
      %dma_wait3A_298 = tpu.memref_slice %arg9[%add3A_32, %dma_wait3A_297] : memref<10000x144xf32, #tpu.memory_space<vmem_shared>> -> memref<48x144xf32, #tpu.memory_space<vmem_shared>>
      %dma_wait3A_299 = arith.constant 0 : i32
      %dma_wait3A_300 = arith.constant 0 : i32
      %dma_wait3A_301 = tpu.memref_slice %arg8[%run_scoped3A_33, %dma_wait3A_299, %dma_wait3A_300] : memref<2x48x144xf32, #tpu.memory_space<vmem>> -> memref<1x48x144xf32, #tpu.memory_space<vmem>>
      %dma_wait3A_302 = tpu.memref_squeeze %dma_wait3A_301 : memref<1x48x144xf32, #tpu.memory_space<vmem>> -> memref<48x144xf32, #tpu.memory_space<vmem>>
      tpu.wait_dma2 semaphore(%run_scoped3A_278 : memref<!tpu.dma_semaphore, #tpu.memory_space<semaphore_mem>>) src(%dma_wait3A_302 : memref<48x144xf32, #tpu.memory_space<vmem>>) dst(%dma_wait3A_298 : memref<48x144xf32, #tpu.memory_space<vmem_shared>>)
      tpu.yield
    }) : () -> ()
    %mul3A_34 = arith.constant 625 : i32
    %mul3A_35 = arith.muli %arg1, %mul3A_34 : i32
    %add3A_36 = arith.constant 240 : i32
    %add3A_37 = arith.addi %mul3A_35, %add3A_36 : i32
    %run_scoped3A_38 = arith.constant 0 : i32
    "tpu.region"() ({
      %run_scoped3A_278 = tpu.sem_alloc : memref<!tpu.dma_semaphore, #tpu.memory_space<semaphore_mem>>
      %dma_start3A_279 = arith.constant 0 : i32
      %dma_start3A_280 = arith.constant 0 : i32
      %dma_start3A_281 = tpu.memref_slice %arg8[%run_scoped3A_38, %dma_start3A_279, %dma_start3A_280] : memref<2x48x144xf32, #tpu.memory_space<vmem>> -> memref<1x48x144xf32, #tpu.memory_space<vmem>>
      %dma_start3A_282 = tpu.memref_squeeze %dma_start3A_281 : memref<1x48x144xf32, #tpu.memory_space<vmem>> -> memref<48x144xf32, #tpu.memory_space<vmem>>
      %dma_start3A_283 = arith.constant 0 : i32
      %dma_start3A_284 = tpu.memref_slice %arg9[%add3A_37, %dma_start3A_283] : memref<10000x144xf32, #tpu.memory_space<vmem_shared>> -> memref<48x144xf32, #tpu.memory_space<vmem_shared>>
      %dma_start3A_285 = arith.constant 0 : i32
      %dma_start3A_286 = tpu.memref_slice %arg9[%add3A_37, %dma_start3A_285] : memref<10000x144xf32, #tpu.memory_space<vmem_shared>> -> memref<48x144xf32, #tpu.memory_space<vmem_shared>>
      %dma_start3A_287 = arith.constant 0 : i32
      %dma_start3A_288 = arith.constant 0 : i32
      %dma_start3A_289 = tpu.memref_slice %arg8[%run_scoped3A_38, %dma_start3A_287, %dma_start3A_288] : memref<2x48x144xf32, #tpu.memory_space<vmem>> -> memref<1x48x144xf32, #tpu.memory_space<vmem>>
      %dma_start3A_290 = tpu.memref_squeeze %dma_start3A_289 : memref<1x48x144xf32, #tpu.memory_space<vmem>> -> memref<48x144xf32, #tpu.memory_space<vmem>>
      tpu.enqueue_dma source(%dma_start3A_290 : memref<48x144xf32, #tpu.memory_space<vmem>>) target(%dma_start3A_286 : memref<48x144xf32, #tpu.memory_space<vmem_shared>>) target_semaphore(%run_scoped3A_278 : memref<!tpu.dma_semaphore, #tpu.memory_space<semaphore_mem>>)
      %dma_wait3A_291 = arith.constant 0 : i32
      %dma_wait3A_292 = arith.constant 0 : i32
      %dma_wait3A_293 = tpu.memref_slice %arg8[%run_scoped3A_38, %dma_wait3A_291, %dma_wait3A_292] : memref<2x48x144xf32, #tpu.memory_space<vmem>> -> memref<1x48x144xf32, #tpu.memory_space<vmem>>
      %dma_wait3A_294 = tpu.memref_squeeze %dma_wait3A_293 : memref<1x48x144xf32, #tpu.memory_space<vmem>> -> memref<48x144xf32, #tpu.memory_space<vmem>>
      %dma_wait3A_295 = arith.constant 0 : i32
      %dma_wait3A_296 = tpu.memref_slice %arg9[%add3A_37, %dma_wait3A_295] : memref<10000x144xf32, #tpu.memory_space<vmem_shared>> -> memref<48x144xf32, #tpu.memory_space<vmem_shared>>
      %dma_wait3A_297 = arith.constant 0 : i32
      %dma_wait3A_298 = tpu.memref_slice %arg9[%add3A_37, %dma_wait3A_297] : memref<10000x144xf32, #tpu.memory_space<vmem_shared>> -> memref<48x144xf32, #tpu.memory_space<vmem_shared>>
      %dma_wait3A_299 = arith.constant 0 : i32
      %dma_wait3A_300 = arith.constant 0 : i32
      %dma_wait3A_301 = tpu.memref_slice %arg8[%run_scoped3A_38, %dma_wait3A_299, %dma_wait3A_300] : memref<2x48x144xf32, #tpu.memory_space<vmem>> -> memref<1x48x144xf32, #tpu.memory_space<vmem>>
      %dma_wait3A_302 = tpu.memref_squeeze %dma_wait3A_301 : memref<1x48x144xf32, #tpu.memory_space<vmem>> -> memref<48x144xf32, #tpu.memory_space<vmem>>
      tpu.wait_dma2 semaphore(%run_scoped3A_278 : memref<!tpu.dma_semaphore, #tpu.memory_space<semaphore_mem>>) src(%dma_wait3A_302 : memref<48x144xf32, #tpu.memory_space<vmem>>) dst(%dma_wait3A_298 : memref<48x144xf32, #tpu.memory_space<vmem_shared>>)
      tpu.yield
    }) : () -> ()
    %mul3A_39 = arith.constant 625 : i32
    %mul3A_40 = arith.muli %arg1, %mul3A_39 : i32
    %add3A_41 = arith.constant 288 : i32
    %add3A_42 = arith.addi %mul3A_40, %add3A_41 : i32
    %run_scoped3A_43 = arith.constant 0 : i32
    "tpu.region"() ({
      %run_scoped3A_278 = tpu.sem_alloc : memref<!tpu.dma_semaphore, #tpu.memory_space<semaphore_mem>>
      %dma_start3A_279 = arith.constant 0 : i32
      %dma_start3A_280 = arith.constant 0 : i32
      %dma_start3A_281 = tpu.memref_slice %arg8[%run_scoped3A_43, %dma_start3A_279, %dma_start3A_280] : memref<2x48x144xf32, #tpu.memory_space<vmem>> -> memref<1x48x144xf32, #tpu.memory_space<vmem>>
      %dma_start3A_282 = tpu.memref_squeeze %dma_start3A_281 : memref<1x48x144xf32, #tpu.memory_space<vmem>> -> memref<48x144xf32, #tpu.memory_space<vmem>>
      %dma_start3A_283 = arith.constant 0 : i32
      %dma_start3A_284 = tpu.memref_slice %arg9[%add3A_42, %dma_start3A_283] : memref<10000x144xf32, #tpu.memory_space<vmem_shared>> -> memref<48x144xf32, #tpu.memory_space<vmem_shared>>
      %dma_start3A_285 = arith.constant 0 : i32
      %dma_start3A_286 = tpu.memref_slice %arg9[%add3A_42, %dma_start3A_285] : memref<10000x144xf32, #tpu.memory_space<vmem_shared>> -> memref<48x144xf32, #tpu.memory_space<vmem_shared>>
      %dma_start3A_287 = arith.constant 0 : i32
      %dma_start3A_288 = arith.constant 0 : i32
      %dma_start3A_289 = tpu.memref_slice %arg8[%run_scoped3A_43, %dma_start3A_287, %dma_start3A_288] : memref<2x48x144xf32, #tpu.memory_space<vmem>> -> memref<1x48x144xf32, #tpu.memory_space<vmem>>
      %dma_start3A_290 = tpu.memref_squeeze %dma_start3A_289 : memref<1x48x144xf32, #tpu.memory_space<vmem>> -> memref<48x144xf32, #tpu.memory_space<vmem>>
      tpu.enqueue_dma source(%dma_start3A_290 : memref<48x144xf32, #tpu.memory_space<vmem>>) target(%dma_start3A_286 : memref<48x144xf32, #tpu.memory_space<vmem_shared>>) target_semaphore(%run_scoped3A_278 : memref<!tpu.dma_semaphore, #tpu.memory_space<semaphore_mem>>)
      %dma_wait3A_291 = arith.constant 0 : i32
      %dma_wait3A_292 = arith.constant 0 : i32
      %dma_wait3A_293 = tpu.memref_slice %arg8[%run_scoped3A_43, %dma_wait3A_291, %dma_wait3A_292] : memref<2x48x144xf32, #tpu.memory_space<vmem>> -> memref<1x48x144xf32, #tpu.memory_space<vmem>>
      %dma_wait3A_294 = tpu.memref_squeeze %dma_wait3A_293 : memref<1x48x144xf32, #tpu.memory_space<vmem>> -> memref<48x144xf32, #tpu.memory_space<vmem>>
      %dma_wait3A_295 = arith.constant 0 : i32
      %dma_wait3A_296 = tpu.memref_slice %arg9[%add3A_42, %dma_wait3A_295] : memref<10000x144xf32, #tpu.memory_space<vmem_shared>> -> memref<48x144xf32, #tpu.memory_space<vmem_shared>>
      %dma_wait3A_297 = arith.constant 0 : i32
      %dma_wait3A_298 = tpu.memref_slice %arg9[%add3A_42, %dma_wait3A_297] : memref<10000x144xf32, #tpu.memory_space<vmem_shared>> -> memref<48x144xf32, #tpu.memory_space<vmem_shared>>
      %dma_wait3A_299 = arith.constant 0 : i32
      %dma_wait3A_300 = arith.constant 0 : i32
      %dma_wait3A_301 = tpu.memref_slice %arg8[%run_scoped3A_43, %dma_wait3A_299, %dma_wait3A_300] : memref<2x48x144xf32, #tpu.memory_space<vmem>> -> memref<1x48x144xf32, #tpu.memory_space<vmem>>
      %dma_wait3A_302 = tpu.memref_squeeze %dma_wait3A_301 : memref<1x48x144xf32, #tpu.memory_space<vmem>> -> memref<48x144xf32, #tpu.memory_space<vmem>>
      tpu.wait_dma2 semaphore(%run_scoped3A_278 : memref<!tpu.dma_semaphore, #tpu.memory_space<semaphore_mem>>) src(%dma_wait3A_302 : memref<48x144xf32, #tpu.memory_space<vmem>>) dst(%dma_wait3A_298 : memref<48x144xf32, #tpu.memory_space<vmem_shared>>)
      tpu.yield
    }) : () -> ()
    %mul3A_44 = arith.constant 625 : i32
    %mul3A_45 = arith.muli %arg1, %mul3A_44 : i32
    %add3A_46 = arith.constant 336 : i32
    %add3A_47 = arith.addi %mul3A_45, %add3A_46 : i32
    %run_scoped3A_48 = arith.constant 0 : i32
    "tpu.region"() ({
      %run_scoped3A_278 = tpu.sem_alloc : memref<!tpu.dma_semaphore, #tpu.memory_space<semaphore_mem>>
      %dma_start3A_279 = arith.constant 0 : i32
      %dma_start3A_280 = arith.constant 0 : i32
      %dma_start3A_281 = tpu.memref_slice %arg8[%run_scoped3A_48, %dma_start3A_279, %dma_start3A_280] : memref<2x48x144xf32, #tpu.memory_space<vmem>> -> memref<1x48x144xf32, #tpu.memory_space<vmem>>
      %dma_start3A_282 = tpu.memref_squeeze %dma_start3A_281 : memref<1x48x144xf32, #tpu.memory_space<vmem>> -> memref<48x144xf32, #tpu.memory_space<vmem>>
      %dma_start3A_283 = arith.constant 0 : i32
      %dma_start3A_284 = tpu.memref_slice %arg9[%add3A_47, %dma_start3A_283] : memref<10000x144xf32, #tpu.memory_space<vmem_shared>> -> memref<48x144xf32, #tpu.memory_space<vmem_shared>>
      %dma_start3A_285 = arith.constant 0 : i32
      %dma_start3A_286 = tpu.memref_slice %arg9[%add3A_47, %dma_start3A_285] : memref<10000x144xf32, #tpu.memory_space<vmem_shared>> -> memref<48x144xf32, #tpu.memory_space<vmem_shared>>
      %dma_start3A_287 = arith.constant 0 : i32
      %dma_start3A_288 = arith.constant 0 : i32
      %dma_start3A_289 = tpu.memref_slice %arg8[%run_scoped3A_48, %dma_start3A_287, %dma_start3A_288] : memref<2x48x144xf32, #tpu.memory_space<vmem>> -> memref<1x48x144xf32, #tpu.memory_space<vmem>>
      %dma_start3A_290 = tpu.memref_squeeze %dma_start3A_289 : memref<1x48x144xf32, #tpu.memory_space<vmem>> -> memref<48x144xf32, #tpu.memory_space<vmem>>
      tpu.enqueue_dma source(%dma_start3A_290 : memref<48x144xf32, #tpu.memory_space<vmem>>) target(%dma_start3A_286 : memref<48x144xf32, #tpu.memory_space<vmem_shared>>) target_semaphore(%run_scoped3A_278 : memref<!tpu.dma_semaphore, #tpu.memory_space<semaphore_mem>>)
      %dma_wait3A_291 = arith.constant 0 : i32
      %dma_wait3A_292 = arith.constant 0 : i32
      %dma_wait3A_293 = tpu.memref_slice %arg8[%run_scoped3A_48, %dma_wait3A_291, %dma_wait3A_292] : memref<2x48x144xf32, #tpu.memory_space<vmem>> -> memref<1x48x144xf32, #tpu.memory_space<vmem>>
      %dma_wait3A_294 = tpu.memref_squeeze %dma_wait3A_293 : memref<1x48x144xf32, #tpu.memory_space<vmem>> -> memref<48x144xf32, #tpu.memory_space<vmem>>
      %dma_wait3A_295 = arith.constant 0 : i32
      %dma_wait3A_296 = tpu.memref_slice %arg9[%add3A_47, %dma_wait3A_295] : memref<10000x144xf32, #tpu.memory_space<vmem_shared>> -> memref<48x144xf32, #tpu.memory_space<vmem_shared>>
      %dma_wait3A_297 = arith.constant 0 : i32
      %dma_wait3A_298 = tpu.memref_slice %arg9[%add3A_47, %dma_wait3A_297] : memref<10000x144xf32, #tpu.memory_space<vmem_shared>> -> memref<48x144xf32, #tpu.memory_space<vmem_shared>>
      %dma_wait3A_299 = arith.constant 0 : i32
      %dma_wait3A_300 = arith.constant 0 : i32
      %dma_wait3A_301 = tpu.memref_slice %arg8[%run_scoped3A_48, %dma_wait3A_299, %dma_wait3A_300] : memref<2x48x144xf32, #tpu.memory_space<vmem>> -> memref<1x48x144xf32, #tpu.memory_space<vmem>>
      %dma_wait3A_302 = tpu.memref_squeeze %dma_wait3A_301 : memref<1x48x144xf32, #tpu.memory_space<vmem>> -> memref<48x144xf32, #tpu.memory_space<vmem>>
      tpu.wait_dma2 semaphore(%run_scoped3A_278 : memref<!tpu.dma_semaphore, #tpu.memory_space<semaphore_mem>>) src(%dma_wait3A_302 : memref<48x144xf32, #tpu.memory_space<vmem>>) dst(%dma_wait3A_298 : memref<48x144xf32, #tpu.memory_space<vmem_shared>>)
      tpu.yield
    }) : () -> ()
    %mul3A_49 = arith.constant 625 : i32
    %mul3A_50 = arith.muli %arg1, %mul3A_49 : i32
    %add3A_51 = arith.constant 384 : i32
    %add3A_52 = arith.addi %mul3A_50, %add3A_51 : i32
    %run_scoped3A_53 = arith.constant 0 : i32
    "tpu.region"() ({
      %run_scoped3A_278 = tpu.sem_alloc : memref<!tpu.dma_semaphore, #tpu.memory_space<semaphore_mem>>
      %dma_start3A_279 = arith.constant 0 : i32
      %dma_start3A_280 = arith.constant 0 : i32
      %dma_start3A_281 = tpu.memref_slice %arg8[%run_scoped3A_53, %dma_start3A_279, %dma_start3A_280] : memref<2x48x144xf32, #tpu.memory_space<vmem>> -> memref<1x48x144xf32, #tpu.memory_space<vmem>>
      %dma_start3A_282 = tpu.memref_squeeze %dma_start3A_281 : memref<1x48x144xf32, #tpu.memory_space<vmem>> -> memref<48x144xf32, #tpu.memory_space<vmem>>
      %dma_start3A_283 = arith.constant 0 : i32
      %dma_start3A_284 = tpu.memref_slice %arg9[%add3A_52, %dma_start3A_283] : memref<10000x144xf32, #tpu.memory_space<vmem_shared>> -> memref<48x144xf32, #tpu.memory_space<vmem_shared>>
      %dma_start3A_285 = arith.constant 0 : i32
      %dma_start3A_286 = tpu.memref_slice %arg9[%add3A_52, %dma_start3A_285] : memref<10000x144xf32, #tpu.memory_space<vmem_shared>> -> memref<48x144xf32, #tpu.memory_space<vmem_shared>>
      %dma_start3A_287 = arith.constant 0 : i32
      %dma_start3A_288 = arith.constant 0 : i32
      %dma_start3A_289 = tpu.memref_slice %arg8[%run_scoped3A_53, %dma_start3A_287, %dma_start3A_288] : memref<2x48x144xf32, #tpu.memory_space<vmem>> -> memref<1x48x144xf32, #tpu.memory_space<vmem>>
      %dma_start3A_290 = tpu.memref_squeeze %dma_start3A_289 : memref<1x48x144xf32, #tpu.memory_space<vmem>> -> memref<48x144xf32, #tpu.memory_space<vmem>>
      tpu.enqueue_dma source(%dma_start3A_290 : memref<48x144xf32, #tpu.memory_space<vmem>>) target(%dma_start3A_286 : memref<48x144xf32, #tpu.memory_space<vmem_shared>>) target_semaphore(%run_scoped3A_278 : memref<!tpu.dma_semaphore, #tpu.memory_space<semaphore_mem>>)
      %dma_wait3A_291 = arith.constant 0 : i32
      %dma_wait3A_292 = arith.constant 0 : i32
      %dma_wait3A_293 = tpu.memref_slice %arg8[%run_scoped3A_53, %dma_wait3A_291, %dma_wait3A_292] : memref<2x48x144xf32, #tpu.memory_space<vmem>> -> memref<1x48x144xf32, #tpu.memory_space<vmem>>
      %dma_wait3A_294 = tpu.memref_squeeze %dma_wait3A_293 : memref<1x48x144xf32, #tpu.memory_space<vmem>> -> memref<48x144xf32, #tpu.memory_space<vmem>>
      %dma_wait3A_295 = arith.constant 0 : i32
      %dma_wait3A_296 = tpu.memref_slice %arg9[%add3A_52, %dma_wait3A_295] : memref<10000x144xf32, #tpu.memory_space<vmem_shared>> -> memref<48x144xf32, #tpu.memory_space<vmem_shared>>
      %dma_wait3A_297 = arith.constant 0 : i32
      %dma_wait3A_298 = tpu.memref_slice %arg9[%add3A_52, %dma_wait3A_297] : memref<10000x144xf32, #tpu.memory_space<vmem_shared>> -> memref<48x144xf32, #tpu.memory_space<vmem_shared>>
      %dma_wait3A_299 = arith.constant 0 : i32
      %dma_wait3A_300 = arith.constant 0 : i32
      %dma_wait3A_301 = tpu.memref_slice %arg8[%run_scoped3A_53, %dma_wait3A_299, %dma_wait3A_300] : memref<2x48x144xf32, #tpu.memory_space<vmem>> -> memref<1x48x144xf32, #tpu.memory_space<vmem>>
      %dma_wait3A_302 = tpu.memref_squeeze %dma_wait3A_301 : memref<1x48x144xf32, #tpu.memory_space<vmem>> -> memref<48x144xf32, #tpu.memory_space<vmem>>
      tpu.wait_dma2 semaphore(%run_scoped3A_278 : memref<!tpu.dma_semaphore, #tpu.memory_space<semaphore_mem>>) src(%dma_wait3A_302 : memref<48x144xf32, #tpu.memory_space<vmem>>) dst(%dma_wait3A_298 : memref<48x144xf32, #tpu.memory_space<vmem_shared>>)
      tpu.yield
    }) : () -> ()
    %mul3A_54 = arith.constant 625 : i32
    %mul3A_55 = arith.muli %arg1, %mul3A_54 : i32
    %add3A_56 = arith.constant 432 : i32
    %add3A_57 = arith.addi %mul3A_55, %add3A_56 : i32
    %run_scoped3A_58 = arith.constant 0 : i32
    "tpu.region"() ({
      %run_scoped3A_278 = tpu.sem_alloc : memref<!tpu.dma_semaphore, #tpu.memory_space<semaphore_mem>>
      %dma_start3A_279 = arith.constant 0 : i32
      %dma_start3A_280 = arith.constant 0 : i32
      %dma_start3A_281 = tpu.memref_slice %arg8[%run_scoped3A_58, %dma_start3A_279, %dma_start3A_280] : memref<2x48x144xf32, #tpu.memory_space<vmem>> -> memref<1x48x144xf32, #tpu.memory_space<vmem>>
      %dma_start3A_282 = tpu.memref_squeeze %dma_start3A_281 : memref<1x48x144xf32, #tpu.memory_space<vmem>> -> memref<48x144xf32, #tpu.memory_space<vmem>>
      %dma_start3A_283 = arith.constant 0 : i32
      %dma_start3A_284 = tpu.memref_slice %arg9[%add3A_57, %dma_start3A_283] : memref<10000x144xf32, #tpu.memory_space<vmem_shared>> -> memref<48x144xf32, #tpu.memory_space<vmem_shared>>
      %dma_start3A_285 = arith.constant 0 : i32
      %dma_start3A_286 = tpu.memref_slice %arg9[%add3A_57, %dma_start3A_285] : memref<10000x144xf32, #tpu.memory_space<vmem_shared>> -> memref<48x144xf32, #tpu.memory_space<vmem_shared>>
      %dma_start3A_287 = arith.constant 0 : i32
      %dma_start3A_288 = arith.constant 0 : i32
      %dma_start3A_289 = tpu.memref_slice %arg8[%run_scoped3A_58, %dma_start3A_287, %dma_start3A_288] : memref<2x48x144xf32, #tpu.memory_space<vmem>> -> memref<1x48x144xf32, #tpu.memory_space<vmem>>
      %dma_start3A_290 = tpu.memref_squeeze %dma_start3A_289 : memref<1x48x144xf32, #tpu.memory_space<vmem>> -> memref<48x144xf32, #tpu.memory_space<vmem>>
      tpu.enqueue_dma source(%dma_start3A_290 : memref<48x144xf32, #tpu.memory_space<vmem>>) target(%dma_start3A_286 : memref<48x144xf32, #tpu.memory_space<vmem_shared>>) target_semaphore(%run_scoped3A_278 : memref<!tpu.dma_semaphore, #tpu.memory_space<semaphore_mem>>)
      %dma_wait3A_291 = arith.constant 0 : i32
      %dma_wait3A_292 = arith.constant 0 : i32
      %dma_wait3A_293 = tpu.memref_slice %arg8[%run_scoped3A_58, %dma_wait3A_291, %dma_wait3A_292] : memref<2x48x144xf32, #tpu.memory_space<vmem>> -> memref<1x48x144xf32, #tpu.memory_space<vmem>>
      %dma_wait3A_294 = tpu.memref_squeeze %dma_wait3A_293 : memref<1x48x144xf32, #tpu.memory_space<vmem>> -> memref<48x144xf32, #tpu.memory_space<vmem>>
      %dma_wait3A_295 = arith.constant 0 : i32
      %dma_wait3A_296 = tpu.memref_slice %arg9[%add3A_57, %dma_wait3A_295] : memref<10000x144xf32, #tpu.memory_space<vmem_shared>> -> memref<48x144xf32, #tpu.memory_space<vmem_shared>>
      %dma_wait3A_297 = arith.constant 0 : i32
      %dma_wait3A_298 = tpu.memref_slice %arg9[%add3A_57, %dma_wait3A_297] : memref<10000x144xf32, #tpu.memory_space<vmem_shared>> -> memref<48x144xf32, #tpu.memory_space<vmem_shared>>
      %dma_wait3A_299 = arith.constant 0 : i32
      %dma_wait3A_300 = arith.constant 0 : i32
      %dma_wait3A_301 = tpu.memref_slice %arg8[%run_scoped3A_58, %dma_wait3A_299, %dma_wait3A_300] : memref<2x48x144xf32, #tpu.memory_space<vmem>> -> memref<1x48x144xf32, #tpu.memory_space<vmem>>
      %dma_wait3A_302 = tpu.memref_squeeze %dma_wait3A_301 : memref<1x48x144xf32, #tpu.memory_space<vmem>> -> memref<48x144xf32, #tpu.memory_space<vmem>>
      tpu.wait_dma2 semaphore(%run_scoped3A_278 : memref<!tpu.dma_semaphore, #tpu.memory_space<semaphore_mem>>) src(%dma_wait3A_302 : memref<48x144xf32, #tpu.memory_space<vmem>>) dst(%dma_wait3A_298 : memref<48x144xf32, #tpu.memory_space<vmem_shared>>)
      tpu.yield
    }) : () -> ()
    %mul3A_59 = arith.constant 625 : i32
    %mul3A_60 = arith.muli %arg1, %mul3A_59 : i32
    %add3A_61 = arith.constant 480 : i32
    %add3A_62 = arith.addi %mul3A_60, %add3A_61 : i32
    %run_scoped3A_63 = arith.constant 0 : i32
    "tpu.region"() ({
      %run_scoped3A_278 = tpu.sem_alloc : memref<!tpu.dma_semaphore, #tpu.memory_space<semaphore_mem>>
      %dma_start3A_279 = arith.constant 0 : i32
      %dma_start3A_280 = arith.constant 0 : i32
      %dma_start3A_281 = tpu.memref_slice %arg8[%run_scoped3A_63, %dma_start3A_279, %dma_start3A_280] : memref<2x48x144xf32, #tpu.memory_space<vmem>> -> memref<1x48x144xf32, #tpu.memory_space<vmem>>
      %dma_start3A_282 = tpu.memref_squeeze %dma_start3A_281 : memref<1x48x144xf32, #tpu.memory_space<vmem>> -> memref<48x144xf32, #tpu.memory_space<vmem>>
      %dma_start3A_283 = arith.constant 0 : i32
      %dma_start3A_284 = tpu.memref_slice %arg9[%add3A_62, %dma_start3A_283] : memref<10000x144xf32, #tpu.memory_space<vmem_shared>> -> memref<48x144xf32, #tpu.memory_space<vmem_shared>>
      %dma_start3A_285 = arith.constant 0 : i32
      %dma_start3A_286 = tpu.memref_slice %arg9[%add3A_62, %dma_start3A_285] : memref<10000x144xf32, #tpu.memory_space<vmem_shared>> -> memref<48x144xf32, #tpu.memory_space<vmem_shared>>
      %dma_start3A_287 = arith.constant 0 : i32
      %dma_start3A_288 = arith.constant 0 : i32
      %dma_start3A_289 = tpu.memref_slice %arg8[%run_scoped3A_63, %dma_start3A_287, %dma_start3A_288] : memref<2x48x144xf32, #tpu.memory_space<vmem>> -> memref<1x48x144xf32, #tpu.memory_space<vmem>>
      %dma_start3A_290 = tpu.memref_squeeze %dma_start3A_289 : memref<1x48x144xf32, #tpu.memory_space<vmem>> -> memref<48x144xf32, #tpu.memory_space<vmem>>
      tpu.enqueue_dma source(%dma_start3A_290 : memref<48x144xf32, #tpu.memory_space<vmem>>) target(%dma_start3A_286 : memref<48x144xf32, #tpu.memory_space<vmem_shared>>) target_semaphore(%run_scoped3A_278 : memref<!tpu.dma_semaphore, #tpu.memory_space<semaphore_mem>>)
      %dma_wait3A_291 = arith.constant 0 : i32
      %dma_wait3A_292 = arith.constant 0 : i32
      %dma_wait3A_293 = tpu.memref_slice %arg8[%run_scoped3A_63, %dma_wait3A_291, %dma_wait3A_292] : memref<2x48x144xf32, #tpu.memory_space<vmem>> -> memref<1x48x144xf32, #tpu.memory_space<vmem>>
      %dma_wait3A_294 = tpu.memref_squeeze %dma_wait3A_293 : memref<1x48x144xf32, #tpu.memory_space<vmem>> -> memref<48x144xf32, #tpu.memory_space<vmem>>
      %dma_wait3A_295 = arith.constant 0 : i32
      %dma_wait3A_296 = tpu.memref_slice %arg9[%add3A_62, %dma_wait3A_295] : memref<10000x144xf32, #tpu.memory_space<vmem_shared>> -> memref<48x144xf32, #tpu.memory_space<vmem_shared>>
      %dma_wait3A_297 = arith.constant 0 : i32
      %dma_wait3A_298 = tpu.memref_slice %arg9[%add3A_62, %dma_wait3A_297] : memref<10000x144xf32, #tpu.memory_space<vmem_shared>> -> memref<48x144xf32, #tpu.memory_space<vmem_shared>>
      %dma_wait3A_299 = arith.constant 0 : i32
      %dma_wait3A_300 = arith.constant 0 : i32
      %dma_wait3A_301 = tpu.memref_slice %arg8[%run_scoped3A_63, %dma_wait3A_299, %dma_wait3A_300] : memref<2x48x144xf32, #tpu.memory_space<vmem>> -> memref<1x48x144xf32, #tpu.memory_space<vmem>>
      %dma_wait3A_302 = tpu.memref_squeeze %dma_wait3A_301 : memref<1x48x144xf32, #tpu.memory_space<vmem>> -> memref<48x144xf32, #tpu.memory_space<vmem>>
      tpu.wait_dma2 semaphore(%run_scoped3A_278 : memref<!tpu.dma_semaphore, #tpu.memory_space<semaphore_mem>>) src(%dma_wait3A_302 : memref<48x144xf32, #tpu.memory_space<vmem>>) dst(%dma_wait3A_298 : memref<48x144xf32, #tpu.memory_space<vmem_shared>>)
      tpu.yield
    }) : () -> ()
    %mul3A_64 = arith.constant 625 : i32
    %mul3A_65 = arith.muli %arg1, %mul3A_64 : i32
    %add3A_66 = arith.constant 528 : i32
    %add3A_67 = arith.addi %mul3A_65, %add3A_66 : i32
    %run_scoped3A_68 = arith.constant 0 : i32
    "tpu.region"() ({
      %run_scoped3A_278 = tpu.sem_alloc : memref<!tpu.dma_semaphore, #tpu.memory_space<semaphore_mem>>
      %dma_start3A_279 = arith.constant 0 : i32
      %dma_start3A_280 = arith.constant 0 : i32
      %dma_start3A_281 = tpu.memref_slice %arg8[%run_scoped3A_68, %dma_start3A_279, %dma_start3A_280] : memref<2x48x144xf32, #tpu.memory_space<vmem>> -> memref<1x48x144xf32, #tpu.memory_space<vmem>>
      %dma_start3A_282 = tpu.memref_squeeze %dma_start3A_281 : memref<1x48x144xf32, #tpu.memory_space<vmem>> -> memref<48x144xf32, #tpu.memory_space<vmem>>
      %dma_start3A_283 = arith.constant 0 : i32
      %dma_start3A_284 = tpu.memref_slice %arg9[%add3A_67, %dma_start3A_283] : memref<10000x144xf32, #tpu.memory_space<vmem_shared>> -> memref<48x144xf32, #tpu.memory_space<vmem_shared>>
      %dma_start3A_285 = arith.constant 0 : i32
      %dma_start3A_286 = tpu.memref_slice %arg9[%add3A_67, %dma_start3A_285] : memref<10000x144xf32, #tpu.memory_space<vmem_shared>> -> memref<48x144xf32, #tpu.memory_space<vmem_shared>>
      %dma_start3A_287 = arith.constant 0 : i32
      %dma_start3A_288 = arith.constant 0 : i32
      %dma_start3A_289 = tpu.memref_slice %arg8[%run_scoped3A_68, %dma_start3A_287, %dma_start3A_288] : memref<2x48x144xf32, #tpu.memory_space<vmem>> -> memref<1x48x144xf32, #tpu.memory_space<vmem>>
      %dma_start3A_290 = tpu.memref_squeeze %dma_start3A_289 : memref<1x48x144xf32, #tpu.memory_space<vmem>> -> memref<48x144xf32, #tpu.memory_space<vmem>>
      tpu.enqueue_dma source(%dma_start3A_290 : memref<48x144xf32, #tpu.memory_space<vmem>>) target(%dma_start3A_286 : memref<48x144xf32, #tpu.memory_space<vmem_shared>>) target_semaphore(%run_scoped3A_278 : memref<!tpu.dma_semaphore, #tpu.memory_space<semaphore_mem>>)
      %dma_wait3A_291 = arith.constant 0 : i32
      %dma_wait3A_292 = arith.constant 0 : i32
      %dma_wait3A_293 = tpu.memref_slice %arg8[%run_scoped3A_68, %dma_wait3A_291, %dma_wait3A_292] : memref<2x48x144xf32, #tpu.memory_space<vmem>> -> memref<1x48x144xf32, #tpu.memory_space<vmem>>
      %dma_wait3A_294 = tpu.memref_squeeze %dma_wait3A_293 : memref<1x48x144xf32, #tpu.memory_space<vmem>> -> memref<48x144xf32, #tpu.memory_space<vmem>>
      %dma_wait3A_295 = arith.constant 0 : i32
      %dma_wait3A_296 = tpu.memref_slice %arg9[%add3A_67, %dma_wait3A_295] : memref<10000x144xf32, #tpu.memory_space<vmem_shared>> -> memref<48x144xf32, #tpu.memory_space<vmem_shared>>
      %dma_wait3A_297 = arith.constant 0 : i32
      %dma_wait3A_298 = tpu.memref_slice %arg9[%add3A_67, %dma_wait3A_297] : memref<10000x144xf32, #tpu.memory_space<vmem_shared>> -> memref<48x144xf32, #tpu.memory_space<vmem_shared>>
      %dma_wait3A_299 = arith.constant 0 : i32
      %dma_wait3A_300 = arith.constant 0 : i32
      %dma_wait3A_301 = tpu.memref_slice %arg8[%run_scoped3A_68, %dma_wait3A_299, %dma_wait3A_300] : memref<2x48x144xf32, #tpu.memory_space<vmem>> -> memref<1x48x144xf32, #tpu.memory_space<vmem>>
      %dma_wait3A_302 = tpu.memref_squeeze %dma_wait3A_301 : memref<1x48x144xf32, #tpu.memory_space<vmem>> -> memref<48x144xf32, #tpu.memory_space<vmem>>
      tpu.wait_dma2 semaphore(%run_scoped3A_278 : memref<!tpu.dma_semaphore, #tpu.memory_space<semaphore_mem>>) src(%dma_wait3A_302 : memref<48x144xf32, #tpu.memory_space<vmem>>) dst(%dma_wait3A_298 : memref<48x144xf32, #tpu.memory_space<vmem_shared>>)
      tpu.yield
    }) : () -> ()
    %mul3A_69 = arith.constant 625 : i32
    %mul3A_70 = arith.muli %arg1, %mul3A_69 : i32
    %add3A_71 = arith.constant 576 : i32
    %add3A_72 = arith.addi %mul3A_70, %add3A_71 : i32
    %run_scoped3A_73 = arith.constant 0 : i32
    "tpu.region"() ({
      %run_scoped3A_278 = tpu.sem_alloc : memref<!tpu.dma_semaphore, #tpu.memory_space<semaphore_mem>>
      %dma_start3A_279 = arith.constant 0 : i32
      %dma_start3A_280 = arith.constant 0 : i32
      %dma_start3A_281 = tpu.memref_slice %arg8[%run_scoped3A_73, %dma_start3A_279, %dma_start3A_280] : memref<2x48x144xf32, #tpu.memory_space<vmem>> -> memref<1x48x144xf32, #tpu.memory_space<vmem>>
      %dma_start3A_282 = tpu.memref_squeeze %dma_start3A_281 : memref<1x48x144xf32, #tpu.memory_space<vmem>> -> memref<48x144xf32, #tpu.memory_space<vmem>>
      %dma_start3A_283 = arith.constant 0 : i32
      %dma_start3A_284 = tpu.memref_slice %arg9[%add3A_72, %dma_start3A_283] : memref<10000x144xf32, #tpu.memory_space<vmem_shared>> -> memref<48x144xf32, #tpu.memory_space<vmem_shared>>
      %dma_start3A_285 = arith.constant 0 : i32
      %dma_start3A_286 = tpu.memref_slice %arg9[%add3A_72, %dma_start3A_285] : memref<10000x144xf32, #tpu.memory_space<vmem_shared>> -> memref<48x144xf32, #tpu.memory_space<vmem_shared>>
      %dma_start3A_287 = arith.constant 0 : i32
      %dma_start3A_288 = arith.constant 0 : i32
      %dma_start3A_289 = tpu.memref_slice %arg8[%run_scoped3A_73, %dma_start3A_287, %dma_start3A_288] : memref<2x48x144xf32, #tpu.memory_space<vmem>> -> memref<1x48x144xf32, #tpu.memory_space<vmem>>
      %dma_start3A_290 = tpu.memref_squeeze %dma_start3A_289 : memref<1x48x144xf32, #tpu.memory_space<vmem>> -> memref<48x144xf32, #tpu.memory_space<vmem>>
      tpu.enqueue_dma source(%dma_start3A_290 : memref<48x144xf32, #tpu.memory_space<vmem>>) target(%dma_start3A_286 : memref<48x144xf32, #tpu.memory_space<vmem_shared>>) target_semaphore(%run_scoped3A_278 : memref<!tpu.dma_semaphore, #tpu.memory_space<semaphore_mem>>)
      %dma_wait3A_291 = arith.constant 0 : i32
      %dma_wait3A_292 = arith.constant 0 : i32
      %dma_wait3A_293 = tpu.memref_slice %arg8[%run_scoped3A_73, %dma_wait3A_291, %dma_wait3A_292] : memref<2x48x144xf32, #tpu.memory_space<vmem>> -> memref<1x48x144xf32, #tpu.memory_space<vmem>>
      %dma_wait3A_294 = tpu.memref_squeeze %dma_wait3A_293 : memref<1x48x144xf32, #tpu.memory_space<vmem>> -> memref<48x144xf32, #tpu.memory_space<vmem>>
      %dma_wait3A_295 = arith.constant 0 : i32
      %dma_wait3A_296 = tpu.memref_slice %arg9[%add3A_72, %dma_wait3A_295] : memref<10000x144xf32, #tpu.memory_space<vmem_shared>> -> memref<48x144xf32, #tpu.memory_space<vmem_shared>>
      %dma_wait3A_297 = arith.constant 0 : i32
      %dma_wait3A_298 = tpu.memref_slice %arg9[%add3A_72, %dma_wait3A_297] : memref<10000x144xf32, #tpu.memory_space<vmem_shared>> -> memref<48x144xf32, #tpu.memory_space<vmem_shared>>
      %dma_wait3A_299 = arith.constant 0 : i32
      %dma_wait3A_300 = arith.constant 0 : i32
      %dma_wait3A_301 = tpu.memref_slice %arg8[%run_scoped3A_73, %dma_wait3A_299, %dma_wait3A_300] : memref<2x48x144xf32, #tpu.memory_space<vmem>> -> memref<1x48x144xf32, #tpu.memory_space<vmem>>
      %dma_wait3A_302 = tpu.memref_squeeze %dma_wait3A_301 : memref<1x48x144xf32, #tpu.memory_space<vmem>> -> memref<48x144xf32, #tpu.memory_space<vmem>>
      tpu.wait_dma2 semaphore(%run_scoped3A_278 : memref<!tpu.dma_semaphore, #tpu.memory_space<semaphore_mem>>) src(%dma_wait3A_302 : memref<48x144xf32, #tpu.memory_space<vmem>>) dst(%dma_wait3A_298 : memref<48x144xf32, #tpu.memory_space<vmem_shared>>)
      tpu.yield
    }) : () -> ()
    %mul3A_74 = arith.constant 625 : i32
    %mul3A_75 = arith.muli %arg1, %mul3A_74 : i32
    %add3A_76 = arith.constant 624 : i32
    %add3A_77 = arith.addi %mul3A_75, %add3A_76 : i32
    %run_scoped3A_78 = arith.constant 0 : i32
    "tpu.region"() ({
      %run_scoped3A_278 = tpu.sem_alloc : memref<!tpu.dma_semaphore, #tpu.memory_space<semaphore_mem>>
      %dma_start3A_279 = arith.constant 0 : i32
      %dma_start3A_280 = arith.constant 0 : i32
      %dma_start3A_281 = tpu.memref_slice %arg8[%run_scoped3A_78, %dma_start3A_279, %dma_start3A_280] : memref<2x48x144xf32, #tpu.memory_space<vmem>> -> memref<1x1x144xf32, #tpu.memory_space<vmem>>
      %dma_start3A_282 = tpu.memref_squeeze %dma_start3A_281 : memref<1x1x144xf32, #tpu.memory_space<vmem>> -> memref<1x144xf32, #tpu.memory_space<vmem>>
      %dma_start3A_283 = arith.constant 0 : i32
      %dma_start3A_284 = tpu.memref_slice %arg9[%add3A_77, %dma_start3A_283] : memref<10000x144xf32, #tpu.memory_space<vmem_shared>> -> memref<1x144xf32, #tpu.memory_space<vmem_shared>>
      %dma_start3A_285 = arith.constant 0 : i32
      %dma_start3A_286 = tpu.memref_slice %arg9[%add3A_77, %dma_start3A_285] : memref<10000x144xf32, #tpu.memory_space<vmem_shared>> -> memref<1x144xf32, #tpu.memory_space<vmem_shared>>
      %dma_start3A_287 = arith.constant 0 : i32
      %dma_start3A_288 = arith.constant 0 : i32
      %dma_start3A_289 = tpu.memref_slice %arg8[%run_scoped3A_78, %dma_start3A_287, %dma_start3A_288] : memref<2x48x144xf32, #tpu.memory_space<vmem>> -> memref<1x1x144xf32, #tpu.memory_space<vmem>>
      %dma_start3A_290 = tpu.memref_squeeze %dma_start3A_289 : memref<1x1x144xf32, #tpu.memory_space<vmem>> -> memref<1x144xf32, #tpu.memory_space<vmem>>
      tpu.enqueue_dma source(%dma_start3A_290 : memref<1x144xf32, #tpu.memory_space<vmem>>) target(%dma_start3A_286 : memref<1x144xf32, #tpu.memory_space<vmem_shared>>) target_semaphore(%run_scoped3A_278 : memref<!tpu.dma_semaphore, #tpu.memory_space<semaphore_mem>>)
      %dma_wait3A_291 = arith.constant 0 : i32
      %dma_wait3A_292 = arith.constant 0 : i32
      %dma_wait3A_293 = tpu.memref_slice %arg8[%run_scoped3A_78, %dma_wait3A_291, %dma_wait3A_292] : memref<2x48x144xf32, #tpu.memory_space<vmem>> -> memref<1x1x144xf32, #tpu.memory_space<vmem>>
      %dma_wait3A_294 = tpu.memref_squeeze %dma_wait3A_293 : memref<1x1x144xf32, #tpu.memory_space<vmem>> -> memref<1x144xf32, #tpu.memory_space<vmem>>
      %dma_wait3A_295 = arith.constant 0 : i32
      %dma_wait3A_296 = tpu.memref_slice %arg9[%add3A_77, %dma_wait3A_295] : memref<10000x144xf32, #tpu.memory_space<vmem_shared>> -> memref<1x144xf32, #tpu.memory_space<vmem_shared>>
      %dma_wait3A_297 = arith.constant 0 : i32
      %dma_wait3A_298 = tpu.memref_slice %arg9[%add3A_77, %dma_wait3A_297] : memref<10000x144xf32, #tpu.memory_space<vmem_shared>> -> memref<1x144xf32, #tpu.memory_space<vmem_shared>>
      %dma_wait3A_299 = arith.constant 0 : i32
      %dma_wait3A_300 = arith.constant 0 : i32
      %dma_wait3A_301 = tpu.memref_slice %arg8[%run_scoped3A_78, %dma_wait3A_299, %dma_wait3A_300] : memref<2x48x144xf32, #tpu.memory_space<vmem>> -> memref<1x1x144xf32, #tpu.memory_space<vmem>>
      %dma_wait3A_302 = tpu.memref_squeeze %dma_wait3A_301 : memref<1x1x144xf32, #tpu.memory_space<vmem>> -> memref<1x144xf32, #tpu.memory_space<vmem>>
      tpu.wait_dma2 semaphore(%run_scoped3A_278 : memref<!tpu.dma_semaphore, #tpu.memory_space<semaphore_mem>>) src(%dma_wait3A_302 : memref<1x144xf32, #tpu.memory_space<vmem>>) dst(%dma_wait3A_298 : memref<1x144xf32, #tpu.memory_space<vmem_shared>>)
      tpu.yield
    }) : () -> ()
    %barrier3A = arith.constant 0 : index
    tpu.barrier barrier_id(%barrier3A)
    %dma_start3A = arith.constant 0 : i32
    %dma_start3A_79 = arith.constant 0 : i32
    %dma_start3A_80 = arith.constant 0 : i32
    %dma_start3A_81 = arith.constant 0 : i32
    %dma_start3A_82 = tpu.memref_slice %arg5[%dma_start3A_79, %dma_start3A_80, %dma_start3A_81] : memref<4x3x48xi32, #tpu.memory_space<vmem>> -> memref<1x3x48xi32, #tpu.memory_space<vmem>>
    %dma_start3A_83 = tpu.memref_squeeze %dma_start3A_82 : memref<1x3x48xi32, #tpu.memory_space<vmem>> -> memref<3x48xi32, #tpu.memory_space<vmem>>
    %dma_start3A_84 = arith.constant 0 : i32
    %dma_start3A_85 = arith.constant 0 : i32
    %dma_start3A_86 = tpu.memref_slice %arg3[%add3A, %dma_start3A, %dma_start3A_84, %dma_start3A_85] : memref<32x212x3x48xi32, #tpu.memory_space<hbm>> -> memref<1x1x3x48xi32, #tpu.memory_space<hbm>>
    %dma_start3A_87 = tpu.memref_squeeze %dma_start3A_86 : memref<1x1x3x48xi32, #tpu.memory_space<hbm>> -> memref<3x48xi32, #tpu.memory_space<hbm>>
    %dma_start3A_88 = arith.constant 0 : i32
    %dma_start3A_89 = arith.constant 0 : i32
    %dma_start3A_90 = tpu.memref_slice %arg5[%dma_start3A_79, %dma_start3A_88, %dma_start3A_89] : memref<4x3x48xi32, #tpu.memory_space<vmem>> -> memref<1x3x48xi32, #tpu.memory_space<vmem>>
    %dma_start3A_91 = tpu.memref_squeeze %dma_start3A_90 : memref<1x3x48xi32, #tpu.memory_space<vmem>> -> memref<3x48xi32, #tpu.memory_space<vmem>>
    %dma_start3A_92 = arith.constant 0 : i32
    %dma_start3A_93 = arith.constant 0 : i32
    %dma_start3A_94 = tpu.memref_slice %arg3[%add3A, %dma_start3A, %dma_start3A_92, %dma_start3A_93] : memref<32x212x3x48xi32, #tpu.memory_space<hbm>> -> memref<1x1x3x48xi32, #tpu.memory_space<hbm>>
    %dma_start3A_95 = tpu.memref_squeeze %dma_start3A_94 : memref<1x1x3x48xi32, #tpu.memory_space<hbm>> -> memref<3x48xi32, #tpu.memory_space<hbm>>
    tpu.enqueue_dma source(%dma_start3A_95 : memref<3x48xi32, #tpu.memory_space<hbm>>) target(%dma_start3A_91 : memref<3x48xi32, #tpu.memory_space<vmem>>) target_semaphore(%arg16 : memref<!tpu.dma_semaphore, #tpu.memory_space<semaphore_mem>>)
    %dma_start3A_96 = arith.constant 1 : i32
    %dma_start3A_97 = arith.constant 1 : i32
    %dma_start3A_98 = arith.constant 0 : i32
    %dma_start3A_99 = arith.constant 0 : i32
    %dma_start3A_100 = tpu.memref_slice %arg5[%dma_start3A_97, %dma_start3A_98, %dma_start3A_99] : memref<4x3x48xi32, #tpu.memory_space<vmem>> -> memref<1x3x48xi32, #tpu.memory_space<vmem>>
    %dma_start3A_101 = tpu.memref_squeeze %dma_start3A_100 : memref<1x3x48xi32, #tpu.memory_space<vmem>> -> memref<3x48xi32, #tpu.memory_space<vmem>>
    %dma_start3A_102 = arith.constant 0 : i32
    %dma_start3A_103 = arith.constant 0 : i32
    %dma_start3A_104 = tpu.memref_slice %arg3[%add3A, %dma_start3A_96, %dma_start3A_102, %dma_start3A_103] : memref<32x212x3x48xi32, #tpu.memory_space<hbm>> -> memref<1x1x3x48xi32, #tpu.memory_space<hbm>>
    %dma_start3A_105 = tpu.memref_squeeze %dma_start3A_104 : memref<1x1x3x48xi32, #tpu.memory_space<hbm>> -> memref<3x48xi32, #tpu.memory_space<hbm>>
    %dma_start3A_106 = arith.constant 0 : i32
    %dma_start3A_107 = arith.constant 0 : i32
    %dma_start3A_108 = tpu.memref_slice %arg5[%dma_start3A_97, %dma_start3A_106, %dma_start3A_107] : memref<4x3x48xi32, #tpu.memory_space<vmem>> -> memref<1x3x48xi32, #tpu.memory_space<vmem>>
    %dma_start3A_109 = tpu.memref_squeeze %dma_start3A_108 : memref<1x3x48xi32, #tpu.memory_space<vmem>> -> memref<3x48xi32, #tpu.memory_space<vmem>>
    %dma_start3A_110 = arith.constant 0 : i32
    %dma_start3A_111 = arith.constant 0 : i32
    %dma_start3A_112 = tpu.memref_slice %arg3[%add3A, %dma_start3A_96, %dma_start3A_110, %dma_start3A_111] : memref<32x212x3x48xi32, #tpu.memory_space<hbm>> -> memref<1x1x3x48xi32, #tpu.memory_space<hbm>>
    %dma_start3A_113 = tpu.memref_squeeze %dma_start3A_112 : memref<1x1x3x48xi32, #tpu.memory_space<hbm>> -> memref<3x48xi32, #tpu.memory_space<hbm>>
    tpu.enqueue_dma source(%dma_start3A_113 : memref<3x48xi32, #tpu.memory_space<hbm>>) target(%dma_start3A_109 : memref<3x48xi32, #tpu.memory_space<vmem>>) target_semaphore(%arg17 : memref<!tpu.dma_semaphore, #tpu.memory_space<semaphore_mem>>)
    %dma_start3A_114 = arith.constant 2 : i32
    %dma_start3A_115 = arith.constant 2 : i32
    %dma_start3A_116 = arith.constant 0 : i32
    %dma_start3A_117 = arith.constant 0 : i32
    %dma_start3A_118 = tpu.memref_slice %arg5[%dma_start3A_115, %dma_start3A_116, %dma_start3A_117] : memref<4x3x48xi32, #tpu.memory_space<vmem>> -> memref<1x3x48xi32, #tpu.memory_space<vmem>>
    %dma_start3A_119 = tpu.memref_squeeze %dma_start3A_118 : memref<1x3x48xi32, #tpu.memory_space<vmem>> -> memref<3x48xi32, #tpu.memory_space<vmem>>
    %dma_start3A_120 = arith.constant 0 : i32
    %dma_start3A_121 = arith.constant 0 : i32
    %dma_start3A_122 = tpu.memref_slice %arg3[%add3A, %dma_start3A_114, %dma_start3A_120, %dma_start3A_121] : memref<32x212x3x48xi32, #tpu.memory_space<hbm>> -> memref<1x1x3x48xi32, #tpu.memory_space<hbm>>
    %dma_start3A_123 = tpu.memref_squeeze %dma_start3A_122 : memref<1x1x3x48xi32, #tpu.memory_space<hbm>> -> memref<3x48xi32, #tpu.memory_space<hbm>>
    %dma_start3A_124 = arith.constant 0 : i32
    %dma_start3A_125 = arith.constant 0 : i32
    %dma_start3A_126 = tpu.memref_slice %arg5[%dma_start3A_115, %dma_start3A_124, %dma_start3A_125] : memref<4x3x48xi32, #tpu.memory_space<vmem>> -> memref<1x3x48xi32, #tpu.memory_space<vmem>>
    %dma_start3A_127 = tpu.memref_squeeze %dma_start3A_126 : memref<1x3x48xi32, #tpu.memory_space<vmem>> -> memref<3x48xi32, #tpu.memory_space<vmem>>
    %dma_start3A_128 = arith.constant 0 : i32
    %dma_start3A_129 = arith.constant 0 : i32
    %dma_start3A_130 = tpu.memref_slice %arg3[%add3A, %dma_start3A_114, %dma_start3A_128, %dma_start3A_129] : memref<32x212x3x48xi32, #tpu.memory_space<hbm>> -> memref<1x1x3x48xi32, #tpu.memory_space<hbm>>
    %dma_start3A_131 = tpu.memref_squeeze %dma_start3A_130 : memref<1x1x3x48xi32, #tpu.memory_space<hbm>> -> memref<3x48xi32, #tpu.memory_space<hbm>>
    tpu.enqueue_dma source(%dma_start3A_131 : memref<3x48xi32, #tpu.memory_space<hbm>>) target(%dma_start3A_127 : memref<3x48xi32, #tpu.memory_space<vmem>>) target_semaphore(%arg18 : memref<!tpu.dma_semaphore, #tpu.memory_space<semaphore_mem>>)
    %dma_start3A_132 = arith.constant 3 : i32
    %dma_start3A_133 = arith.constant 3 : i32
    %dma_start3A_134 = arith.constant 0 : i32
    %dma_start3A_135 = arith.constant 0 : i32
    %dma_start3A_136 = tpu.memref_slice %arg5[%dma_start3A_133, %dma_start3A_134, %dma_start3A_135] : memref<4x3x48xi32, #tpu.memory_space<vmem>> -> memref<1x3x48xi32, #tpu.memory_space<vmem>>
    %dma_start3A_137 = tpu.memref_squeeze %dma_start3A_136 : memref<1x3x48xi32, #tpu.memory_space<vmem>> -> memref<3x48xi32, #tpu.memory_space<vmem>>
    %dma_start3A_138 = arith.constant 0 : i32
    %dma_start3A_139 = arith.constant 0 : i32
    %dma_start3A_140 = tpu.memref_slice %arg3[%add3A, %dma_start3A_132, %dma_start3A_138, %dma_start3A_139] : memref<32x212x3x48xi32, #tpu.memory_space<hbm>> -> memref<1x1x3x48xi32, #tpu.memory_space<hbm>>
    %dma_start3A_141 = tpu.memref_squeeze %dma_start3A_140 : memref<1x1x3x48xi32, #tpu.memory_space<hbm>> -> memref<3x48xi32, #tpu.memory_space<hbm>>
    %dma_start3A_142 = arith.constant 0 : i32
    %dma_start3A_143 = arith.constant 0 : i32
    %dma_start3A_144 = tpu.memref_slice %arg5[%dma_start3A_133, %dma_start3A_142, %dma_start3A_143] : memref<4x3x48xi32, #tpu.memory_space<vmem>> -> memref<1x3x48xi32, #tpu.memory_space<vmem>>
    %dma_start3A_145 = tpu.memref_squeeze %dma_start3A_144 : memref<1x3x48xi32, #tpu.memory_space<vmem>> -> memref<3x48xi32, #tpu.memory_space<vmem>>
    %dma_start3A_146 = arith.constant 0 : i32
    %dma_start3A_147 = arith.constant 0 : i32
    %dma_start3A_148 = tpu.memref_slice %arg3[%add3A, %dma_start3A_132, %dma_start3A_146, %dma_start3A_147] : memref<32x212x3x48xi32, #tpu.memory_space<hbm>> -> memref<1x1x3x48xi32, #tpu.memory_space<hbm>>
    %dma_start3A_149 = tpu.memref_squeeze %dma_start3A_148 : memref<1x1x3x48xi32, #tpu.memory_space<hbm>> -> memref<3x48xi32, #tpu.memory_space<hbm>>
    tpu.enqueue_dma source(%dma_start3A_149 : memref<3x48xi32, #tpu.memory_space<hbm>>) target(%dma_start3A_145 : memref<3x48xi32, #tpu.memory_space<vmem>>) target_semaphore(%arg19 : memref<!tpu.dma_semaphore, #tpu.memory_space<semaphore_mem>>)
    %dma_wait3A = arith.constant 0 : i32
    %dma_wait3A_150 = arith.constant 0 : i32
    %dma_wait3A_151 = arith.constant 0 : i32
    %dma_wait3A_152 = arith.constant 0 : i32
    %dma_wait3A_153 = tpu.memref_slice %arg5[%dma_wait3A_150, %dma_wait3A_151, %dma_wait3A_152] : memref<4x3x48xi32, #tpu.memory_space<vmem>> -> memref<1x3x48xi32, #tpu.memory_space<vmem>>
    %dma_wait3A_154 = tpu.memref_squeeze %dma_wait3A_153 : memref<1x3x48xi32, #tpu.memory_space<vmem>> -> memref<3x48xi32, #tpu.memory_space<vmem>>
    %dma_wait3A_155 = arith.constant 0 : i32
    %dma_wait3A_156 = arith.constant 0 : i32
    %dma_wait3A_157 = tpu.memref_slice %arg3[%add3A, %dma_wait3A, %dma_wait3A_155, %dma_wait3A_156] : memref<32x212x3x48xi32, #tpu.memory_space<hbm>> -> memref<1x1x3x48xi32, #tpu.memory_space<hbm>>
    %dma_wait3A_158 = tpu.memref_squeeze %dma_wait3A_157 : memref<1x1x3x48xi32, #tpu.memory_space<hbm>> -> memref<3x48xi32, #tpu.memory_space<hbm>>
    %dma_wait3A_159 = arith.constant 0 : i32
    %dma_wait3A_160 = arith.constant 0 : i32
    %dma_wait3A_161 = tpu.memref_slice %arg5[%dma_wait3A_150, %dma_wait3A_159, %dma_wait3A_160] : memref<4x3x48xi32, #tpu.memory_space<vmem>> -> memref<1x3x48xi32, #tpu.memory_space<vmem>>
    %dma_wait3A_162 = tpu.memref_squeeze %dma_wait3A_161 : memref<1x3x48xi32, #tpu.memory_space<vmem>> -> memref<3x48xi32, #tpu.memory_space<vmem>>
    %dma_wait3A_163 = arith.constant 0 : i32
    %dma_wait3A_164 = arith.constant 0 : i32
    %dma_wait3A_165 = tpu.memref_slice %arg3[%add3A, %dma_wait3A, %dma_wait3A_163, %dma_wait3A_164] : memref<32x212x3x48xi32, #tpu.memory_space<hbm>> -> memref<1x1x3x48xi32, #tpu.memory_space<hbm>>
    %dma_wait3A_166 = tpu.memref_squeeze %dma_wait3A_165 : memref<1x1x3x48xi32, #tpu.memory_space<hbm>> -> memref<3x48xi32, #tpu.memory_space<hbm>>
    tpu.wait_dma2 semaphore(%arg16 : memref<!tpu.dma_semaphore, #tpu.memory_space<semaphore_mem>>) src(%dma_wait3A_166 : memref<3x48xi32, #tpu.memory_space<hbm>>) dst(%dma_wait3A_162 : memref<3x48xi32, #tpu.memory_space<vmem>>)
    %dma_start3A_167 = arith.constant 0 : i32
    %dma_start3A_168 = arith.constant 0 : i32
    %dma_start3A_169 = arith.constant 0 : i32
    %dma_start3A_170 = arith.constant 0 : i32
    %dma_start3A_171 = arith.constant 0 : i32
    %dma_start3A_172 = tpu.memref_slice %arg7[%dma_start3A_169, %dma_start3A_170, %dma_start3A_171] : memref<4x48x128xf32, #tpu.memory_space<vmem>> -> memref<1x48x128xf32, #tpu.memory_space<vmem>>
    %dma_start3A_173 = tpu.memref_squeeze %dma_start3A_172 : memref<1x48x128xf32, #tpu.memory_space<vmem>> -> memref<48x128xf32, #tpu.memory_space<vmem>>
    %dma_start3A_174 = arith.constant 0 : i32
    %dma_start3A_175 = tpu.memref_slice %arg5[%dma_start3A_167, %dma_start3A_168, %dma_start3A_174] : memref<4x3x48xi32, #tpu.memory_space<vmem>> -> memref<1x1x48xi32, #tpu.memory_space<vmem>>
    %dma_start3A_176 = tpu.memref_squeeze %dma_start3A_175 : memref<1x1x48xi32, #tpu.memory_space<vmem>> -> memref<48xi32, #tpu.memory_space<vmem>>
    %dma_start3A_177 = arith.constant 0 : i32
    %dma_start3A_178 = arith.constant 0 : i32
    %dma_start3A_179 = tpu.memref_slice %arg2[%dma_start3A_177, %dma_start3A_178] : memref<10000x128xf32, #tpu.memory_space<hbm>> -> memref<10000x128xf32, #tpu.memory_space<hbm>>
    tpu.enqueue_indirect_dma source(%dma_start3A_179 : memref<10000x128xf32, #tpu.memory_space<hbm>>) target(%dma_start3A_173 : memref<48x128xf32, #tpu.memory_space<vmem>>) offsets(%dma_start3A_176 : memref<48xi32, #tpu.memory_space<vmem>>) semaphore(%arg10 : memref<!tpu.dma_semaphore, #tpu.memory_space<semaphore_mem>>)
    %dma_wait3A_180 = arith.constant 1 : i32
    %dma_wait3A_181 = arith.constant 1 : i32
    %dma_wait3A_182 = arith.constant 0 : i32
    %dma_wait3A_183 = arith.constant 0 : i32
    %dma_wait3A_184 = tpu.memref_slice %arg5[%dma_wait3A_181, %dma_wait3A_182, %dma_wait3A_183] : memref<4x3x48xi32, #tpu.memory_space<vmem>> -> memref<1x3x48xi32, #tpu.memory_space<vmem>>
    %dma_wait3A_185 = tpu.memref_squeeze %dma_wait3A_184 : memref<1x3x48xi32, #tpu.memory_space<vmem>> -> memref<3x48xi32, #tpu.memory_space<vmem>>
    %dma_wait3A_186 = arith.constant 0 : i32
    %dma_wait3A_187 = arith.constant 0 : i32
    %dma_wait3A_188 = tpu.memref_slice %arg3[%add3A, %dma_wait3A_180, %dma_wait3A_186, %dma_wait3A_187] : memref<32x212x3x48xi32, #tpu.memory_space<hbm>> -> memref<1x1x3x48xi32, #tpu.memory_space<hbm>>
    %dma_wait3A_189 = tpu.memref_squeeze %dma_wait3A_188 : memref<1x1x3x48xi32, #tpu.memory_space<hbm>> -> memref<3x48xi32, #tpu.memory_space<hbm>>
    %dma_wait3A_190 = arith.constant 0 : i32
    %dma_wait3A_191 = arith.constant 0 : i32
    %dma_wait3A_192 = tpu.memref_slice %arg5[%dma_wait3A_181, %dma_wait3A_190, %dma_wait3A_191] : memref<4x3x48xi32, #tpu.memory_space<vmem>> -> memref<1x3x48xi32, #tpu.memory_space<vmem>>
    %dma_wait3A_193 = tpu.memref_squeeze %dma_wait3A_192 : memref<1x3x48xi32, #tpu.memory_space<vmem>> -> memref<3x48xi32, #tpu.memory_space<vmem>>
    %dma_wait3A_194 = arith.constant 0 : i32
    %dma_wait3A_195 = arith.constant 0 : i32
    %dma_wait3A_196 = tpu.memref_slice %arg3[%add3A, %dma_wait3A_180, %dma_wait3A_194, %dma_wait3A_195] : memref<32x212x3x48xi32, #tpu.memory_space<hbm>> -> memref<1x1x3x48xi32, #tpu.memory_space<hbm>>
    %dma_wait3A_197 = tpu.memref_squeeze %dma_wait3A_196 : memref<1x1x3x48xi32, #tpu.memory_space<hbm>> -> memref<3x48xi32, #tpu.memory_space<hbm>>
    tpu.wait_dma2 semaphore(%arg17 : memref<!tpu.dma_semaphore, #tpu.memory_space<semaphore_mem>>) src(%dma_wait3A_197 : memref<3x48xi32, #tpu.memory_space<hbm>>) dst(%dma_wait3A_193 : memref<3x48xi32, #tpu.memory_space<vmem>>)
    %dma_start3A_198 = arith.constant 1 : i32
    %dma_start3A_199 = arith.constant 0 : i32
    %dma_start3A_200 = arith.constant 1 : i32
    %dma_start3A_201 = arith.constant 0 : i32
    %dma_start3A_202 = arith.constant 0 : i32
    %dma_start3A_203 = tpu.memref_slice %arg7[%dma_start3A_200, %dma_start3A_201, %dma_start3A_202] : memref<4x48x128xf32, #tpu.memory_space<vmem>> -> memref<1x48x128xf32, #tpu.memory_space<vmem>>
    %dma_start3A_204 = tpu.memref_squeeze %dma_start3A_203 : memref<1x48x128xf32, #tpu.memory_space<vmem>> -> memref<48x128xf32, #tpu.memory_space<vmem>>
    %dma_start3A_205 = arith.constant 0 : i32
    %dma_start3A_206 = tpu.memref_slice %arg5[%dma_start3A_198, %dma_start3A_199, %dma_start3A_205] : memref<4x3x48xi32, #tpu.memory_space<vmem>> -> memref<1x1x48xi32, #tpu.memory_space<vmem>>
    %dma_start3A_207 = tpu.memref_squeeze %dma_start3A_206 : memref<1x1x48xi32, #tpu.memory_space<vmem>> -> memref<48xi32, #tpu.memory_space<vmem>>
    %dma_start3A_208 = arith.constant 0 : i32
    %dma_start3A_209 = arith.constant 0 : i32
    %dma_start3A_210 = tpu.memref_slice %arg2[%dma_start3A_208, %dma_start3A_209] : memref<10000x128xf32, #tpu.memory_space<hbm>> -> memref<10000x128xf32, #tpu.memory_space<hbm>>
    tpu.enqueue_indirect_dma source(%dma_start3A_210 : memref<10000x128xf32, #tpu.memory_space<hbm>>) target(%dma_start3A_204 : memref<48x128xf32, #tpu.memory_space<vmem>>) offsets(%dma_start3A_207 : memref<48xi32, #tpu.memory_space<vmem>>) semaphore(%arg11 : memref<!tpu.dma_semaphore, #tpu.memory_space<semaphore_mem>>)
    %dma_wait3A_211 = arith.constant 2 : i32
    %dma_wait3A_212 = arith.constant 2 : i32
    %dma_wait3A_213 = arith.constant 0 : i32
    %dma_wait3A_214 = arith.constant 0 : i32
    %dma_wait3A_215 = tpu.memref_slice %arg5[%dma_wait3A_212, %dma_wait3A_213, %dma_wait3A_214] : memref<4x3x48xi32, #tpu.memory_space<vmem>> -> memref<1x3x48xi32, #tpu.memory_space<vmem>>
    %dma_wait3A_216 = tpu.memref_squeeze %dma_wait3A_215 : memref<1x3x48xi32, #tpu.memory_space<vmem>> -> memref<3x48xi32, #tpu.memory_space<vmem>>
    %dma_wait3A_217 = arith.constant 0 : i32
    %dma_wait3A_218 = arith.constant 0 : i32
    %dma_wait3A_219 = tpu.memref_slice %arg3[%add3A, %dma_wait3A_211, %dma_wait3A_217, %dma_wait3A_218] : memref<32x212x3x48xi32, #tpu.memory_space<hbm>> -> memref<1x1x3x48xi32, #tpu.memory_space<hbm>>
    %dma_wait3A_220 = tpu.memref_squeeze %dma_wait3A_219 : memref<1x1x3x48xi32, #tpu.memory_space<hbm>> -> memref<3x48xi32, #tpu.memory_space<hbm>>
    %dma_wait3A_221 = arith.constant 0 : i32
    %dma_wait3A_222 = arith.constant 0 : i32
    %dma_wait3A_223 = tpu.memref_slice %arg5[%dma_wait3A_212, %dma_wait3A_221, %dma_wait3A_222] : memref<4x3x48xi32, #tpu.memory_space<vmem>> -> memref<1x3x48xi32, #tpu.memory_space<vmem>>
    %dma_wait3A_224 = tpu.memref_squeeze %dma_wait3A_223 : memref<1x3x48xi32, #tpu.memory_space<vmem>> -> memref<3x48xi32, #tpu.memory_space<vmem>>
    %dma_wait3A_225 = arith.constant 0 : i32
    %dma_wait3A_226 = arith.constant 0 : i32
    %dma_wait3A_227 = tpu.memref_slice %arg3[%add3A, %dma_wait3A_211, %dma_wait3A_225, %dma_wait3A_226] : memref<32x212x3x48xi32, #tpu.memory_space<hbm>> -> memref<1x1x3x48xi32, #tpu.memory_space<hbm>>
    %dma_wait3A_228 = tpu.memref_squeeze %dma_wait3A_227 : memref<1x1x3x48xi32, #tpu.memory_space<hbm>> -> memref<3x48xi32, #tpu.memory_space<hbm>>
    tpu.wait_dma2 semaphore(%arg18 : memref<!tpu.dma_semaphore, #tpu.memory_space<semaphore_mem>>) src(%dma_wait3A_228 : memref<3x48xi32, #tpu.memory_space<hbm>>) dst(%dma_wait3A_224 : memref<3x48xi32, #tpu.memory_space<vmem>>)
    %dma_start3A_229 = arith.constant 2 : i32
    %dma_start3A_230 = arith.constant 0 : i32
    %dma_start3A_231 = arith.constant 2 : i32
    %dma_start3A_232 = arith.constant 0 : i32
    %dma_start3A_233 = arith.constant 0 : i32
    %dma_start3A_234 = tpu.memref_slice %arg7[%dma_start3A_231, %dma_start3A_232, %dma_start3A_233] : memref<4x48x128xf32, #tpu.memory_space<vmem>> -> memref<1x48x128xf32, #tpu.memory_space<vmem>>
    %dma_start3A_235 = tpu.memref_squeeze %dma_start3A_234 : memref<1x48x128xf32, #tpu.memory_space<vmem>> -> memref<48x128xf32, #tpu.memory_space<vmem>>
    %dma_start3A_236 = arith.constant 0 : i32
    %dma_start3A_237 = tpu.memref_slice %arg5[%dma_start3A_229, %dma_start3A_230, %dma_start3A_236] : memref<4x3x48xi32, #tpu.memory_space<vmem>> -> memref<1x1x48xi32, #tpu.memory_space<vmem>>
    %dma_start3A_238 = tpu.memref_squeeze %dma_start3A_237 : memref<1x1x48xi32, #tpu.memory_space<vmem>> -> memref<48xi32, #tpu.memory_space<vmem>>
    %dma_start3A_239 = arith.constant 0 : i32
    %dma_start3A_240 = arith.constant 0 : i32
    %dma_start3A_241 = tpu.memref_slice %arg2[%dma_start3A_239, %dma_start3A_240] : memref<10000x128xf32, #tpu.memory_space<hbm>> -> memref<10000x128xf32, #tpu.memory_space<hbm>>
    tpu.enqueue_indirect_dma source(%dma_start3A_241 : memref<10000x128xf32, #tpu.memory_space<hbm>>) target(%dma_start3A_235 : memref<48x128xf32, #tpu.memory_space<vmem>>) offsets(%dma_start3A_238 : memref<48xi32, #tpu.memory_space<vmem>>) semaphore(%arg12 : memref<!tpu.dma_semaphore, #tpu.memory_space<semaphore_mem>>)
    %scan3A_242 = arith.constant 0 : i32
    %scan3A_243 = arith.constant 0 : i32
    %scan3A_244 = arith.constant 53 : i32
    %scan3A_245 = arith.addi %scan3A_243, %scan3A_244 : i32
    %scan3A_246 = arith.constant 1 : i32
    %scan3A_247 = scf.for %scan3A_278 = %scan3A_243 to %scan3A_245 step %scan3A_246 iter_args(%scan3A_279 = %scan3A_242) -> (i32)  : i32 {
      %mul3A_280 = arith.constant 4 : i32
      %mul3A_281 = arith.muli %mul3A_280, %scan3A_278 : i32
      %add3A_282 = arith.constant 0 : i32
      %add3A_283 = arith.addi %mul3A_281, %add3A_282 : i32
      %dma_wait3A_284 = arith.constant 0 : i32
      %dma_wait3A_285 = arith.constant 0 : i32
      %dma_wait3A_286 = arith.constant 0 : i32
      %dma_wait3A_287 = arith.constant 0 : i32
      %dma_wait3A_288 = arith.constant 0 : i32
      %dma_wait3A_289 = tpu.memref_slice %arg7[%dma_wait3A_286, %dma_wait3A_287, %dma_wait3A_288] : memref<4x48x128xf32, #tpu.memory_space<vmem>> -> memref<1x48x128xf32, #tpu.memory_space<vmem>>
      %dma_wait3A_290 = tpu.memref_squeeze %dma_wait3A_289 : memref<1x48x128xf32, #tpu.memory_space<vmem>> -> memref<48x128xf32, #tpu.memory_space<vmem>>
      %dma_wait3A_291 = arith.constant 0 : i32
      %dma_wait3A_292 = tpu.memref_slice %arg5[%dma_wait3A_284, %dma_wait3A_285, %dma_wait3A_291] : memref<4x3x48xi32, #tpu.memory_space<vmem>> -> memref<1x1x48xi32, #tpu.memory_space<vmem>>
      %dma_wait3A_293 = tpu.memref_squeeze %dma_wait3A_292 : memref<1x1x48xi32, #tpu.memory_space<vmem>> -> memref<48xi32, #tpu.memory_space<vmem>>
      %dma_wait3A_294 = arith.constant 0 : i32
      %dma_wait3A_295 = arith.constant 0 : i32
      %dma_wait3A_296 = tpu.memref_slice %arg2[%dma_wait3A_294, %dma_wait3A_295] : memref<10000x128xf32, #tpu.memory_space<hbm>> -> memref<10000x128xf32, #tpu.memory_space<hbm>>
      tpu.wait_indirect_dma semaphore(%arg10 : memref<!tpu.dma_semaphore, #tpu.memory_space<semaphore_mem>>) src(%dma_wait3A_296 : memref<10000x128xf32, #tpu.memory_space<hbm>>) dst(%dma_wait3A_290 : memref<48x128xf32, #tpu.memory_space<vmem>>)
      %ge3A = arith.constant 2 : i32
      %ge3A_297 = arith.cmpi sge, %add3A_283, %ge3A : i32
      %convert_element_type3A = arith.extui %ge3A_297 : i1 to i32
      %cond3A = arith.constant 0 : i32
      %cond3A_298 = arith.cmpi ne, %convert_element_type3A, %cond3A : i32
      scf.if %cond3A_298 {
        %dma_wait3A_617 = arith.constant 0 : i32
        %dma_wait3A_618 = arith.constant 0 : i32
        %dma_wait3A_619 = arith.constant 0 : i32
        %dma_wait3A_620 = arith.constant 0 : i32
        %dma_wait3A_621 = tpu.memref_slice %arg8[%dma_wait3A_617, %dma_wait3A_619, %dma_wait3A_620] : memref<2x48x144xf32, #tpu.memory_space<vmem>> -> memref<1x48x144xf32, #tpu.memory_space<vmem>>
        %dma_wait3A_622 = tpu.memref_squeeze %dma_wait3A_621 : memref<1x48x144xf32, #tpu.memory_space<vmem>> -> memref<48x144xf32, #tpu.memory_space<vmem>>
        %dma_wait3A_623 = arith.constant 0 : i32
        %dma_wait3A_624 = tpu.memref_slice %arg6[%dma_wait3A_618, %dma_wait3A_623] : memref<2x48xi32, #tpu.memory_space<vmem>> -> memref<1x48xi32, #tpu.memory_space<vmem>>
        %dma_wait3A_625 = tpu.memref_squeeze %dma_wait3A_624 : memref<1x48xi32, #tpu.memory_space<vmem>> -> memref<48xi32, #tpu.memory_space<vmem>>
        %dma_wait3A_626 = arith.constant 0 : i32
        %dma_wait3A_627 = arith.constant 0 : i32
        %dma_wait3A_628 = tpu.memref_slice %arg9[%dma_wait3A_626, %dma_wait3A_627] : memref<10000x144xf32, #tpu.memory_space<vmem_shared>> -> memref<10000x144xf32, #tpu.memory_space<vmem_shared>>
        tpu.wait_indirect_dma semaphore(%arg14 : memref<!tpu.dma_semaphore, #tpu.memory_space<semaphore_mem>>) src(%dma_wait3A_622 : memref<48x144xf32, #tpu.memory_space<vmem>>) dst(%dma_wait3A_628 : memref<10000x144xf32, #tpu.memory_space<vmem_shared>>)
      } else {
      }
      %scan3A_299 = arith.constant 0 : i32
      %scan3A_300 = arith.constant 2 : i32
      %scan3A_301 = arith.constant 0 : i32
      %scan3A_302 = arith.constant 0 : i32
      %scan3A_303 = arith.constant 24 : i32
      %scan3A_304 = arith.addi %scan3A_302, %scan3A_303 : i32
      %scan3A_305 = arith.constant 1 : i32
      %scan3A_306 = scf.for %scan3A_617 = %scan3A_302 to %scan3A_304 step %scan3A_305 iter_args(%scan3A_618 = %scan3A_301) -> (i32)  : i32 {
        %mul3A_619 = arith.constant 2 : i32
        %mul3A_620 = arith.muli %mul3A_619, %scan3A_617 : i32
        %add3A_621 = arith.constant 0 : i32
        %add3A_622 = arith.addi %mul3A_620, %add3A_621 : i32
        %broadcast_in_dim3A_623 = vector.broadcast %add3A_622 : i32 to vector<16xi32>
        %gather3A = arith.constant 0 : i32
        %gather3A_624 = tpu.memref_slice %arg5[%scan3A_299, %scan3A_300, %gather3A] : memref<4x3x48xi32, #tpu.memory_space<vmem>> -> memref<1x1x48xi32, #tpu.memory_space<vmem>>
        %gather3A_625 = tpu.memref_squeeze %gather3A_624 : memref<1x1x48xi32, #tpu.memory_space<vmem>> -> memref<48xi32, #tpu.memory_space<vmem>>
        %gather3A_626 = tpu.vector_load_idx %gather3A_625[%broadcast_in_dim3A_623] : memref<48xi32, #tpu.memory_space<vmem>>[vector<16xi32>], vector<16xi32>,
        %bitcast3A = vector.bitcast %gather3A_626 : vector<16xi32> to vector<16xf32>
        %add3A_627 = arith.constant 1 : i32
        %add3A_628 = arith.addi %mul3A_620, %add3A_627 : i32
        %broadcast_in_dim3A_629 = vector.broadcast %add3A_628 : i32 to vector<16xi32>
        %gather3A_630 = arith.constant 0 : i32
        %gather3A_631 = tpu.memref_slice %arg5[%scan3A_299, %scan3A_300, %gather3A_630] : memref<4x3x48xi32, #tpu.memory_space<vmem>> -> memref<1x1x48xi32, #tpu.memory_space<vmem>>
        %gather3A_632 = tpu.memref_squeeze %gather3A_631 : memref<1x1x48xi32, #tpu.memory_space<vmem>> -> memref<48xi32, #tpu.memory_space<vmem>>
        %gather3A_633 = tpu.vector_load_idx %gather3A_632[%broadcast_in_dim3A_629] : memref<48xi32, #tpu.memory_space<vmem>>[vector<16xi32>], vector<16xi32>,
        %bitcast3A_634 = vector.bitcast %gather3A_633 : vector<16xi32> to vector<16xf32>
        %add3A_635 = arith.constant 0 : i32
        %add3A_636 = arith.addi %mul3A_620, %add3A_635 : i32
        %get3A_637 = arith.constant 0 : i32
        %get3A_638 = arith.index_cast %get3A_637 : i32 to index
        %get3A_639 = arith.index_cast %add3A_636 : i32 to index
        %get3A_640 = arith.constant 0 : index
        %get3A_641 = tpu.vector_load %arg7[%get3A_638, %get3A_639, %get3A_640] {strides = array<i32>} : memref<4x48x128xf32, #tpu.memory_space<vmem>>, vector<16xf32>,
        %add3A_642 = arith.constant 0 : i32
        %add3A_643 = arith.addi %mul3A_620, %add3A_642 : i32
        %get3A_644 = arith.constant 0 : i32
        %get3A_645 = arith.index_cast %get3A_644 : i32 to index
        %get3A_646 = arith.index_cast %add3A_643 : i32 to index
        %get3A_647 = arith.constant 16 : index
        %get3A_648 = tpu.vector_load %arg7[%get3A_645, %get3A_646, %get3A_647] {strides = array<i32>} : memref<4x48x128xf32, #tpu.memory_space<vmem>>, vector<16xf32>,
        %add3A_649 = arith.constant 0 : i32
        %add3A_650 = arith.addi %mul3A_620, %add3A_649 : i32
        %get3A_651 = arith.constant 0 : i32
        %get3A_652 = arith.index_cast %get3A_651 : i32 to index
        %get3A_653 = arith.index_cast %add3A_650 : i32 to index
        %get3A_654 = arith.constant 32 : index
        %get3A_655 = tpu.vector_load %arg7[%get3A_652, %get3A_653, %get3A_654] {strides = array<i32>} : memref<4x48x128xf32, #tpu.memory_space<vmem>>, vector<16xf32>,
        %add3A_656 = arith.constant 0 : i32
        %add3A_657 = arith.addi %mul3A_620, %add3A_656 : i32
        %get3A_658 = arith.constant 0 : i32
        %get3A_659 = arith.index_cast %get3A_658 : i32 to index
        %get3A_660 = arith.index_cast %add3A_657 : i32 to index
        %get3A_661 = arith.constant 48 : index
        %get3A_662 = tpu.vector_load %arg7[%get3A_659, %get3A_660, %get3A_661] {strides = array<i32>} : memref<4x48x128xf32, #tpu.memory_space<vmem>>, vector<16xf32>,
        %add3A_663 = arith.constant 0 : i32
        %add3A_664 = arith.addi %mul3A_620, %add3A_663 : i32
        %get3A_665 = arith.constant 0 : i32
        %get3A_666 = arith.index_cast %get3A_665 : i32 to index
        %get3A_667 = arith.index_cast %add3A_664 : i32 to index
        %get3A_668 = arith.constant 64 : index
        %get3A_669 = tpu.vector_load %arg7[%get3A_666, %get3A_667, %get3A_668] {strides = array<i32>} : memref<4x48x128xf32, #tpu.memory_space<vmem>>, vector<16xf32>,
        %add3A_670 = arith.constant 0 : i32
        %add3A_671 = arith.addi %mul3A_620, %add3A_670 : i32
        %get3A_672 = arith.constant 0 : i32
        %get3A_673 = arith.index_cast %get3A_672 : i32 to index
        %get3A_674 = arith.index_cast %add3A_671 : i32 to index
        %get3A_675 = arith.constant 80 : index
        %get3A_676 = tpu.vector_load %arg7[%get3A_673, %get3A_674, %get3A_675] {strides = array<i32>} : memref<4x48x128xf32, #tpu.memory_space<vmem>>, vector<16xf32>,
        %add3A_677 = arith.constant 0 : i32
        %add3A_678 = arith.addi %mul3A_620, %add3A_677 : i32
        %get3A_679 = arith.constant 0 : i32
        %get3A_680 = arith.index_cast %get3A_679 : i32 to index
        %get3A_681 = arith.index_cast %add3A_678 : i32 to index
        %get3A_682 = arith.constant 96 : index
        %get3A_683 = tpu.vector_load %arg7[%get3A_680, %get3A_681, %get3A_682] {strides = array<i32>} : memref<4x48x128xf32, #tpu.memory_space<vmem>>, vector<16xf32>,
        %add3A_684 = arith.constant 0 : i32
        %add3A_685 = arith.addi %mul3A_620, %add3A_684 : i32
        %get3A_686 = arith.constant 0 : i32
        %get3A_687 = arith.index_cast %get3A_686 : i32 to index
        %get3A_688 = arith.index_cast %add3A_685 : i32 to index
        %get3A_689 = arith.constant 112 : index
        %get3A_690 = tpu.vector_load %arg7[%get3A_687, %get3A_688, %get3A_689] {strides = array<i32>} : memref<4x48x128xf32, #tpu.memory_space<vmem>>, vector<16xf32>,
        %add3A_691 = arith.constant 1 : i32
        %add3A_692 = arith.addi %mul3A_620, %add3A_691 : i32
        %get3A_693 = arith.constant 0 : i32
        %get3A_694 = arith.index_cast %get3A_693 : i32 to index
        %get3A_695 = arith.index_cast %add3A_692 : i32 to index
        %get3A_696 = arith.constant 0 : index
        %get3A_697 = tpu.vector_load %arg7[%get3A_694, %get3A_695, %get3A_696] {strides = array<i32>} : memref<4x48x128xf32, #tpu.memory_space<vmem>>, vector<16xf32>,
        %add3A_698 = arith.constant 1 : i32
        %add3A_699 = arith.addi %mul3A_620, %add3A_698 : i32
        %get3A_700 = arith.constant 0 : i32
        %get3A_701 = arith.index_cast %get3A_700 : i32 to index
        %get3A_702 = arith.index_cast %add3A_699 : i32 to index
        %get3A_703 = arith.constant 16 : index
        %get3A_704 = tpu.vector_load %arg7[%get3A_701, %get3A_702, %get3A_703] {strides = array<i32>} : memref<4x48x128xf32, #tpu.memory_space<vmem>>, vector<16xf32>,
        %add3A_705 = arith.constant 1 : i32
        %add3A_706 = arith.addi %mul3A_620, %add3A_705 : i32
        %get3A_707 = arith.constant 0 : i32
        %get3A_708 = arith.index_cast %get3A_707 : i32 to index
        %get3A_709 = arith.index_cast %add3A_706 : i32 to index
        %get3A_710 = arith.constant 32 : index
        %get3A_711 = tpu.vector_load %arg7[%get3A_708, %get3A_709, %get3A_710] {strides = array<i32>} : memref<4x48x128xf32, #tpu.memory_space<vmem>>, vector<16xf32>,
        %add3A_712 = arith.constant 1 : i32
        %add3A_713 = arith.addi %mul3A_620, %add3A_712 : i32
        %get3A_714 = arith.constant 0 : i32
        %get3A_715 = arith.index_cast %get3A_714 : i32 to index
        %get3A_716 = arith.index_cast %add3A_713 : i32 to index
        %get3A_717 = arith.constant 48 : index
        %get3A_718 = tpu.vector_load %arg7[%get3A_715, %get3A_716, %get3A_717] {strides = array<i32>} : memref<4x48x128xf32, #tpu.memory_space<vmem>>, vector<16xf32>,
        %add3A_719 = arith.constant 1 : i32
        %add3A_720 = arith.addi %mul3A_620, %add3A_719 : i32
        %get3A_721 = arith.constant 0 : i32
        %get3A_722 = arith.index_cast %get3A_721 : i32 to index
        %get3A_723 = arith.index_cast %add3A_720 : i32 to index
        %get3A_724 = arith.constant 64 : index
        %get3A_725 = tpu.vector_load %arg7[%get3A_722, %get3A_723, %get3A_724] {strides = array<i32>} : memref<4x48x128xf32, #tpu.memory_space<vmem>>, vector<16xf32>,
        %add3A_726 = arith.constant 1 : i32
        %add3A_727 = arith.addi %mul3A_620, %add3A_726 : i32
        %get3A_728 = arith.constant 0 : i32
        %get3A_729 = arith.index_cast %get3A_728 : i32 to index
        %get3A_730 = arith.index_cast %add3A_727 : i32 to index
        %get3A_731 = arith.constant 80 : index
        %get3A_732 = tpu.vector_load %arg7[%get3A_729, %get3A_730, %get3A_731] {strides = array<i32>} : memref<4x48x128xf32, #tpu.memory_space<vmem>>, vector<16xf32>,
        %add3A_733 = arith.constant 1 : i32
        %add3A_734 = arith.addi %mul3A_620, %add3A_733 : i32
        %get3A_735 = arith.constant 0 : i32
        %get3A_736 = arith.index_cast %get3A_735 : i32 to index
        %get3A_737 = arith.index_cast %add3A_734 : i32 to index
        %get3A_738 = arith.constant 96 : index
        %get3A_739 = tpu.vector_load %arg7[%get3A_736, %get3A_737, %get3A_738] {strides = array<i32>} : memref<4x48x128xf32, #tpu.memory_space<vmem>>, vector<16xf32>,
        %add3A_740 = arith.constant 1 : i32
        %add3A_741 = arith.addi %mul3A_620, %add3A_740 : i32
        %get3A_742 = arith.constant 0 : i32
        %get3A_743 = arith.index_cast %get3A_742 : i32 to index
        %get3A_744 = arith.index_cast %add3A_741 : i32 to index
        %get3A_745 = arith.constant 112 : index
        %get3A_746 = tpu.vector_load %arg7[%get3A_743, %get3A_744, %get3A_745] {strides = array<i32>} : memref<4x48x128xf32, #tpu.memory_space<vmem>>, vector<16xf32>,
        %mul3A_747 = arith.mulf %get3A_641, %bitcast3A : vector<16xf32>
        %mul3A_748 = arith.mulf %get3A_648, %bitcast3A : vector<16xf32>
        %mul3A_749 = arith.mulf %get3A_655, %bitcast3A : vector<16xf32>
        %mul3A_750 = arith.mulf %get3A_662, %bitcast3A : vector<16xf32>
        %mul3A_751 = arith.mulf %get3A_669, %bitcast3A : vector<16xf32>
        %mul3A_752 = arith.mulf %get3A_676, %bitcast3A : vector<16xf32>
        %mul3A_753 = arith.mulf %get3A_683, %bitcast3A : vector<16xf32>
        %mul3A_754 = arith.mulf %get3A_690, %bitcast3A : vector<16xf32>
        %mul3A_755 = arith.mulf %get3A_697, %bitcast3A_634 : vector<16xf32>
        %mul3A_756 = arith.mulf %get3A_704, %bitcast3A_634 : vector<16xf32>
        %mul3A_757 = arith.mulf %get3A_711, %bitcast3A_634 : vector<16xf32>
        %mul3A_758 = arith.mulf %get3A_718, %bitcast3A_634 : vector<16xf32>
        %mul3A_759 = arith.mulf %get3A_725, %bitcast3A_634 : vector<16xf32>
        %mul3A_760 = arith.mulf %get3A_732, %bitcast3A_634 : vector<16xf32>
        %mul3A_761 = arith.mulf %get3A_739, %bitcast3A_634 : vector<16xf32>
        %mul3A_762 = arith.mulf %get3A_746, %bitcast3A_634 : vector<16xf32>
        %add3A_763 = arith.constant 0 : i32
        %add3A_764 = arith.addi %mul3A_620, %add3A_763 : i32
        %swap3A_765 = arith.constant 0 : i32
        %swap3A_766 = arith.index_cast %swap3A_765 : i32 to index
        %swap3A_767 = arith.index_cast %add3A_764 : i32 to index
        %swap3A_768 = arith.constant 0 : index
        %swap3A_769 = tpu.vector_load %arg8[%swap3A_766, %swap3A_767, %swap3A_768] {strides = array<i32>} : memref<2x48x144xf32, #tpu.memory_space<vmem>>, vector<16xf32>,
        tpu.vector_store %arg8[%swap3A_766, %swap3A_767, %swap3A_768], %mul3A_747 {strides = array<i32>} : memref<2x48x144xf32, #tpu.memory_space<vmem>>, vector<16xf32>,
        %add3A_770 = arith.constant 0 : i32
        %add3A_771 = arith.addi %mul3A_620, %add3A_770 : i32
        %swap3A_772 = arith.constant 0 : i32
        %swap3A_773 = arith.index_cast %swap3A_772 : i32 to index
        %swap3A_774 = arith.index_cast %add3A_771 : i32 to index
        %swap3A_775 = arith.constant 16 : index
        %swap3A_776 = tpu.vector_load %arg8[%swap3A_773, %swap3A_774, %swap3A_775] {strides = array<i32>} : memref<2x48x144xf32, #tpu.memory_space<vmem>>, vector<16xf32>,
        tpu.vector_store %arg8[%swap3A_773, %swap3A_774, %swap3A_775], %mul3A_748 {strides = array<i32>} : memref<2x48x144xf32, #tpu.memory_space<vmem>>, vector<16xf32>,
        %add3A_777 = arith.constant 0 : i32
        %add3A_778 = arith.addi %mul3A_620, %add3A_777 : i32
        %swap3A_779 = arith.constant 0 : i32
        %swap3A_780 = arith.index_cast %swap3A_779 : i32 to index
        %swap3A_781 = arith.index_cast %add3A_778 : i32 to index
        %swap3A_782 = arith.constant 32 : index
        %swap3A_783 = tpu.vector_load %arg8[%swap3A_780, %swap3A_781, %swap3A_782] {strides = array<i32>} : memref<2x48x144xf32, #tpu.memory_space<vmem>>, vector<16xf32>,
        tpu.vector_store %arg8[%swap3A_780, %swap3A_781, %swap3A_782], %mul3A_749 {strides = array<i32>} : memref<2x48x144xf32, #tpu.memory_space<vmem>>, vector<16xf32>,
        %add3A_784 = arith.constant 0 : i32
        %add3A_785 = arith.addi %mul3A_620, %add3A_784 : i32
        %swap3A_786 = arith.constant 0 : i32
        %swap3A_787 = arith.index_cast %swap3A_786 : i32 to index
        %swap3A_788 = arith.index_cast %add3A_785 : i32 to index
        %swap3A_789 = arith.constant 48 : index
        %swap3A_790 = tpu.vector_load %arg8[%swap3A_787, %swap3A_788, %swap3A_789] {strides = array<i32>} : memref<2x48x144xf32, #tpu.memory_space<vmem>>, vector<16xf32>,
        tpu.vector_store %arg8[%swap3A_787, %swap3A_788, %swap3A_789], %mul3A_750 {strides = array<i32>} : memref<2x48x144xf32, #tpu.memory_space<vmem>>, vector<16xf32>,
        %add3A_791 = arith.constant 0 : i32
        %add3A_792 = arith.addi %mul3A_620, %add3A_791 : i32
        %swap3A_793 = arith.constant 0 : i32
        %swap3A_794 = arith.index_cast %swap3A_793 : i32 to index
        %swap3A_795 = arith.index_cast %add3A_792 : i32 to index
        %swap3A_796 = arith.constant 64 : index
        %swap3A_797 = tpu.vector_load %arg8[%swap3A_794, %swap3A_795, %swap3A_796] {strides = array<i32>} : memref<2x48x144xf32, #tpu.memory_space<vmem>>, vector<16xf32>,
        tpu.vector_store %arg8[%swap3A_794, %swap3A_795, %swap3A_796], %mul3A_751 {strides = array<i32>} : memref<2x48x144xf32, #tpu.memory_space<vmem>>, vector<16xf32>,
        %add3A_798 = arith.constant 0 : i32
        %add3A_799 = arith.addi %mul3A_620, %add3A_798 : i32
        %swap3A_800 = arith.constant 0 : i32
        %swap3A_801 = arith.index_cast %swap3A_800 : i32 to index
        %swap3A_802 = arith.index_cast %add3A_799 : i32 to index
        %swap3A_803 = arith.constant 80 : index
        %swap3A_804 = tpu.vector_load %arg8[%swap3A_801, %swap3A_802, %swap3A_803] {strides = array<i32>} : memref<2x48x144xf32, #tpu.memory_space<vmem>>, vector<16xf32>,
        tpu.vector_store %arg8[%swap3A_801, %swap3A_802, %swap3A_803], %mul3A_752 {strides = array<i32>} : memref<2x48x144xf32, #tpu.memory_space<vmem>>, vector<16xf32>,
        %add3A_805 = arith.constant 0 : i32
        %add3A_806 = arith.addi %mul3A_620, %add3A_805 : i32
        %swap3A_807 = arith.constant 0 : i32
        %swap3A_808 = arith.index_cast %swap3A_807 : i32 to index
        %swap3A_809 = arith.index_cast %add3A_806 : i32 to index
        %swap3A_810 = arith.constant 96 : index
        %swap3A_811 = tpu.vector_load %arg8[%swap3A_808, %swap3A_809, %swap3A_810] {strides = array<i32>} : memref<2x48x144xf32, #tpu.memory_space<vmem>>, vector<16xf32>,
        tpu.vector_store %arg8[%swap3A_808, %swap3A_809, %swap3A_810], %mul3A_753 {strides = array<i32>} : memref<2x48x144xf32, #tpu.memory_space<vmem>>, vector<16xf32>,
        %add3A_812 = arith.constant 0 : i32
        %add3A_813 = arith.addi %mul3A_620, %add3A_812 : i32
        %swap3A_814 = arith.constant 0 : i32
        %swap3A_815 = arith.index_cast %swap3A_814 : i32 to index
        %swap3A_816 = arith.index_cast %add3A_813 : i32 to index
        %swap3A_817 = arith.constant 112 : index
        %swap3A_818 = tpu.vector_load %arg8[%swap3A_815, %swap3A_816, %swap3A_817] {strides = array<i32>} : memref<2x48x144xf32, #tpu.memory_space<vmem>>, vector<16xf32>,
        tpu.vector_store %arg8[%swap3A_815, %swap3A_816, %swap3A_817], %mul3A_754 {strides = array<i32>} : memref<2x48x144xf32, #tpu.memory_space<vmem>>, vector<16xf32>,
        %add3A_819 = arith.constant 1 : i32
        %add3A_820 = arith.addi %mul3A_620, %add3A_819 : i32
        %swap3A_821 = arith.constant 0 : i32
        %swap3A_822 = arith.index_cast %swap3A_821 : i32 to index
        %swap3A_823 = arith.index_cast %add3A_820 : i32 to index
        %swap3A_824 = arith.constant 0 : index
        %swap3A_825 = tpu.vector_load %arg8[%swap3A_822, %swap3A_823, %swap3A_824] {strides = array<i32>} : memref<2x48x144xf32, #tpu.memory_space<vmem>>, vector<16xf32>,
        tpu.vector_store %arg8[%swap3A_822, %swap3A_823, %swap3A_824], %mul3A_755 {strides = array<i32>} : memref<2x48x144xf32, #tpu.memory_space<vmem>>, vector<16xf32>,
        %add3A_826 = arith.constant 1 : i32
        %add3A_827 = arith.addi %mul3A_620, %add3A_826 : i32
        %swap3A_828 = arith.constant 0 : i32
        %swap3A_829 = arith.index_cast %swap3A_828 : i32 to index
        %swap3A_830 = arith.index_cast %add3A_827 : i32 to index
        %swap3A_831 = arith.constant 16 : index
        %swap3A_832 = tpu.vector_load %arg8[%swap3A_829, %swap3A_830, %swap3A_831] {strides = array<i32>} : memref<2x48x144xf32, #tpu.memory_space<vmem>>, vector<16xf32>,
        tpu.vector_store %arg8[%swap3A_829, %swap3A_830, %swap3A_831], %mul3A_756 {strides = array<i32>} : memref<2x48x144xf32, #tpu.memory_space<vmem>>, vector<16xf32>,
        %add3A_833 = arith.constant 1 : i32
        %add3A_834 = arith.addi %mul3A_620, %add3A_833 : i32
        %swap3A_835 = arith.constant 0 : i32
        %swap3A_836 = arith.index_cast %swap3A_835 : i32 to index
        %swap3A_837 = arith.index_cast %add3A_834 : i32 to index
        %swap3A_838 = arith.constant 32 : index
        %swap3A_839 = tpu.vector_load %arg8[%swap3A_836, %swap3A_837, %swap3A_838] {strides = array<i32>} : memref<2x48x144xf32, #tpu.memory_space<vmem>>, vector<16xf32>,
        tpu.vector_store %arg8[%swap3A_836, %swap3A_837, %swap3A_838], %mul3A_757 {strides = array<i32>} : memref<2x48x144xf32, #tpu.memory_space<vmem>>, vector<16xf32>,
        %add3A_840 = arith.constant 1 : i32
        %add3A_841 = arith.addi %mul3A_620, %add3A_840 : i32
        %swap3A_842 = arith.constant 0 : i32
        %swap3A_843 = arith.index_cast %swap3A_842 : i32 to index
        %swap3A_844 = arith.index_cast %add3A_841 : i32 to index
        %swap3A_845 = arith.constant 48 : index
        %swap3A_846 = tpu.vector_load %arg8[%swap3A_843, %swap3A_844, %swap3A_845] {strides = array<i32>} : memref<2x48x144xf32, #tpu.memory_space<vmem>>, vector<16xf32>,
        tpu.vector_store %arg8[%swap3A_843, %swap3A_844, %swap3A_845], %mul3A_758 {strides = array<i32>} : memref<2x48x144xf32, #tpu.memory_space<vmem>>, vector<16xf32>,
        %add3A_847 = arith.constant 1 : i32
        %add3A_848 = arith.addi %mul3A_620, %add3A_847 : i32
        %swap3A_849 = arith.constant 0 : i32
        %swap3A_850 = arith.index_cast %swap3A_849 : i32 to index
        %swap3A_851 = arith.index_cast %add3A_848 : i32 to index
        %swap3A_852 = arith.constant 64 : index
        %swap3A_853 = tpu.vector_load %arg8[%swap3A_850, %swap3A_851, %swap3A_852] {strides = array<i32>} : memref<2x48x144xf32, #tpu.memory_space<vmem>>, vector<16xf32>,
        tpu.vector_store %arg8[%swap3A_850, %swap3A_851, %swap3A_852], %mul3A_759 {strides = array<i32>} : memref<2x48x144xf32, #tpu.memory_space<vmem>>, vector<16xf32>,
        %add3A_854 = arith.constant 1 : i32
        %add3A_855 = arith.addi %mul3A_620, %add3A_854 : i32
        %swap3A_856 = arith.constant 0 : i32
        %swap3A_857 = arith.index_cast %swap3A_856 : i32 to index
        %swap3A_858 = arith.index_cast %add3A_855 : i32 to index
        %swap3A_859 = arith.constant 80 : index
        %swap3A_860 = tpu.vector_load %arg8[%swap3A_857, %swap3A_858, %swap3A_859] {strides = array<i32>} : memref<2x48x144xf32, #tpu.memory_space<vmem>>, vector<16xf32>,
        tpu.vector_store %arg8[%swap3A_857, %swap3A_858, %swap3A_859], %mul3A_760 {strides = array<i32>} : memref<2x48x144xf32, #tpu.memory_space<vmem>>, vector<16xf32>,
        %add3A_861 = arith.constant 1 : i32
        %add3A_862 = arith.addi %mul3A_620, %add3A_861 : i32
        %swap3A_863 = arith.constant 0 : i32
        %swap3A_864 = arith.index_cast %swap3A_863 : i32 to index
        %swap3A_865 = arith.index_cast %add3A_862 : i32 to index
        %swap3A_866 = arith.constant 96 : index
        %swap3A_867 = tpu.vector_load %arg8[%swap3A_864, %swap3A_865, %swap3A_866] {strides = array<i32>} : memref<2x48x144xf32, #tpu.memory_space<vmem>>, vector<16xf32>,
        tpu.vector_store %arg8[%swap3A_864, %swap3A_865, %swap3A_866], %mul3A_761 {strides = array<i32>} : memref<2x48x144xf32, #tpu.memory_space<vmem>>, vector<16xf32>,
        %add3A_868 = arith.constant 1 : i32
        %add3A_869 = arith.addi %mul3A_620, %add3A_868 : i32
        %swap3A_870 = arith.constant 0 : i32
        %swap3A_871 = arith.index_cast %swap3A_870 : i32 to index
        %swap3A_872 = arith.index_cast %add3A_869 : i32 to index
        %swap3A_873 = arith.constant 112 : index
        %swap3A_874 = tpu.vector_load %arg8[%swap3A_871, %swap3A_872, %swap3A_873] {strides = array<i32>} : memref<2x48x144xf32, #tpu.memory_space<vmem>>, vector<16xf32>,
        tpu.vector_store %arg8[%swap3A_871, %swap3A_872, %swap3A_873], %mul3A_762 {strides = array<i32>} : memref<2x48x144xf32, #tpu.memory_space<vmem>>, vector<16xf32>,
        %select_n3A = arith.select %eq3A_3, %bitcast3A, %broadcast_in_dim3A_1 : vector<16xi1>, vector<16xf32>
        %add3A_875 = arith.constant 0 : i32
        %add3A_876 = arith.addi %mul3A_620, %add3A_875 : i32
        %swap3A_877 = arith.constant 0 : i32
        %swap3A_878 = arith.index_cast %swap3A_877 : i32 to index
        %swap3A_879 = arith.index_cast %add3A_876 : i32 to index
        %swap3A_880 = arith.constant 128 : index
        %swap3A_881 = tpu.vector_load %arg8[%swap3A_878, %swap3A_879, %swap3A_880] {strides = array<i32>} : memref<2x48x144xf32, #tpu.memory_space<vmem>>, vector<16xf32>,
        tpu.vector_store %arg8[%swap3A_878, %swap3A_879, %swap3A_880], %select_n3A {strides = array<i32>} : memref<2x48x144xf32, #tpu.memory_space<vmem>>, vector<16xf32>,
        %select_n3A_882 = arith.select %eq3A_3, %bitcast3A_634, %broadcast_in_dim3A_1 : vector<16xi1>, vector<16xf32>
        %add3A_883 = arith.constant 1 : i32
        %add3A_884 = arith.addi %mul3A_620, %add3A_883 : i32
        %swap3A_885 = arith.constant 0 : i32
        %swap3A_886 = arith.index_cast %swap3A_885 : i32 to index
        %swap3A_887 = arith.index_cast %add3A_884 : i32 to index
        %swap3A_888 = arith.constant 128 : index
        %swap3A_889 = tpu.vector_load %arg8[%swap3A_886, %swap3A_887, %swap3A_888] {strides = array<i32>} : memref<2x48x144xf32, #tpu.memory_space<vmem>>, vector<16xf32>,
        tpu.vector_store %arg8[%swap3A_886, %swap3A_887, %swap3A_888], %select_n3A_882 {strides = array<i32>} : memref<2x48x144xf32, #tpu.memory_space<vmem>>, vector<16xf32>,
        %scan3A_890 = arith.constant 0 : i32
        scf.yield %scan3A_890 : i32
      }
      %scan3A_307 = arith.constant 24 : i32
      %get3A = arith.constant 0 : i32
      %get3A_308 = arith.constant 1 : i32
      %get3A_309 = arith.index_cast %get3A : i32 to index
      %get3A_310 = arith.index_cast %get3A_308 : i32 to index
      %get3A_311 = arith.constant 0 : index
      %get3A_312 = tpu.vector_load %arg5[%get3A_309, %get3A_310, %get3A_311] {strides = array<i32>} : memref<4x3x48xi32, #tpu.memory_space<vmem>>, vector<16xi32>,
      %swap3A = arith.constant 0 : i32
      %swap3A_313 = arith.index_cast %swap3A : i32 to index
      %swap3A_314 = arith.constant 0 : index
      %swap3A_315 = tpu.vector_load %arg6[%swap3A_313, %swap3A_314] {strides = array<i32>} : memref<2x48xi32, #tpu.memory_space<vmem>>, vector<16xi32>,
      tpu.vector_store %arg6[%swap3A_313, %swap3A_314], %get3A_312 {strides = array<i32>} : memref<2x48xi32, #tpu.memory_space<vmem>>, vector<16xi32>,
      %get3A_316 = arith.constant 0 : i32
      %get3A_317 = arith.constant 1 : i32
      %get3A_318 = arith.index_cast %get3A_316 : i32 to index
      %get3A_319 = arith.index_cast %get3A_317 : i32 to index
      %get3A_320 = arith.constant 16 : index
      %get3A_321 = tpu.vector_load %arg5[%get3A_318, %get3A_319, %get3A_320] {strides = array<i32>} : memref<4x3x48xi32, #tpu.memory_space<vmem>>, vector<16xi32>,
      %swap3A_322 = arith.constant 0 : i32
      %swap3A_323 = arith.index_cast %swap3A_322 : i32 to index
      %swap3A_324 = arith.constant 16 : index
      %swap3A_325 = tpu.vector_load %arg6[%swap3A_323, %swap3A_324] {strides = array<i32>} : memref<2x48xi32, #tpu.memory_space<vmem>>, vector<16xi32>,
      tpu.vector_store %arg6[%swap3A_323, %swap3A_324], %get3A_321 {strides = array<i32>} : memref<2x48xi32, #tpu.memory_space<vmem>>, vector<16xi32>,
      %get3A_326 = arith.constant 0 : i32
      %get3A_327 = arith.constant 1 : i32
      %get3A_328 = arith.index_cast %get3A_326 : i32 to index
      %get3A_329 = arith.index_cast %get3A_327 : i32 to index
      %get3A_330 = arith.constant 32 : index
      %get3A_331 = tpu.vector_load %arg5[%get3A_328, %get3A_329, %get3A_330] {strides = array<i32>} : memref<4x3x48xi32, #tpu.memory_space<vmem>>, vector<16xi32>,
      %swap3A_332 = arith.constant 0 : i32
      %swap3A_333 = arith.index_cast %swap3A_332 : i32 to index
      %swap3A_334 = arith.constant 32 : index
      %swap3A_335 = tpu.vector_load %arg6[%swap3A_333, %swap3A_334] {strides = array<i32>} : memref<2x48xi32, #tpu.memory_space<vmem>>, vector<16xi32>,
      tpu.vector_store %arg6[%swap3A_333, %swap3A_334], %get3A_331 {strides = array<i32>} : memref<2x48xi32, #tpu.memory_space<vmem>>, vector<16xi32>,
      %add3A_336 = arith.constant 3 : i32
      %add3A_337 = arith.addi %add3A_283, %add3A_336 : i32
      %lt3A = arith.constant 212 : i32
      %lt3A_338 = arith.cmpi slt, %add3A_337, %lt3A : i32
      %convert_element_type3A_339 = arith.extui %lt3A_338 : i1 to i32
      %cond3A_340 = arith.constant 0 : i32
      %cond3A_341 = arith.cmpi ne, %convert_element_type3A_339, %cond3A_340 : i32
      scf.if %cond3A_341 {
        %add3A_617 = arith.constant 3 : i32
        %add3A_618 = arith.addi %add3A_283, %add3A_617 : i32
        %dma_wait3A_619 = arith.constant 3 : i32
        %dma_wait3A_620 = arith.constant 0 : i32
        %dma_wait3A_621 = arith.constant 0 : i32
        %dma_wait3A_622 = tpu.memref_slice %arg5[%dma_wait3A_619, %dma_wait3A_620, %dma_wait3A_621] : memref<4x3x48xi32, #tpu.memory_space<vmem>> -> memref<1x3x48xi32, #tpu.memory_space<vmem>>
        %dma_wait3A_623 = tpu.memref_squeeze %dma_wait3A_622 : memref<1x3x48xi32, #tpu.memory_space<vmem>> -> memref<3x48xi32, #tpu.memory_space<vmem>>
        %dma_wait3A_624 = arith.constant 0 : i32
        %dma_wait3A_625 = arith.constant 0 : i32
        %dma_wait3A_626 = tpu.memref_slice %arg3[%add3A, %add3A_618, %dma_wait3A_624, %dma_wait3A_625] : memref<32x212x3x48xi32, #tpu.memory_space<hbm>> -> memref<1x1x3x48xi32, #tpu.memory_space<hbm>>
        %dma_wait3A_627 = tpu.memref_squeeze %dma_wait3A_626 : memref<1x1x3x48xi32, #tpu.memory_space<hbm>> -> memref<3x48xi32, #tpu.memory_space<hbm>>
        %dma_wait3A_628 = arith.constant 0 : i32
        %dma_wait3A_629 = arith.constant 0 : i32
        %dma_wait3A_630 = tpu.memref_slice %arg5[%dma_wait3A_619, %dma_wait3A_628, %dma_wait3A_629] : memref<4x3x48xi32, #tpu.memory_space<vmem>> -> memref<1x3x48xi32, #tpu.memory_space<vmem>>
        %dma_wait3A_631 = tpu.memref_squeeze %dma_wait3A_630 : memref<1x3x48xi32, #tpu.memory_space<vmem>> -> memref<3x48xi32, #tpu.memory_space<vmem>>
        %dma_wait3A_632 = arith.constant 0 : i32
        %dma_wait3A_633 = arith.constant 0 : i32
        %dma_wait3A_634 = tpu.memref_slice %arg3[%add3A, %add3A_618, %dma_wait3A_632, %dma_wait3A_633] : memref<32x212x3x48xi32, #tpu.memory_space<hbm>> -> memref<1x1x3x48xi32, #tpu.memory_space<hbm>>
        %dma_wait3A_635 = tpu.memref_squeeze %dma_wait3A_634 : memref<1x1x3x48xi32, #tpu.memory_space<hbm>> -> memref<3x48xi32, #tpu.memory_space<hbm>>
        tpu.wait_dma2 semaphore(%arg19 : memref<!tpu.dma_semaphore, #tpu.memory_space<semaphore_mem>>) src(%dma_wait3A_635 : memref<3x48xi32, #tpu.memory_space<hbm>>) dst(%dma_wait3A_631 : memref<3x48xi32, #tpu.memory_space<vmem>>)
        %dma_start3A_636 = arith.constant 3 : i32
        %dma_start3A_637 = arith.constant 0 : i32
        %dma_start3A_638 = arith.constant 3 : i32
        %dma_start3A_639 = arith.constant 0 : i32
        %dma_start3A_640 = arith.constant 0 : i32
        %dma_start3A_641 = tpu.memref_slice %arg7[%dma_start3A_638, %dma_start3A_639, %dma_start3A_640] : memref<4x48x128xf32, #tpu.memory_space<vmem>> -> memref<1x48x128xf32, #tpu.memory_space<vmem>>
        %dma_start3A_642 = tpu.memref_squeeze %dma_start3A_641 : memref<1x48x128xf32, #tpu.memory_space<vmem>> -> memref<48x128xf32, #tpu.memory_space<vmem>>
        %dma_start3A_643 = arith.constant 0 : i32
        %dma_start3A_644 = tpu.memref_slice %arg5[%dma_start3A_636, %dma_start3A_637, %dma_start3A_643] : memref<4x3x48xi32, #tpu.memory_space<vmem>> -> memref<1x1x48xi32, #tpu.memory_space<vmem>>
        %dma_start3A_645 = tpu.memref_squeeze %dma_start3A_644 : memref<1x1x48xi32, #tpu.memory_space<vmem>> -> memref<48xi32, #tpu.memory_space<vmem>>
        %dma_start3A_646 = arith.constant 0 : i32
        %dma_start3A_647 = arith.constant 0 : i32
        %dma_start3A_648 = tpu.memref_slice %arg2[%dma_start3A_646, %dma_start3A_647] : memref<10000x128xf32, #tpu.memory_space<hbm>> -> memref<10000x128xf32, #tpu.memory_space<hbm>>
        tpu.enqueue_indirect_dma source(%dma_start3A_648 : memref<10000x128xf32, #tpu.memory_space<hbm>>) target(%dma_start3A_642 : memref<48x128xf32, #tpu.memory_space<vmem>>) offsets(%dma_start3A_645 : memref<48xi32, #tpu.memory_space<vmem>>) semaphore(%arg13 : memref<!tpu.dma_semaphore, #tpu.memory_space<semaphore_mem>>)
      } else {
      }
      %add3A_342 = arith.constant 4 : i32
      %add3A_343 = arith.addi %add3A_283, %add3A_342 : i32
      %lt3A_344 = arith.constant 212 : i32
      %lt3A_345 = arith.cmpi slt, %add3A_343, %lt3A_344 : i32
      %convert_element_type3A_346 = arith.extui %lt3A_345 : i1 to i32
      %cond3A_347 = arith.constant 0 : i32
      %cond3A_348 = arith.cmpi ne, %convert_element_type3A_346, %cond3A_347 : i32
      scf.if %cond3A_348 {
        %add3A_617 = arith.constant 4 : i32
        %add3A_618 = arith.addi %add3A_283, %add3A_617 : i32
        %dma_start3A_619 = arith.constant 0 : i32
        %dma_start3A_620 = arith.constant 0 : i32
        %dma_start3A_621 = arith.constant 0 : i32
        %dma_start3A_622 = tpu.memref_slice %arg5[%dma_start3A_619, %dma_start3A_620, %dma_start3A_621] : memref<4x3x48xi32, #tpu.memory_space<vmem>> -> memref<1x3x48xi32, #tpu.memory_space<vmem>>
        %dma_start3A_623 = tpu.memref_squeeze %dma_start3A_622 : memref<1x3x48xi32, #tpu.memory_space<vmem>> -> memref<3x48xi32, #tpu.memory_space<vmem>>
        %dma_start3A_624 = arith.constant 0 : i32
        %dma_start3A_625 = arith.constant 0 : i32
        %dma_start3A_626 = tpu.memref_slice %arg3[%add3A, %add3A_618, %dma_start3A_624, %dma_start3A_625] : memref<32x212x3x48xi32, #tpu.memory_space<hbm>> -> memref<1x1x3x48xi32, #tpu.memory_space<hbm>>
        %dma_start3A_627 = tpu.memref_squeeze %dma_start3A_626 : memref<1x1x3x48xi32, #tpu.memory_space<hbm>> -> memref<3x48xi32, #tpu.memory_space<hbm>>
        %dma_start3A_628 = arith.constant 0 : i32
        %dma_start3A_629 = arith.constant 0 : i32
        %dma_start3A_630 = tpu.memref_slice %arg5[%dma_start3A_619, %dma_start3A_628, %dma_start3A_629] : memref<4x3x48xi32, #tpu.memory_space<vmem>> -> memref<1x3x48xi32, #tpu.memory_space<vmem>>
        %dma_start3A_631 = tpu.memref_squeeze %dma_start3A_630 : memref<1x3x48xi32, #tpu.memory_space<vmem>> -> memref<3x48xi32, #tpu.memory_space<vmem>>
        %dma_start3A_632 = arith.constant 0 : i32
        %dma_start3A_633 = arith.constant 0 : i32
        %dma_start3A_634 = tpu.memref_slice %arg3[%add3A, %add3A_618, %dma_start3A_632, %dma_start3A_633] : memref<32x212x3x48xi32, #tpu.memory_space<hbm>> -> memref<1x1x3x48xi32, #tpu.memory_space<hbm>>
        %dma_start3A_635 = tpu.memref_squeeze %dma_start3A_634 : memref<1x1x3x48xi32, #tpu.memory_space<hbm>> -> memref<3x48xi32, #tpu.memory_space<hbm>>
        tpu.enqueue_dma source(%dma_start3A_635 : memref<3x48xi32, #tpu.memory_space<hbm>>) target(%dma_start3A_631 : memref<3x48xi32, #tpu.memory_space<vmem>>) target_semaphore(%arg16 : memref<!tpu.dma_semaphore, #tpu.memory_space<semaphore_mem>>)
      } else {
      }
      %dma_start3A_349 = arith.constant 0 : i32
      %dma_start3A_350 = arith.constant 0 : i32
      %dma_start3A_351 = arith.constant 0 : i32
      %dma_start3A_352 = arith.constant 0 : i32
      %dma_start3A_353 = tpu.memref_slice %arg8[%dma_start3A_349, %dma_start3A_351, %dma_start3A_352] : memref<2x48x144xf32, #tpu.memory_space<vmem>> -> memref<1x48x144xf32, #tpu.memory_space<vmem>>
      %dma_start3A_354 = tpu.memref_squeeze %dma_start3A_353 : memref<1x48x144xf32, #tpu.memory_space<vmem>> -> memref<48x144xf32, #tpu.memory_space<vmem>>
      %dma_start3A_355 = arith.constant 0 : i32
      %dma_start3A_356 = tpu.memref_slice %arg6[%dma_start3A_350, %dma_start3A_355] : memref<2x48xi32, #tpu.memory_space<vmem>> -> memref<1x48xi32, #tpu.memory_space<vmem>>
      %dma_start3A_357 = tpu.memref_squeeze %dma_start3A_356 : memref<1x48xi32, #tpu.memory_space<vmem>> -> memref<48xi32, #tpu.memory_space<vmem>>
      %dma_start3A_358 = arith.constant 0 : i32
      %dma_start3A_359 = arith.constant 0 : i32
      %dma_start3A_360 = tpu.memref_slice %arg9[%dma_start3A_358, %dma_start3A_359] : memref<10000x144xf32, #tpu.memory_space<vmem_shared>> -> memref<10000x144xf32, #tpu.memory_space<vmem_shared>>
      tpu.enqueue_indirect_dma source(%dma_start3A_354 : memref<48x144xf32, #tpu.memory_space<vmem>>) target(%dma_start3A_360 : memref<10000x144xf32, #tpu.memory_space<vmem_shared>>) offsets(%dma_start3A_357 : memref<48xi32, #tpu.memory_space<vmem>>) semaphore(%arg14 : memref<!tpu.dma_semaphore, #tpu.memory_space<semaphore_mem>>) {add = true}
      %add3A_361 = arith.constant 1 : i32
      %add3A_362 = arith.addi %mul3A_281, %add3A_361 : i32
      %dma_wait3A_363 = arith.constant 1 : i32
      %dma_wait3A_364 = arith.constant 0 : i32
      %dma_wait3A_365 = arith.constant 1 : i32
      %dma_wait3A_366 = arith.constant 0 : i32
      %dma_wait3A_367 = arith.constant 0 : i32
      %dma_wait3A_368 = tpu.memref_slice %arg7[%dma_wait3A_365, %dma_wait3A_366, %dma_wait3A_367] : memref<4x48x128xf32, #tpu.memory_space<vmem>> -> memref<1x48x128xf32, #tpu.memory_space<vmem>>
      %dma_wait3A_369 = tpu.memref_squeeze %dma_wait3A_368 : memref<1x48x128xf32, #tpu.memory_space<vmem>> -> memref<48x128xf32, #tpu.memory_space<vmem>>
      %dma_wait3A_370 = arith.constant 0 : i32
      %dma_wait3A_371 = tpu.memref_slice %arg5[%dma_wait3A_363, %dma_wait3A_364, %dma_wait3A_370] : memref<4x3x48xi32, #tpu.memory_space<vmem>> -> memref<1x1x48xi32, #tpu.memory_space<vmem>>
      %dma_wait3A_372 = tpu.memref_squeeze %dma_wait3A_371 : memref<1x1x48xi32, #tpu.memory_space<vmem>> -> memref<48xi32, #tpu.memory_space<vmem>>
      %dma_wait3A_373 = arith.constant 0 : i32
      %dma_wait3A_374 = arith.constant 0 : i32
      %dma_wait3A_375 = tpu.memref_slice %arg2[%dma_wait3A_373, %dma_wait3A_374] : memref<10000x128xf32, #tpu.memory_space<hbm>> -> memref<10000x128xf32, #tpu.memory_space<hbm>>
      tpu.wait_indirect_dma semaphore(%arg11 : memref<!tpu.dma_semaphore, #tpu.memory_space<semaphore_mem>>) src(%dma_wait3A_375 : memref<10000x128xf32, #tpu.memory_space<hbm>>) dst(%dma_wait3A_369 : memref<48x128xf32, #tpu.memory_space<vmem>>)
      %ge3A_376 = arith.constant 2 : i32
      %ge3A_377 = arith.cmpi sge, %add3A_362, %ge3A_376 : i32
      %convert_element_type3A_378 = arith.extui %ge3A_377 : i1 to i32
      %cond3A_379 = arith.constant 0 : i32
      %cond3A_380 = arith.cmpi ne, %convert_element_type3A_378, %cond3A_379 : i32
      scf.if %cond3A_380 {
        %dma_wait3A_617 = arith.constant 1 : i32
        %dma_wait3A_618 = arith.constant 1 : i32
        %dma_wait3A_619 = arith.constant 0 : i32
        %dma_wait3A_620 = arith.constant 0 : i32
        %dma_wait3A_621 = tpu.memref_slice %arg8[%dma_wait3A_617, %dma_wait3A_619, %dma_wait3A_620] : memref<2x48x144xf32, #tpu.memory_space<vmem>> -> memref<1x48x144xf32, #tpu.memory_space<vmem>>
        %dma_wait3A_622 = tpu.memref_squeeze %dma_wait3A_621 : memref<1x48x144xf32, #tpu.memory_space<vmem>> -> memref<48x144xf32, #tpu.memory_space<vmem>>
        %dma_wait3A_623 = arith.constant 0 : i32
        %dma_wait3A_624 = tpu.memref_slice %arg6[%dma_wait3A_618, %dma_wait3A_623] : memref<2x48xi32, #tpu.memory_space<vmem>> -> memref<1x48xi32, #tpu.memory_space<vmem>>
        %dma_wait3A_625 = tpu.memref_squeeze %dma_wait3A_624 : memref<1x48xi32, #tpu.memory_space<vmem>> -> memref<48xi32, #tpu.memory_space<vmem>>
        %dma_wait3A_626 = arith.constant 0 : i32
        %dma_wait3A_627 = arith.constant 0 : i32
        %dma_wait3A_628 = tpu.memref_slice %arg9[%dma_wait3A_626, %dma_wait3A_627] : memref<10000x144xf32, #tpu.memory_space<vmem_shared>> -> memref<10000x144xf32, #tpu.memory_space<vmem_shared>>
        tpu.wait_indirect_dma semaphore(%arg15 : memref<!tpu.dma_semaphore, #tpu.memory_space<semaphore_mem>>) src(%dma_wait3A_622 : memref<48x144xf32, #tpu.memory_space<vmem>>) dst(%dma_wait3A_628 : memref<10000x144xf32, #tpu.memory_space<vmem_shared>>)
      } else {
      }
      %scan3A_381 = arith.constant 1 : i32
      %scan3A_382 = arith.constant 2 : i32
      %scan3A_383 = arith.constant 0 : i32
      %scan3A_384 = arith.constant 0 : i32
      %scan3A_385 = arith.constant 24 : i32
      %scan3A_386 = arith.addi %scan3A_384, %scan3A_385 : i32
      %scan3A_387 = arith.constant 1 : i32
      %scan3A_388 = scf.for %scan3A_617 = %scan3A_384 to %scan3A_386 step %scan3A_387 iter_args(%scan3A_618 = %scan3A_383) -> (i32)  : i32 {
        %mul3A_619 = arith.constant 2 : i32
        %mul3A_620 = arith.muli %mul3A_619, %scan3A_617 : i32
        %add3A_621 = arith.constant 0 : i32
        %add3A_622 = arith.addi %mul3A_620, %add3A_621 : i32
        %broadcast_in_dim3A_623 = vector.broadcast %add3A_622 : i32 to vector<16xi32>
        %gather3A = arith.constant 0 : i32
        %gather3A_624 = tpu.memref_slice %arg5[%scan3A_381, %scan3A_382, %gather3A] : memref<4x3x48xi32, #tpu.memory_space<vmem>> -> memref<1x1x48xi32, #tpu.memory_space<vmem>>
        %gather3A_625 = tpu.memref_squeeze %gather3A_624 : memref<1x1x48xi32, #tpu.memory_space<vmem>> -> memref<48xi32, #tpu.memory_space<vmem>>
        %gather3A_626 = tpu.vector_load_idx %gather3A_625[%broadcast_in_dim3A_623] : memref<48xi32, #tpu.memory_space<vmem>>[vector<16xi32>], vector<16xi32>,
        %bitcast3A = vector.bitcast %gather3A_626 : vector<16xi32> to vector<16xf32>
        %add3A_627 = arith.constant 1 : i32
        %add3A_628 = arith.addi %mul3A_620, %add3A_627 : i32
        %broadcast_in_dim3A_629 = vector.broadcast %add3A_628 : i32 to vector<16xi32>
        %gather3A_630 = arith.constant 0 : i32
        %gather3A_631 = tpu.memref_slice %arg5[%scan3A_381, %scan3A_382, %gather3A_630] : memref<4x3x48xi32, #tpu.memory_space<vmem>> -> memref<1x1x48xi32, #tpu.memory_space<vmem>>
        %gather3A_632 = tpu.memref_squeeze %gather3A_631 : memref<1x1x48xi32, #tpu.memory_space<vmem>> -> memref<48xi32, #tpu.memory_space<vmem>>
        %gather3A_633 = tpu.vector_load_idx %gather3A_632[%broadcast_in_dim3A_629] : memref<48xi32, #tpu.memory_space<vmem>>[vector<16xi32>], vector<16xi32>,
        %bitcast3A_634 = vector.bitcast %gather3A_633 : vector<16xi32> to vector<16xf32>
        %add3A_635 = arith.constant 0 : i32
        %add3A_636 = arith.addi %mul3A_620, %add3A_635 : i32
        %get3A_637 = arith.constant 1 : i32
        %get3A_638 = arith.index_cast %get3A_637 : i32 to index
        %get3A_639 = arith.index_cast %add3A_636 : i32 to index
        %get3A_640 = arith.constant 0 : index
        %get3A_641 = tpu.vector_load %arg7[%get3A_638, %get3A_639, %get3A_640] {strides = array<i32>} : memref<4x48x128xf32, #tpu.memory_space<vmem>>, vector<16xf32>,
        %add3A_642 = arith.constant 0 : i32
        %add3A_643 = arith.addi %mul3A_620, %add3A_642 : i32
        %get3A_644 = arith.constant 1 : i32
        %get3A_645 = arith.index_cast %get3A_644 : i32 to index
        %get3A_646 = arith.index_cast %add3A_643 : i32 to index
        %get3A_647 = arith.constant 16 : index
        %get3A_648 = tpu.vector_load %arg7[%get3A_645, %get3A_646, %get3A_647] {strides = array<i32>} : memref<4x48x128xf32, #tpu.memory_space<vmem>>, vector<16xf32>,
        %add3A_649 = arith.constant 0 : i32
        %add3A_650 = arith.addi %mul3A_620, %add3A_649 : i32
        %get3A_651 = arith.constant 1 : i32
        %get3A_652 = arith.index_cast %get3A_651 : i32 to index
        %get3A_653 = arith.index_cast %add3A_650 : i32 to index
        %get3A_654 = arith.constant 32 : index
        %get3A_655 = tpu.vector_load %arg7[%get3A_652, %get3A_653, %get3A_654] {strides = array<i32>} : memref<4x48x128xf32, #tpu.memory_space<vmem>>, vector<16xf32>,
        %add3A_656 = arith.constant 0 : i32
        %add3A_657 = arith.addi %mul3A_620, %add3A_656 : i32
        %get3A_658 = arith.constant 1 : i32
        %get3A_659 = arith.index_cast %get3A_658 : i32 to index
        %get3A_660 = arith.index_cast %add3A_657 : i32 to index
        %get3A_661 = arith.constant 48 : index
        %get3A_662 = tpu.vector_load %arg7[%get3A_659, %get3A_660, %get3A_661] {strides = array<i32>} : memref<4x48x128xf32, #tpu.memory_space<vmem>>, vector<16xf32>,
        %add3A_663 = arith.constant 0 : i32
        %add3A_664 = arith.addi %mul3A_620, %add3A_663 : i32
        %get3A_665 = arith.constant 1 : i32
        %get3A_666 = arith.index_cast %get3A_665 : i32 to index
        %get3A_667 = arith.index_cast %add3A_664 : i32 to index
        %get3A_668 = arith.constant 64 : index
        %get3A_669 = tpu.vector_load %arg7[%get3A_666, %get3A_667, %get3A_668] {strides = array<i32>} : memref<4x48x128xf32, #tpu.memory_space<vmem>>, vector<16xf32>,
        %add3A_670 = arith.constant 0 : i32
        %add3A_671 = arith.addi %mul3A_620, %add3A_670 : i32
        %get3A_672 = arith.constant 1 : i32
        %get3A_673 = arith.index_cast %get3A_672 : i32 to index
        %get3A_674 = arith.index_cast %add3A_671 : i32 to index
        %get3A_675 = arith.constant 80 : index
        %get3A_676 = tpu.vector_load %arg7[%get3A_673, %get3A_674, %get3A_675] {strides = array<i32>} : memref<4x48x128xf32, #tpu.memory_space<vmem>>, vector<16xf32>,
        %add3A_677 = arith.constant 0 : i32
        %add3A_678 = arith.addi %mul3A_620, %add3A_677 : i32
        %get3A_679 = arith.constant 1 : i32
        %get3A_680 = arith.index_cast %get3A_679 : i32 to index
        %get3A_681 = arith.index_cast %add3A_678 : i32 to index
        %get3A_682 = arith.constant 96 : index
        %get3A_683 = tpu.vector_load %arg7[%get3A_680, %get3A_681, %get3A_682] {strides = array<i32>} : memref<4x48x128xf32, #tpu.memory_space<vmem>>, vector<16xf32>,
        %add3A_684 = arith.constant 0 : i32
        %add3A_685 = arith.addi %mul3A_620, %add3A_684 : i32
        %get3A_686 = arith.constant 1 : i32
        %get3A_687 = arith.index_cast %get3A_686 : i32 to index
        %get3A_688 = arith.index_cast %add3A_685 : i32 to index
        %get3A_689 = arith.constant 112 : index
        %get3A_690 = tpu.vector_load %arg7[%get3A_687, %get3A_688, %get3A_689] {strides = array<i32>} : memref<4x48x128xf32, #tpu.memory_space<vmem>>, vector<16xf32>,
        %add3A_691 = arith.constant 1 : i32
        %add3A_692 = arith.addi %mul3A_620, %add3A_691 : i32
        %get3A_693 = arith.constant 1 : i32
        %get3A_694 = arith.index_cast %get3A_693 : i32 to index
        %get3A_695 = arith.index_cast %add3A_692 : i32 to index
        %get3A_696 = arith.constant 0 : index
        %get3A_697 = tpu.vector_load %arg7[%get3A_694, %get3A_695, %get3A_696] {strides = array<i32>} : memref<4x48x128xf32, #tpu.memory_space<vmem>>, vector<16xf32>,
        %add3A_698 = arith.constant 1 : i32
        %add3A_699 = arith.addi %mul3A_620, %add3A_698 : i32
        %get3A_700 = arith.constant 1 : i32
        %get3A_701 = arith.index_cast %get3A_700 : i32 to index
        %get3A_702 = arith.index_cast %add3A_699 : i32 to index
        %get3A_703 = arith.constant 16 : index
        %get3A_704 = tpu.vector_load %arg7[%get3A_701, %get3A_702, %get3A_703] {strides = array<i32>} : memref<4x48x128xf32, #tpu.memory_space<vmem>>, vector<16xf32>,
        %add3A_705 = arith.constant 1 : i32
        %add3A_706 = arith.addi %mul3A_620, %add3A_705 : i32
        %get3A_707 = arith.constant 1 : i32
        %get3A_708 = arith.index_cast %get3A_707 : i32 to index
        %get3A_709 = arith.index_cast %add3A_706 : i32 to index
        %get3A_710 = arith.constant 32 : index
        %get3A_711 = tpu.vector_load %arg7[%get3A_708, %get3A_709, %get3A_710] {strides = array<i32>} : memref<4x48x128xf32, #tpu.memory_space<vmem>>, vector<16xf32>,
        %add3A_712 = arith.constant 1 : i32
        %add3A_713 = arith.addi %mul3A_620, %add3A_712 : i32
        %get3A_714 = arith.constant 1 : i32
        %get3A_715 = arith.index_cast %get3A_714 : i32 to index
        %get3A_716 = arith.index_cast %add3A_713 : i32 to index
        %get3A_717 = arith.constant 48 : index
        %get3A_718 = tpu.vector_load %arg7[%get3A_715, %get3A_716, %get3A_717] {strides = array<i32>} : memref<4x48x128xf32, #tpu.memory_space<vmem>>, vector<16xf32>,
        %add3A_719 = arith.constant 1 : i32
        %add3A_720 = arith.addi %mul3A_620, %add3A_719 : i32
        %get3A_721 = arith.constant 1 : i32
        %get3A_722 = arith.index_cast %get3A_721 : i32 to index
        %get3A_723 = arith.index_cast %add3A_720 : i32 to index
        %get3A_724 = arith.constant 64 : index
        %get3A_725 = tpu.vector_load %arg7[%get3A_722, %get3A_723, %get3A_724] {strides = array<i32>} : memref<4x48x128xf32, #tpu.memory_space<vmem>>, vector<16xf32>,
        %add3A_726 = arith.constant 1 : i32
        %add3A_727 = arith.addi %mul3A_620, %add3A_726 : i32
        %get3A_728 = arith.constant 1 : i32
        %get3A_729 = arith.index_cast %get3A_728 : i32 to index
        %get3A_730 = arith.index_cast %add3A_727 : i32 to index
        %get3A_731 = arith.constant 80 : index
        %get3A_732 = tpu.vector_load %arg7[%get3A_729, %get3A_730, %get3A_731] {strides = array<i32>} : memref<4x48x128xf32, #tpu.memory_space<vmem>>, vector<16xf32>,
        %add3A_733 = arith.constant 1 : i32
        %add3A_734 = arith.addi %mul3A_620, %add3A_733 : i32
        %get3A_735 = arith.constant 1 : i32
        %get3A_736 = arith.index_cast %get3A_735 : i32 to index
        %get3A_737 = arith.index_cast %add3A_734 : i32 to index
        %get3A_738 = arith.constant 96 : index
        %get3A_739 = tpu.vector_load %arg7[%get3A_736, %get3A_737, %get3A_738] {strides = array<i32>} : memref<4x48x128xf32, #tpu.memory_space<vmem>>, vector<16xf32>,
        %add3A_740 = arith.constant 1 : i32
        %add3A_741 = arith.addi %mul3A_620, %add3A_740 : i32
        %get3A_742 = arith.constant 1 : i32
        %get3A_743 = arith.index_cast %get3A_742 : i32 to index
        %get3A_744 = arith.index_cast %add3A_741 : i32 to index
        %get3A_745 = arith.constant 112 : index
        %get3A_746 = tpu.vector_load %arg7[%get3A_743, %get3A_744, %get3A_745] {strides = array<i32>} : memref<4x48x128xf32, #tpu.memory_space<vmem>>, vector<16xf32>,
        %mul3A_747 = arith.mulf %get3A_641, %bitcast3A : vector<16xf32>
        %mul3A_748 = arith.mulf %get3A_648, %bitcast3A : vector<16xf32>
        %mul3A_749 = arith.mulf %get3A_655, %bitcast3A : vector<16xf32>
        %mul3A_750 = arith.mulf %get3A_662, %bitcast3A : vector<16xf32>
        %mul3A_751 = arith.mulf %get3A_669, %bitcast3A : vector<16xf32>
        %mul3A_752 = arith.mulf %get3A_676, %bitcast3A : vector<16xf32>
        %mul3A_753 = arith.mulf %get3A_683, %bitcast3A : vector<16xf32>
        %mul3A_754 = arith.mulf %get3A_690, %bitcast3A : vector<16xf32>
        %mul3A_755 = arith.mulf %get3A_697, %bitcast3A_634 : vector<16xf32>
        %mul3A_756 = arith.mulf %get3A_704, %bitcast3A_634 : vector<16xf32>
        %mul3A_757 = arith.mulf %get3A_711, %bitcast3A_634 : vector<16xf32>
        %mul3A_758 = arith.mulf %get3A_718, %bitcast3A_634 : vector<16xf32>
        %mul3A_759 = arith.mulf %get3A_725, %bitcast3A_634 : vector<16xf32>
        %mul3A_760 = arith.mulf %get3A_732, %bitcast3A_634 : vector<16xf32>
        %mul3A_761 = arith.mulf %get3A_739, %bitcast3A_634 : vector<16xf32>
        %mul3A_762 = arith.mulf %get3A_746, %bitcast3A_634 : vector<16xf32>
        %add3A_763 = arith.constant 0 : i32
        %add3A_764 = arith.addi %mul3A_620, %add3A_763 : i32
        %swap3A_765 = arith.constant 1 : i32
        %swap3A_766 = arith.index_cast %swap3A_765 : i32 to index
        %swap3A_767 = arith.index_cast %add3A_764 : i32 to index
        %swap3A_768 = arith.constant 0 : index
        %swap3A_769 = tpu.vector_load %arg8[%swap3A_766, %swap3A_767, %swap3A_768] {strides = array<i32>} : memref<2x48x144xf32, #tpu.memory_space<vmem>>, vector<16xf32>,
        tpu.vector_store %arg8[%swap3A_766, %swap3A_767, %swap3A_768], %mul3A_747 {strides = array<i32>} : memref<2x48x144xf32, #tpu.memory_space<vmem>>, vector<16xf32>,
        %add3A_770 = arith.constant 0 : i32
        %add3A_771 = arith.addi %mul3A_620, %add3A_770 : i32
        %swap3A_772 = arith.constant 1 : i32
        %swap3A_773 = arith.index_cast %swap3A_772 : i32 to index
        %swap3A_774 = arith.index_cast %add3A_771 : i32 to index
        %swap3A_775 = arith.constant 16 : index
        %swap3A_776 = tpu.vector_load %arg8[%swap3A_773, %swap3A_774, %swap3A_775] {strides = array<i32>} : memref<2x48x144xf32, #tpu.memory_space<vmem>>, vector<16xf32>,
        tpu.vector_store %arg8[%swap3A_773, %swap3A_774, %swap3A_775], %mul3A_748 {strides = array<i32>} : memref<2x48x144xf32, #tpu.memory_space<vmem>>, vector<16xf32>,
        %add3A_777 = arith.constant 0 : i32
        %add3A_778 = arith.addi %mul3A_620, %add3A_777 : i32
        %swap3A_779 = arith.constant 1 : i32
        %swap3A_780 = arith.index_cast %swap3A_779 : i32 to index
        %swap3A_781 = arith.index_cast %add3A_778 : i32 to index
        %swap3A_782 = arith.constant 32 : index
        %swap3A_783 = tpu.vector_load %arg8[%swap3A_780, %swap3A_781, %swap3A_782] {strides = array<i32>} : memref<2x48x144xf32, #tpu.memory_space<vmem>>, vector<16xf32>,
        tpu.vector_store %arg8[%swap3A_780, %swap3A_781, %swap3A_782], %mul3A_749 {strides = array<i32>} : memref<2x48x144xf32, #tpu.memory_space<vmem>>, vector<16xf32>,
        %add3A_784 = arith.constant 0 : i32
        %add3A_785 = arith.addi %mul3A_620, %add3A_784 : i32
        %swap3A_786 = arith.constant 1 : i32
        %swap3A_787 = arith.index_cast %swap3A_786 : i32 to index
        %swap3A_788 = arith.index_cast %add3A_785 : i32 to index
        %swap3A_789 = arith.constant 48 : index
        %swap3A_790 = tpu.vector_load %arg8[%swap3A_787, %swap3A_788, %swap3A_789] {strides = array<i32>} : memref<2x48x144xf32, #tpu.memory_space<vmem>>, vector<16xf32>,
        tpu.vector_store %arg8[%swap3A_787, %swap3A_788, %swap3A_789], %mul3A_750 {strides = array<i32>} : memref<2x48x144xf32, #tpu.memory_space<vmem>>, vector<16xf32>,
        %add3A_791 = arith.constant 0 : i32
        %add3A_792 = arith.addi %mul3A_620, %add3A_791 : i32
        %swap3A_793 = arith.constant 1 : i32
        %swap3A_794 = arith.index_cast %swap3A_793 : i32 to index
        %swap3A_795 = arith.index_cast %add3A_792 : i32 to index
        %swap3A_796 = arith.constant 64 : index
        %swap3A_797 = tpu.vector_load %arg8[%swap3A_794, %swap3A_795, %swap3A_796] {strides = array<i32>} : memref<2x48x144xf32, #tpu.memory_space<vmem>>, vector<16xf32>,
        tpu.vector_store %arg8[%swap3A_794, %swap3A_795, %swap3A_796], %mul3A_751 {strides = array<i32>} : memref<2x48x144xf32, #tpu.memory_space<vmem>>, vector<16xf32>,
        %add3A_798 = arith.constant 0 : i32
        %add3A_799 = arith.addi %mul3A_620, %add3A_798 : i32
        %swap3A_800 = arith.constant 1 : i32
        %swap3A_801 = arith.index_cast %swap3A_800 : i32 to index
        %swap3A_802 = arith.index_cast %add3A_799 : i32 to index
        %swap3A_803 = arith.constant 80 : index
        %swap3A_804 = tpu.vector_load %arg8[%swap3A_801, %swap3A_802, %swap3A_803] {strides = array<i32>} : memref<2x48x144xf32, #tpu.memory_space<vmem>>, vector<16xf32>,
        tpu.vector_store %arg8[%swap3A_801, %swap3A_802, %swap3A_803], %mul3A_752 {strides = array<i32>} : memref<2x48x144xf32, #tpu.memory_space<vmem>>, vector<16xf32>,
        %add3A_805 = arith.constant 0 : i32
        %add3A_806 = arith.addi %mul3A_620, %add3A_805 : i32
        %swap3A_807 = arith.constant 1 : i32
        %swap3A_808 = arith.index_cast %swap3A_807 : i32 to index
        %swap3A_809 = arith.index_cast %add3A_806 : i32 to index
        %swap3A_810 = arith.constant 96 : index
        %swap3A_811 = tpu.vector_load %arg8[%swap3A_808, %swap3A_809, %swap3A_810] {strides = array<i32>} : memref<2x48x144xf32, #tpu.memory_space<vmem>>, vector<16xf32>,
        tpu.vector_store %arg8[%swap3A_808, %swap3A_809, %swap3A_810], %mul3A_753 {strides = array<i32>} : memref<2x48x144xf32, #tpu.memory_space<vmem>>, vector<16xf32>,
        %add3A_812 = arith.constant 0 : i32
        %add3A_813 = arith.addi %mul3A_620, %add3A_812 : i32
        %swap3A_814 = arith.constant 1 : i32
        %swap3A_815 = arith.index_cast %swap3A_814 : i32 to index
        %swap3A_816 = arith.index_cast %add3A_813 : i32 to index
        %swap3A_817 = arith.constant 112 : index
        %swap3A_818 = tpu.vector_load %arg8[%swap3A_815, %swap3A_816, %swap3A_817] {strides = array<i32>} : memref<2x48x144xf32, #tpu.memory_space<vmem>>, vector<16xf32>,
        tpu.vector_store %arg8[%swap3A_815, %swap3A_816, %swap3A_817], %mul3A_754 {strides = array<i32>} : memref<2x48x144xf32, #tpu.memory_space<vmem>>, vector<16xf32>,
        %add3A_819 = arith.constant 1 : i32
        %add3A_820 = arith.addi %mul3A_620, %add3A_819 : i32
        %swap3A_821 = arith.constant 1 : i32
        %swap3A_822 = arith.index_cast %swap3A_821 : i32 to index
        %swap3A_823 = arith.index_cast %add3A_820 : i32 to index
        %swap3A_824 = arith.constant 0 : index
        %swap3A_825 = tpu.vector_load %arg8[%swap3A_822, %swap3A_823, %swap3A_824] {strides = array<i32>} : memref<2x48x144xf32, #tpu.memory_space<vmem>>, vector<16xf32>,
        tpu.vector_store %arg8[%swap3A_822, %swap3A_823, %swap3A_824], %mul3A_755 {strides = array<i32>} : memref<2x48x144xf32, #tpu.memory_space<vmem>>, vector<16xf32>,
        %add3A_826 = arith.constant 1 : i32
        %add3A_827 = arith.addi %mul3A_620, %add3A_826 : i32
        %swap3A_828 = arith.constant 1 : i32
        %swap3A_829 = arith.index_cast %swap3A_828 : i32 to index
        %swap3A_830 = arith.index_cast %add3A_827 : i32 to index
        %swap3A_831 = arith.constant 16 : index
        %swap3A_832 = tpu.vector_load %arg8[%swap3A_829, %swap3A_830, %swap3A_831] {strides = array<i32>} : memref<2x48x144xf32, #tpu.memory_space<vmem>>, vector<16xf32>,
        tpu.vector_store %arg8[%swap3A_829, %swap3A_830, %swap3A_831], %mul3A_756 {strides = array<i32>} : memref<2x48x144xf32, #tpu.memory_space<vmem>>, vector<16xf32>,
        %add3A_833 = arith.constant 1 : i32
        %add3A_834 = arith.addi %mul3A_620, %add3A_833 : i32
        %swap3A_835 = arith.constant 1 : i32
        %swap3A_836 = arith.index_cast %swap3A_835 : i32 to index
        %swap3A_837 = arith.index_cast %add3A_834 : i32 to index
        %swap3A_838 = arith.constant 32 : index
        %swap3A_839 = tpu.vector_load %arg8[%swap3A_836, %swap3A_837, %swap3A_838] {strides = array<i32>} : memref<2x48x144xf32, #tpu.memory_space<vmem>>, vector<16xf32>,
        tpu.vector_store %arg8[%swap3A_836, %swap3A_837, %swap3A_838], %mul3A_757 {strides = array<i32>} : memref<2x48x144xf32, #tpu.memory_space<vmem>>, vector<16xf32>,
        %add3A_840 = arith.constant 1 : i32
        %add3A_841 = arith.addi %mul3A_620, %add3A_840 : i32
        %swap3A_842 = arith.constant 1 : i32
        %swap3A_843 = arith.index_cast %swap3A_842 : i32 to index
        %swap3A_844 = arith.index_cast %add3A_841 : i32 to index
        %swap3A_845 = arith.constant 48 : index
        %swap3A_846 = tpu.vector_load %arg8[%swap3A_843, %swap3A_844, %swap3A_845] {strides = array<i32>} : memref<2x48x144xf32, #tpu.memory_space<vmem>>, vector<16xf32>,
        tpu.vector_store %arg8[%swap3A_843, %swap3A_844, %swap3A_845], %mul3A_758 {strides = array<i32>} : memref<2x48x144xf32, #tpu.memory_space<vmem>>, vector<16xf32>,
        %add3A_847 = arith.constant 1 : i32
        %add3A_848 = arith.addi %mul3A_620, %add3A_847 : i32
        %swap3A_849 = arith.constant 1 : i32
        %swap3A_850 = arith.index_cast %swap3A_849 : i32 to index
        %swap3A_851 = arith.index_cast %add3A_848 : i32 to index
        %swap3A_852 = arith.constant 64 : index
        %swap3A_853 = tpu.vector_load %arg8[%swap3A_850, %swap3A_851, %swap3A_852] {strides = array<i32>} : memref<2x48x144xf32, #tpu.memory_space<vmem>>, vector<16xf32>,
        tpu.vector_store %arg8[%swap3A_850, %swap3A_851, %swap3A_852], %mul3A_759 {strides = array<i32>} : memref<2x48x144xf32, #tpu.memory_space<vmem>>, vector<16xf32>,
        %add3A_854 = arith.constant 1 : i32
        %add3A_855 = arith.addi %mul3A_620, %add3A_854 : i32
        %swap3A_856 = arith.constant 1 : i32
        %swap3A_857 = arith.index_cast %swap3A_856 : i32 to index
        %swap3A_858 = arith.index_cast %add3A_855 : i32 to index
        %swap3A_859 = arith.constant 80 : index
        %swap3A_860 = tpu.vector_load %arg8[%swap3A_857, %swap3A_858, %swap3A_859] {strides = array<i32>} : memref<2x48x144xf32, #tpu.memory_space<vmem>>, vector<16xf32>,
        tpu.vector_store %arg8[%swap3A_857, %swap3A_858, %swap3A_859], %mul3A_760 {strides = array<i32>} : memref<2x48x144xf32, #tpu.memory_space<vmem>>, vector<16xf32>,
        %add3A_861 = arith.constant 1 : i32
        %add3A_862 = arith.addi %mul3A_620, %add3A_861 : i32
        %swap3A_863 = arith.constant 1 : i32
        %swap3A_864 = arith.index_cast %swap3A_863 : i32 to index
        %swap3A_865 = arith.index_cast %add3A_862 : i32 to index
        %swap3A_866 = arith.constant 96 : index
        %swap3A_867 = tpu.vector_load %arg8[%swap3A_864, %swap3A_865, %swap3A_866] {strides = array<i32>} : memref<2x48x144xf32, #tpu.memory_space<vmem>>, vector<16xf32>,
        tpu.vector_store %arg8[%swap3A_864, %swap3A_865, %swap3A_866], %mul3A_761 {strides = array<i32>} : memref<2x48x144xf32, #tpu.memory_space<vmem>>, vector<16xf32>,
        %add3A_868 = arith.constant 1 : i32
        %add3A_869 = arith.addi %mul3A_620, %add3A_868 : i32
        %swap3A_870 = arith.constant 1 : i32
        %swap3A_871 = arith.index_cast %swap3A_870 : i32 to index
        %swap3A_872 = arith.index_cast %add3A_869 : i32 to index
        %swap3A_873 = arith.constant 112 : index
        %swap3A_874 = tpu.vector_load %arg8[%swap3A_871, %swap3A_872, %swap3A_873] {strides = array<i32>} : memref<2x48x144xf32, #tpu.memory_space<vmem>>, vector<16xf32>,
        tpu.vector_store %arg8[%swap3A_871, %swap3A_872, %swap3A_873], %mul3A_762 {strides = array<i32>} : memref<2x48x144xf32, #tpu.memory_space<vmem>>, vector<16xf32>,
        %select_n3A = arith.select %eq3A_3, %bitcast3A, %broadcast_in_dim3A_1 : vector<16xi1>, vector<16xf32>
        %add3A_875 = arith.constant 0 : i32
        %add3A_876 = arith.addi %mul3A_620, %add3A_875 : i32
        %swap3A_877 = arith.constant 1 : i32
        %swap3A_878 = arith.index_cast %swap3A_877 : i32 to index
        %swap3A_879 = arith.index_cast %add3A_876 : i32 to index
        %swap3A_880 = arith.constant 128 : index
        %swap3A_881 = tpu.vector_load %arg8[%swap3A_878, %swap3A_879, %swap3A_880] {strides = array<i32>} : memref<2x48x144xf32, #tpu.memory_space<vmem>>, vector<16xf32>,
        tpu.vector_store %arg8[%swap3A_878, %swap3A_879, %swap3A_880], %select_n3A {strides = array<i32>} : memref<2x48x144xf32, #tpu.memory_space<vmem>>, vector<16xf32>,
        %select_n3A_882 = arith.select %eq3A_3, %bitcast3A_634, %broadcast_in_dim3A_1 : vector<16xi1>, vector<16xf32>
        %add3A_883 = arith.constant 1 : i32
        %add3A_884 = arith.addi %mul3A_620, %add3A_883 : i32
        %swap3A_885 = arith.constant 1 : i32
        %swap3A_886 = arith.index_cast %swap3A_885 : i32 to index
        %swap3A_887 = arith.index_cast %add3A_884 : i32 to index
        %swap3A_888 = arith.constant 128 : index
        %swap3A_889 = tpu.vector_load %arg8[%swap3A_886, %swap3A_887, %swap3A_888] {strides = array<i32>} : memref<2x48x144xf32, #tpu.memory_space<vmem>>, vector<16xf32>,
        tpu.vector_store %arg8[%swap3A_886, %swap3A_887, %swap3A_888], %select_n3A_882 {strides = array<i32>} : memref<2x48x144xf32, #tpu.memory_space<vmem>>, vector<16xf32>,
        %scan3A_890 = arith.constant 0 : i32
        scf.yield %scan3A_890 : i32
      }
      %scan3A_389 = arith.constant 24 : i32
      %get3A_390 = arith.constant 1 : i32
      %get3A_391 = arith.constant 1 : i32
      %get3A_392 = arith.index_cast %get3A_390 : i32 to index
      %get3A_393 = arith.index_cast %get3A_391 : i32 to index
      %get3A_394 = arith.constant 0 : index
      %get3A_395 = tpu.vector_load %arg5[%get3A_392, %get3A_393, %get3A_394] {strides = array<i32>} : memref<4x3x48xi32, #tpu.memory_space<vmem>>, vector<16xi32>,
      %swap3A_396 = arith.constant 1 : i32
      %swap3A_397 = arith.index_cast %swap3A_396 : i32 to index
      %swap3A_398 = arith.constant 0 : index
      %swap3A_399 = tpu.vector_load %arg6[%swap3A_397, %swap3A_398] {strides = array<i32>} : memref<2x48xi32, #tpu.memory_space<vmem>>, vector<16xi32>,
      tpu.vector_store %arg6[%swap3A_397, %swap3A_398], %get3A_395 {strides = array<i32>} : memref<2x48xi32, #tpu.memory_space<vmem>>, vector<16xi32>,
      %get3A_400 = arith.constant 1 : i32
      %get3A_401 = arith.constant 1 : i32
      %get3A_402 = arith.index_cast %get3A_400 : i32 to index
      %get3A_403 = arith.index_cast %get3A_401 : i32 to index
      %get3A_404 = arith.constant 16 : index
      %get3A_405 = tpu.vector_load %arg5[%get3A_402, %get3A_403, %get3A_404] {strides = array<i32>} : memref<4x3x48xi32, #tpu.memory_space<vmem>>, vector<16xi32>,
      %swap3A_406 = arith.constant 1 : i32
      %swap3A_407 = arith.index_cast %swap3A_406 : i32 to index
      %swap3A_408 = arith.constant 16 : index
      %swap3A_409 = tpu.vector_load %arg6[%swap3A_407, %swap3A_408] {strides = array<i32>} : memref<2x48xi32, #tpu.memory_space<vmem>>, vector<16xi32>,
      tpu.vector_store %arg6[%swap3A_407, %swap3A_408], %get3A_405 {strides = array<i32>} : memref<2x48xi32, #tpu.memory_space<vmem>>, vector<16xi32>,
      %get3A_410 = arith.constant 1 : i32
      %get3A_411 = arith.constant 1 : i32
      %get3A_412 = arith.index_cast %get3A_410 : i32 to index
      %get3A_413 = arith.index_cast %get3A_411 : i32 to index
      %get3A_414 = arith.constant 32 : index
      %get3A_415 = tpu.vector_load %arg5[%get3A_412, %get3A_413, %get3A_414] {strides = array<i32>} : memref<4x3x48xi32, #tpu.memory_space<vmem>>, vector<16xi32>,
      %swap3A_416 = arith.constant 1 : i32
      %swap3A_417 = arith.index_cast %swap3A_416 : i32 to index
      %swap3A_418 = arith.constant 32 : index
      %swap3A_419 = tpu.vector_load %arg6[%swap3A_417, %swap3A_418] {strides = array<i32>} : memref<2x48xi32, #tpu.memory_space<vmem>>, vector<16xi32>,
      tpu.vector_store %arg6[%swap3A_417, %swap3A_418], %get3A_415 {strides = array<i32>} : memref<2x48xi32, #tpu.memory_space<vmem>>, vector<16xi32>,
      %add3A_420 = arith.constant 3 : i32
      %add3A_421 = arith.addi %add3A_362, %add3A_420 : i32
      %lt3A_422 = arith.constant 212 : i32
      %lt3A_423 = arith.cmpi slt, %add3A_421, %lt3A_422 : i32
      %convert_element_type3A_424 = arith.extui %lt3A_423 : i1 to i32
      %cond3A_425 = arith.constant 0 : i32
      %cond3A_426 = arith.cmpi ne, %convert_element_type3A_424, %cond3A_425 : i32
      scf.if %cond3A_426 {
        %add3A_617 = arith.constant 3 : i32
        %add3A_618 = arith.addi %add3A_362, %add3A_617 : i32
        %dma_wait3A_619 = arith.constant 0 : i32
        %dma_wait3A_620 = arith.constant 0 : i32
        %dma_wait3A_621 = arith.constant 0 : i32
        %dma_wait3A_622 = tpu.memref_slice %arg5[%dma_wait3A_619, %dma_wait3A_620, %dma_wait3A_621] : memref<4x3x48xi32, #tpu.memory_space<vmem>> -> memref<1x3x48xi32, #tpu.memory_space<vmem>>
        %dma_wait3A_623 = tpu.memref_squeeze %dma_wait3A_622 : memref<1x3x48xi32, #tpu.memory_space<vmem>> -> memref<3x48xi32, #tpu.memory_space<vmem>>
        %dma_wait3A_624 = arith.constant 0 : i32
        %dma_wait3A_625 = arith.constant 0 : i32
        %dma_wait3A_626 = tpu.memref_slice %arg3[%add3A, %add3A_618, %dma_wait3A_624, %dma_wait3A_625] : memref<32x212x3x48xi32, #tpu.memory_space<hbm>> -> memref<1x1x3x48xi32, #tpu.memory_space<hbm>>
        %dma_wait3A_627 = tpu.memref_squeeze %dma_wait3A_626 : memref<1x1x3x48xi32, #tpu.memory_space<hbm>> -> memref<3x48xi32, #tpu.memory_space<hbm>>
        %dma_wait3A_628 = arith.constant 0 : i32
        %dma_wait3A_629 = arith.constant 0 : i32
        %dma_wait3A_630 = tpu.memref_slice %arg5[%dma_wait3A_619, %dma_wait3A_628, %dma_wait3A_629] : memref<4x3x48xi32, #tpu.memory_space<vmem>> -> memref<1x3x48xi32, #tpu.memory_space<vmem>>
        %dma_wait3A_631 = tpu.memref_squeeze %dma_wait3A_630 : memref<1x3x48xi32, #tpu.memory_space<vmem>> -> memref<3x48xi32, #tpu.memory_space<vmem>>
        %dma_wait3A_632 = arith.constant 0 : i32
        %dma_wait3A_633 = arith.constant 0 : i32
        %dma_wait3A_634 = tpu.memref_slice %arg3[%add3A, %add3A_618, %dma_wait3A_632, %dma_wait3A_633] : memref<32x212x3x48xi32, #tpu.memory_space<hbm>> -> memref<1x1x3x48xi32, #tpu.memory_space<hbm>>
        %dma_wait3A_635 = tpu.memref_squeeze %dma_wait3A_634 : memref<1x1x3x48xi32, #tpu.memory_space<hbm>> -> memref<3x48xi32, #tpu.memory_space<hbm>>
        tpu.wait_dma2 semaphore(%arg16 : memref<!tpu.dma_semaphore, #tpu.memory_space<semaphore_mem>>) src(%dma_wait3A_635 : memref<3x48xi32, #tpu.memory_space<hbm>>) dst(%dma_wait3A_631 : memref<3x48xi32, #tpu.memory_space<vmem>>)
        %dma_start3A_636 = arith.constant 0 : i32
        %dma_start3A_637 = arith.constant 0 : i32
        %dma_start3A_638 = arith.constant 0 : i32
        %dma_start3A_639 = arith.constant 0 : i32
        %dma_start3A_640 = arith.constant 0 : i32
        %dma_start3A_641 = tpu.memref_slice %arg7[%dma_start3A_638, %dma_start3A_639, %dma_start3A_640] : memref<4x48x128xf32, #tpu.memory_space<vmem>> -> memref<1x48x128xf32, #tpu.memory_space<vmem>>
        %dma_start3A_642 = tpu.memref_squeeze %dma_start3A_641 : memref<1x48x128xf32, #tpu.memory_space<vmem>> -> memref<48x128xf32, #tpu.memory_space<vmem>>
        %dma_start3A_643 = arith.constant 0 : i32
        %dma_start3A_644 = tpu.memref_slice %arg5[%dma_start3A_636, %dma_start3A_637, %dma_start3A_643] : memref<4x3x48xi32, #tpu.memory_space<vmem>> -> memref<1x1x48xi32, #tpu.memory_space<vmem>>
        %dma_start3A_645 = tpu.memref_squeeze %dma_start3A_644 : memref<1x1x48xi32, #tpu.memory_space<vmem>> -> memref<48xi32, #tpu.memory_space<vmem>>
        %dma_start3A_646 = arith.constant 0 : i32
        %dma_start3A_647 = arith.constant 0 : i32
        %dma_start3A_648 = tpu.memref_slice %arg2[%dma_start3A_646, %dma_start3A_647] : memref<10000x128xf32, #tpu.memory_space<hbm>> -> memref<10000x128xf32, #tpu.memory_space<hbm>>
        tpu.enqueue_indirect_dma source(%dma_start3A_648 : memref<10000x128xf32, #tpu.memory_space<hbm>>) target(%dma_start3A_642 : memref<48x128xf32, #tpu.memory_space<vmem>>) offsets(%dma_start3A_645 : memref<48xi32, #tpu.memory_space<vmem>>) semaphore(%arg10 : memref<!tpu.dma_semaphore, #tpu.memory_space<semaphore_mem>>)
      } else {
      }
      %add3A_427 = arith.constant 4 : i32
      %add3A_428 = arith.addi %add3A_362, %add3A_427 : i32
      %lt3A_429 = arith.constant 212 : i32
      %lt3A_430 = arith.cmpi slt, %add3A_428, %lt3A_429 : i32
      %convert_element_type3A_431 = arith.extui %lt3A_430 : i1 to i32
      %cond3A_432 = arith.constant 0 : i32
      %cond3A_433 = arith.cmpi ne, %convert_element_type3A_431, %cond3A_432 : i32
      scf.if %cond3A_433 {
        %add3A_617 = arith.constant 4 : i32
        %add3A_618 = arith.addi %add3A_362, %add3A_617 : i32
        %dma_start3A_619 = arith.constant 1 : i32
        %dma_start3A_620 = arith.constant 0 : i32
        %dma_start3A_621 = arith.constant 0 : i32
        %dma_start3A_622 = tpu.memref_slice %arg5[%dma_start3A_619, %dma_start3A_620, %dma_start3A_621] : memref<4x3x48xi32, #tpu.memory_space<vmem>> -> memref<1x3x48xi32, #tpu.memory_space<vmem>>
        %dma_start3A_623 = tpu.memref_squeeze %dma_start3A_622 : memref<1x3x48xi32, #tpu.memory_space<vmem>> -> memref<3x48xi32, #tpu.memory_space<vmem>>
        %dma_start3A_624 = arith.constant 0 : i32
        %dma_start3A_625 = arith.constant 0 : i32
        %dma_start3A_626 = tpu.memref_slice %arg3[%add3A, %add3A_618, %dma_start3A_624, %dma_start3A_625] : memref<32x212x3x48xi32, #tpu.memory_space<hbm>> -> memref<1x1x3x48xi32, #tpu.memory_space<hbm>>
        %dma_start3A_627 = tpu.memref_squeeze %dma_start3A_626 : memref<1x1x3x48xi32, #tpu.memory_space<hbm>> -> memref<3x48xi32, #tpu.memory_space<hbm>>
        %dma_start3A_628 = arith.constant 0 : i32
        %dma_start3A_629 = arith.constant 0 : i32
        %dma_start3A_630 = tpu.memref_slice %arg5[%dma_start3A_619, %dma_start3A_628, %dma_start3A_629] : memref<4x3x48xi32, #tpu.memory_space<vmem>> -> memref<1x3x48xi32, #tpu.memory_space<vmem>>
        %dma_start3A_631 = tpu.memref_squeeze %dma_start3A_630 : memref<1x3x48xi32, #tpu.memory_space<vmem>> -> memref<3x48xi32, #tpu.memory_space<vmem>>
        %dma_start3A_632 = arith.constant 0 : i32
        %dma_start3A_633 = arith.constant 0 : i32
        %dma_start3A_634 = tpu.memref_slice %arg3[%add3A, %add3A_618, %dma_start3A_632, %dma_start3A_633] : memref<32x212x3x48xi32, #tpu.memory_space<hbm>> -> memref<1x1x3x48xi32, #tpu.memory_space<hbm>>
        %dma_start3A_635 = tpu.memref_squeeze %dma_start3A_634 : memref<1x1x3x48xi32, #tpu.memory_space<hbm>> -> memref<3x48xi32, #tpu.memory_space<hbm>>
        tpu.enqueue_dma source(%dma_start3A_635 : memref<3x48xi32, #tpu.memory_space<hbm>>) target(%dma_start3A_631 : memref<3x48xi32, #tpu.memory_space<vmem>>) target_semaphore(%arg17 : memref<!tpu.dma_semaphore, #tpu.memory_space<semaphore_mem>>)
      } else {
      }
      %dma_start3A_434 = arith.constant 1 : i32
      %dma_start3A_435 = arith.constant 1 : i32
      %dma_start3A_436 = arith.constant 0 : i32
      %dma_start3A_437 = arith.constant 0 : i32
      %dma_start3A_438 = tpu.memref_slice %arg8[%dma_start3A_434, %dma_start3A_436, %dma_start3A_437] : memref<2x48x144xf32, #tpu.memory_space<vmem>> -> memref<1x48x144xf32, #tpu.memory_space<vmem>>
      %dma_start3A_439 = tpu.memref_squeeze %dma_start3A_438 : memref<1x48x144xf32, #tpu.memory_space<vmem>> -> memref<48x144xf32, #tpu.memory_space<vmem>>
      %dma_start3A_440 = arith.constant 0 : i32
      %dma_start3A_441 = tpu.memref_slice %arg6[%dma_start3A_435, %dma_start3A_440] : memref<2x48xi32, #tpu.memory_space<vmem>> -> memref<1x48xi32, #tpu.memory_space<vmem>>
      %dma_start3A_442 = tpu.memref_squeeze %dma_start3A_441 : memref<1x48xi32, #tpu.memory_space<vmem>> -> memref<48xi32, #tpu.memory_space<vmem>>
      %dma_start3A_443 = arith.constant 0 : i32
      %dma_start3A_444 = arith.constant 0 : i32
      %dma_start3A_445 = tpu.memref_slice %arg9[%dma_start3A_443, %dma_start3A_444] : memref<10000x144xf32, #tpu.memory_space<vmem_shared>> -> memref<10000x144xf32, #tpu.memory_space<vmem_shared>>
      tpu.enqueue_indirect_dma source(%dma_start3A_439 : memref<48x144xf32, #tpu.memory_space<vmem>>) target(%dma_start3A_445 : memref<10000x144xf32, #tpu.memory_space<vmem_shared>>) offsets(%dma_start3A_442 : memref<48xi32, #tpu.memory_space<vmem>>) semaphore(%arg15 : memref<!tpu.dma_semaphore, #tpu.memory_space<semaphore_mem>>) {add = true}
      %add3A_446 = arith.constant 2 : i32
      %add3A_447 = arith.addi %mul3A_281, %add3A_446 : i32
      %dma_wait3A_448 = arith.constant 2 : i32
      %dma_wait3A_449 = arith.constant 0 : i32
      %dma_wait3A_450 = arith.constant 2 : i32
      %dma_wait3A_451 = arith.constant 0 : i32
      %dma_wait3A_452 = arith.constant 0 : i32
      %dma_wait3A_453 = tpu.memref_slice %arg7[%dma_wait3A_450, %dma_wait3A_451, %dma_wait3A_452] : memref<4x48x128xf32, #tpu.memory_space<vmem>> -> memref<1x48x128xf32, #tpu.memory_space<vmem>>
      %dma_wait3A_454 = tpu.memref_squeeze %dma_wait3A_453 : memref<1x48x128xf32, #tpu.memory_space<vmem>> -> memref<48x128xf32, #tpu.memory_space<vmem>>
      %dma_wait3A_455 = arith.constant 0 : i32
      %dma_wait3A_456 = tpu.memref_slice %arg5[%dma_wait3A_448, %dma_wait3A_449, %dma_wait3A_455] : memref<4x3x48xi32, #tpu.memory_space<vmem>> -> memref<1x1x48xi32, #tpu.memory_space<vmem>>
      %dma_wait3A_457 = tpu.memref_squeeze %dma_wait3A_456 : memref<1x1x48xi32, #tpu.memory_space<vmem>> -> memref<48xi32, #tpu.memory_space<vmem>>
      %dma_wait3A_458 = arith.constant 0 : i32
      %dma_wait3A_459 = arith.constant 0 : i32
      %dma_wait3A_460 = tpu.memref_slice %arg2[%dma_wait3A_458, %dma_wait3A_459] : memref<10000x128xf32, #tpu.memory_space<hbm>> -> memref<10000x128xf32, #tpu.memory_space<hbm>>
      tpu.wait_indirect_dma semaphore(%arg12 : memref<!tpu.dma_semaphore, #tpu.memory_space<semaphore_mem>>) src(%dma_wait3A_460 : memref<10000x128xf32, #tpu.memory_space<hbm>>) dst(%dma_wait3A_454 : memref<48x128xf32, #tpu.memory_space<vmem>>)
      %ge3A_461 = arith.constant 2 : i32
      %ge3A_462 = arith.cmpi sge, %add3A_447, %ge3A_461 : i32
      %convert_element_type3A_463 = arith.extui %ge3A_462 : i1 to i32
      %cond3A_464 = arith.constant 0 : i32
      %cond3A_465 = arith.cmpi ne, %convert_element_type3A_463, %cond3A_464 : i32
      scf.if %cond3A_465 {
        %dma_wait3A_617 = arith.constant 0 : i32
        %dma_wait3A_618 = arith.constant 0 : i32
        %dma_wait3A_619 = arith.constant 0 : i32
        %dma_wait3A_620 = arith.constant 0 : i32
        %dma_wait3A_621 = tpu.memref_slice %arg8[%dma_wait3A_617, %dma_wait3A_619, %dma_wait3A_620] : memref<2x48x144xf32, #tpu.memory_space<vmem>> -> memref<1x48x144xf32, #tpu.memory_space<vmem>>
        %dma_wait3A_622 = tpu.memref_squeeze %dma_wait3A_621 : memref<1x48x144xf32, #tpu.memory_space<vmem>> -> memref<48x144xf32, #tpu.memory_space<vmem>>
        %dma_wait3A_623 = arith.constant 0 : i32
        %dma_wait3A_624 = tpu.memref_slice %arg6[%dma_wait3A_618, %dma_wait3A_623] : memref<2x48xi32, #tpu.memory_space<vmem>> -> memref<1x48xi32, #tpu.memory_space<vmem>>
        %dma_wait3A_625 = tpu.memref_squeeze %dma_wait3A_624 : memref<1x48xi32, #tpu.memory_space<vmem>> -> memref<48xi32, #tpu.memory_space<vmem>>
        %dma_wait3A_626 = arith.constant 0 : i32
        %dma_wait3A_627 = arith.constant 0 : i32
        %dma_wait3A_628 = tpu.memref_slice %arg9[%dma_wait3A_626, %dma_wait3A_627] : memref<10000x144xf32, #tpu.memory_space<vmem_shared>> -> memref<10000x144xf32, #tpu.memory_space<vmem_shared>>
        tpu.wait_indirect_dma semaphore(%arg14 : memref<!tpu.dma_semaphore, #tpu.memory_space<semaphore_mem>>) src(%dma_wait3A_622 : memref<48x144xf32, #tpu.memory_space<vmem>>) dst(%dma_wait3A_628 : memref<10000x144xf32, #tpu.memory_space<vmem_shared>>)
      } else {
      }
      %scan3A_466 = arith.constant 2 : i32
      %scan3A_467 = arith.constant 2 : i32
      %scan3A_468 = arith.constant 0 : i32
      %scan3A_469 = arith.constant 0 : i32
      %scan3A_470 = arith.constant 24 : i32
      %scan3A_471 = arith.addi %scan3A_469, %scan3A_470 : i32
      %scan3A_472 = arith.constant 1 : i32
      %scan3A_473 = scf.for %scan3A_617 = %scan3A_469 to %scan3A_471 step %scan3A_472 iter_args(%scan3A_618 = %scan3A_468) -> (i32)  : i32 {
        %mul3A_619 = arith.constant 2 : i32
        %mul3A_620 = arith.muli %mul3A_619, %scan3A_617 : i32
        %add3A_621 = arith.constant 0 : i32
        %add3A_622 = arith.addi %mul3A_620, %add3A_621 : i32
        %broadcast_in_dim3A_623 = vector.broadcast %add3A_622 : i32 to vector<16xi32>
        %gather3A = arith.constant 0 : i32
        %gather3A_624 = tpu.memref_slice %arg5[%scan3A_466, %scan3A_467, %gather3A] : memref<4x3x48xi32, #tpu.memory_space<vmem>> -> memref<1x1x48xi32, #tpu.memory_space<vmem>>
        %gather3A_625 = tpu.memref_squeeze %gather3A_624 : memref<1x1x48xi32, #tpu.memory_space<vmem>> -> memref<48xi32, #tpu.memory_space<vmem>>
        %gather3A_626 = tpu.vector_load_idx %gather3A_625[%broadcast_in_dim3A_623] : memref<48xi32, #tpu.memory_space<vmem>>[vector<16xi32>], vector<16xi32>,
        %bitcast3A = vector.bitcast %gather3A_626 : vector<16xi32> to vector<16xf32>
        %add3A_627 = arith.constant 1 : i32
        %add3A_628 = arith.addi %mul3A_620, %add3A_627 : i32
        %broadcast_in_dim3A_629 = vector.broadcast %add3A_628 : i32 to vector<16xi32>
        %gather3A_630 = arith.constant 0 : i32
        %gather3A_631 = tpu.memref_slice %arg5[%scan3A_466, %scan3A_467, %gather3A_630] : memref<4x3x48xi32, #tpu.memory_space<vmem>> -> memref<1x1x48xi32, #tpu.memory_space<vmem>>
        %gather3A_632 = tpu.memref_squeeze %gather3A_631 : memref<1x1x48xi32, #tpu.memory_space<vmem>> -> memref<48xi32, #tpu.memory_space<vmem>>
        %gather3A_633 = tpu.vector_load_idx %gather3A_632[%broadcast_in_dim3A_629] : memref<48xi32, #tpu.memory_space<vmem>>[vector<16xi32>], vector<16xi32>,
        %bitcast3A_634 = vector.bitcast %gather3A_633 : vector<16xi32> to vector<16xf32>
        %add3A_635 = arith.constant 0 : i32
        %add3A_636 = arith.addi %mul3A_620, %add3A_635 : i32
        %get3A_637 = arith.constant 2 : i32
        %get3A_638 = arith.index_cast %get3A_637 : i32 to index
        %get3A_639 = arith.index_cast %add3A_636 : i32 to index
        %get3A_640 = arith.constant 0 : index
        %get3A_641 = tpu.vector_load %arg7[%get3A_638, %get3A_639, %get3A_640] {strides = array<i32>} : memref<4x48x128xf32, #tpu.memory_space<vmem>>, vector<16xf32>,
        %add3A_642 = arith.constant 0 : i32
        %add3A_643 = arith.addi %mul3A_620, %add3A_642 : i32
        %get3A_644 = arith.constant 2 : i32
        %get3A_645 = arith.index_cast %get3A_644 : i32 to index
        %get3A_646 = arith.index_cast %add3A_643 : i32 to index
        %get3A_647 = arith.constant 16 : index
        %get3A_648 = tpu.vector_load %arg7[%get3A_645, %get3A_646, %get3A_647] {strides = array<i32>} : memref<4x48x128xf32, #tpu.memory_space<vmem>>, vector<16xf32>,
        %add3A_649 = arith.constant 0 : i32
        %add3A_650 = arith.addi %mul3A_620, %add3A_649 : i32
        %get3A_651 = arith.constant 2 : i32
        %get3A_652 = arith.index_cast %get3A_651 : i32 to index
        %get3A_653 = arith.index_cast %add3A_650 : i32 to index
        %get3A_654 = arith.constant 32 : index
        %get3A_655 = tpu.vector_load %arg7[%get3A_652, %get3A_653, %get3A_654] {strides = array<i32>} : memref<4x48x128xf32, #tpu.memory_space<vmem>>, vector<16xf32>,
        %add3A_656 = arith.constant 0 : i32
        %add3A_657 = arith.addi %mul3A_620, %add3A_656 : i32
        %get3A_658 = arith.constant 2 : i32
        %get3A_659 = arith.index_cast %get3A_658 : i32 to index
        %get3A_660 = arith.index_cast %add3A_657 : i32 to index
        %get3A_661 = arith.constant 48 : index
        %get3A_662 = tpu.vector_load %arg7[%get3A_659, %get3A_660, %get3A_661] {strides = array<i32>} : memref<4x48x128xf32, #tpu.memory_space<vmem>>, vector<16xf32>,
        %add3A_663 = arith.constant 0 : i32
        %add3A_664 = arith.addi %mul3A_620, %add3A_663 : i32
        %get3A_665 = arith.constant 2 : i32
        %get3A_666 = arith.index_cast %get3A_665 : i32 to index
        %get3A_667 = arith.index_cast %add3A_664 : i32 to index
        %get3A_668 = arith.constant 64 : index
        %get3A_669 = tpu.vector_load %arg7[%get3A_666, %get3A_667, %get3A_668] {strides = array<i32>} : memref<4x48x128xf32, #tpu.memory_space<vmem>>, vector<16xf32>,
        %add3A_670 = arith.constant 0 : i32
        %add3A_671 = arith.addi %mul3A_620, %add3A_670 : i32
        %get3A_672 = arith.constant 2 : i32
        %get3A_673 = arith.index_cast %get3A_672 : i32 to index
        %get3A_674 = arith.index_cast %add3A_671 : i32 to index
        %get3A_675 = arith.constant 80 : index
        %get3A_676 = tpu.vector_load %arg7[%get3A_673, %get3A_674, %get3A_675] {strides = array<i32>} : memref<4x48x128xf32, #tpu.memory_space<vmem>>, vector<16xf32>,
        %add3A_677 = arith.constant 0 : i32
        %add3A_678 = arith.addi %mul3A_620, %add3A_677 : i32
        %get3A_679 = arith.constant 2 : i32
        %get3A_680 = arith.index_cast %get3A_679 : i32 to index
        %get3A_681 = arith.index_cast %add3A_678 : i32 to index
        %get3A_682 = arith.constant 96 : index
        %get3A_683 = tpu.vector_load %arg7[%get3A_680, %get3A_681, %get3A_682] {strides = array<i32>} : memref<4x48x128xf32, #tpu.memory_space<vmem>>, vector<16xf32>,
        %add3A_684 = arith.constant 0 : i32
        %add3A_685 = arith.addi %mul3A_620, %add3A_684 : i32
        %get3A_686 = arith.constant 2 : i32
        %get3A_687 = arith.index_cast %get3A_686 : i32 to index
        %get3A_688 = arith.index_cast %add3A_685 : i32 to index
        %get3A_689 = arith.constant 112 : index
        %get3A_690 = tpu.vector_load %arg7[%get3A_687, %get3A_688, %get3A_689] {strides = array<i32>} : memref<4x48x128xf32, #tpu.memory_space<vmem>>, vector<16xf32>,
        %add3A_691 = arith.constant 1 : i32
        %add3A_692 = arith.addi %mul3A_620, %add3A_691 : i32
        %get3A_693 = arith.constant 2 : i32
        %get3A_694 = arith.index_cast %get3A_693 : i32 to index
        %get3A_695 = arith.index_cast %add3A_692 : i32 to index
        %get3A_696 = arith.constant 0 : index
        %get3A_697 = tpu.vector_load %arg7[%get3A_694, %get3A_695, %get3A_696] {strides = array<i32>} : memref<4x48x128xf32, #tpu.memory_space<vmem>>, vector<16xf32>,
        %add3A_698 = arith.constant 1 : i32
        %add3A_699 = arith.addi %mul3A_620, %add3A_698 : i32
        %get3A_700 = arith.constant 2 : i32
        %get3A_701 = arith.index_cast %get3A_700 : i32 to index
        %get3A_702 = arith.index_cast %add3A_699 : i32 to index
        %get3A_703 = arith.constant 16 : index
        %get3A_704 = tpu.vector_load %arg7[%get3A_701, %get3A_702, %get3A_703] {strides = array<i32>} : memref<4x48x128xf32, #tpu.memory_space<vmem>>, vector<16xf32>,
        %add3A_705 = arith.constant 1 : i32
        %add3A_706 = arith.addi %mul3A_620, %add3A_705 : i32
        %get3A_707 = arith.constant 2 : i32
        %get3A_708 = arith.index_cast %get3A_707 : i32 to index
        %get3A_709 = arith.index_cast %add3A_706 : i32 to index
        %get3A_710 = arith.constant 32 : index
        %get3A_711 = tpu.vector_load %arg7[%get3A_708, %get3A_709, %get3A_710] {strides = array<i32>} : memref<4x48x128xf32, #tpu.memory_space<vmem>>, vector<16xf32>,
        %add3A_712 = arith.constant 1 : i32
        %add3A_713 = arith.addi %mul3A_620, %add3A_712 : i32
        %get3A_714 = arith.constant 2 : i32
        %get3A_715 = arith.index_cast %get3A_714 : i32 to index
        %get3A_716 = arith.index_cast %add3A_713 : i32 to index
        %get3A_717 = arith.constant 48 : index
        %get3A_718 = tpu.vector_load %arg7[%get3A_715, %get3A_716, %get3A_717] {strides = array<i32>} : memref<4x48x128xf32, #tpu.memory_space<vmem>>, vector<16xf32>,
        %add3A_719 = arith.constant 1 : i32
        %add3A_720 = arith.addi %mul3A_620, %add3A_719 : i32
        %get3A_721 = arith.constant 2 : i32
        %get3A_722 = arith.index_cast %get3A_721 : i32 to index
        %get3A_723 = arith.index_cast %add3A_720 : i32 to index
        %get3A_724 = arith.constant 64 : index
        %get3A_725 = tpu.vector_load %arg7[%get3A_722, %get3A_723, %get3A_724] {strides = array<i32>} : memref<4x48x128xf32, #tpu.memory_space<vmem>>, vector<16xf32>,
        %add3A_726 = arith.constant 1 : i32
        %add3A_727 = arith.addi %mul3A_620, %add3A_726 : i32
        %get3A_728 = arith.constant 2 : i32
        %get3A_729 = arith.index_cast %get3A_728 : i32 to index
        %get3A_730 = arith.index_cast %add3A_727 : i32 to index
        %get3A_731 = arith.constant 80 : index
        %get3A_732 = tpu.vector_load %arg7[%get3A_729, %get3A_730, %get3A_731] {strides = array<i32>} : memref<4x48x128xf32, #tpu.memory_space<vmem>>, vector<16xf32>,
        %add3A_733 = arith.constant 1 : i32
        %add3A_734 = arith.addi %mul3A_620, %add3A_733 : i32
        %get3A_735 = arith.constant 2 : i32
        %get3A_736 = arith.index_cast %get3A_735 : i32 to index
        %get3A_737 = arith.index_cast %add3A_734 : i32 to index
        %get3A_738 = arith.constant 96 : index
        %get3A_739 = tpu.vector_load %arg7[%get3A_736, %get3A_737, %get3A_738] {strides = array<i32>} : memref<4x48x128xf32, #tpu.memory_space<vmem>>, vector<16xf32>,
        %add3A_740 = arith.constant 1 : i32
        %add3A_741 = arith.addi %mul3A_620, %add3A_740 : i32
        %get3A_742 = arith.constant 2 : i32
        %get3A_743 = arith.index_cast %get3A_742 : i32 to index
        %get3A_744 = arith.index_cast %add3A_741 : i32 to index
        %get3A_745 = arith.constant 112 : index
        %get3A_746 = tpu.vector_load %arg7[%get3A_743, %get3A_744, %get3A_745] {strides = array<i32>} : memref<4x48x128xf32, #tpu.memory_space<vmem>>, vector<16xf32>,
        %mul3A_747 = arith.mulf %get3A_641, %bitcast3A : vector<16xf32>
        %mul3A_748 = arith.mulf %get3A_648, %bitcast3A : vector<16xf32>
        %mul3A_749 = arith.mulf %get3A_655, %bitcast3A : vector<16xf32>
        %mul3A_750 = arith.mulf %get3A_662, %bitcast3A : vector<16xf32>
        %mul3A_751 = arith.mulf %get3A_669, %bitcast3A : vector<16xf32>
        %mul3A_752 = arith.mulf %get3A_676, %bitcast3A : vector<16xf32>
        %mul3A_753 = arith.mulf %get3A_683, %bitcast3A : vector<16xf32>
        %mul3A_754 = arith.mulf %get3A_690, %bitcast3A : vector<16xf32>
        %mul3A_755 = arith.mulf %get3A_697, %bitcast3A_634 : vector<16xf32>
        %mul3A_756 = arith.mulf %get3A_704, %bitcast3A_634 : vector<16xf32>
        %mul3A_757 = arith.mulf %get3A_711, %bitcast3A_634 : vector<16xf32>
        %mul3A_758 = arith.mulf %get3A_718, %bitcast3A_634 : vector<16xf32>
        %mul3A_759 = arith.mulf %get3A_725, %bitcast3A_634 : vector<16xf32>
        %mul3A_760 = arith.mulf %get3A_732, %bitcast3A_634 : vector<16xf32>
        %mul3A_761 = arith.mulf %get3A_739, %bitcast3A_634 : vector<16xf32>
        %mul3A_762 = arith.mulf %get3A_746, %bitcast3A_634 : vector<16xf32>
        %add3A_763 = arith.constant 0 : i32
        %add3A_764 = arith.addi %mul3A_620, %add3A_763 : i32
        %swap3A_765 = arith.constant 0 : i32
        %swap3A_766 = arith.index_cast %swap3A_765 : i32 to index
        %swap3A_767 = arith.index_cast %add3A_764 : i32 to index
        %swap3A_768 = arith.constant 0 : index
        %swap3A_769 = tpu.vector_load %arg8[%swap3A_766, %swap3A_767, %swap3A_768] {strides = array<i32>} : memref<2x48x144xf32, #tpu.memory_space<vmem>>, vector<16xf32>,
        tpu.vector_store %arg8[%swap3A_766, %swap3A_767, %swap3A_768], %mul3A_747 {strides = array<i32>} : memref<2x48x144xf32, #tpu.memory_space<vmem>>, vector<16xf32>,
        %add3A_770 = arith.constant 0 : i32
        %add3A_771 = arith.addi %mul3A_620, %add3A_770 : i32
        %swap3A_772 = arith.constant 0 : i32
        %swap3A_773 = arith.index_cast %swap3A_772 : i32 to index
        %swap3A_774 = arith.index_cast %add3A_771 : i32 to index
        %swap3A_775 = arith.constant 16 : index
        %swap3A_776 = tpu.vector_load %arg8[%swap3A_773, %swap3A_774, %swap3A_775] {strides = array<i32>} : memref<2x48x144xf32, #tpu.memory_space<vmem>>, vector<16xf32>,
        tpu.vector_store %arg8[%swap3A_773, %swap3A_774, %swap3A_775], %mul3A_748 {strides = array<i32>} : memref<2x48x144xf32, #tpu.memory_space<vmem>>, vector<16xf32>,
        %add3A_777 = arith.constant 0 : i32
        %add3A_778 = arith.addi %mul3A_620, %add3A_777 : i32
        %swap3A_779 = arith.constant 0 : i32
        %swap3A_780 = arith.index_cast %swap3A_779 : i32 to index
        %swap3A_781 = arith.index_cast %add3A_778 : i32 to index
        %swap3A_782 = arith.constant 32 : index
        %swap3A_783 = tpu.vector_load %arg8[%swap3A_780, %swap3A_781, %swap3A_782] {strides = array<i32>} : memref<2x48x144xf32, #tpu.memory_space<vmem>>, vector<16xf32>,
        tpu.vector_store %arg8[%swap3A_780, %swap3A_781, %swap3A_782], %mul3A_749 {strides = array<i32>} : memref<2x48x144xf32, #tpu.memory_space<vmem>>, vector<16xf32>,
        %add3A_784 = arith.constant 0 : i32
        %add3A_785 = arith.addi %mul3A_620, %add3A_784 : i32
        %swap3A_786 = arith.constant 0 : i32
        %swap3A_787 = arith.index_cast %swap3A_786 : i32 to index
        %swap3A_788 = arith.index_cast %add3A_785 : i32 to index
        %swap3A_789 = arith.constant 48 : index
        %swap3A_790 = tpu.vector_load %arg8[%swap3A_787, %swap3A_788, %swap3A_789] {strides = array<i32>} : memref<2x48x144xf32, #tpu.memory_space<vmem>>, vector<16xf32>,
        tpu.vector_store %arg8[%swap3A_787, %swap3A_788, %swap3A_789], %mul3A_750 {strides = array<i32>} : memref<2x48x144xf32, #tpu.memory_space<vmem>>, vector<16xf32>,
        %add3A_791 = arith.constant 0 : i32
        %add3A_792 = arith.addi %mul3A_620, %add3A_791 : i32
        %swap3A_793 = arith.constant 0 : i32
        %swap3A_794 = arith.index_cast %swap3A_793 : i32 to index
        %swap3A_795 = arith.index_cast %add3A_792 : i32 to index
        %swap3A_796 = arith.constant 64 : index
        %swap3A_797 = tpu.vector_load %arg8[%swap3A_794, %swap3A_795, %swap3A_796] {strides = array<i32>} : memref<2x48x144xf32, #tpu.memory_space<vmem>>, vector<16xf32>,
        tpu.vector_store %arg8[%swap3A_794, %swap3A_795, %swap3A_796], %mul3A_751 {strides = array<i32>} : memref<2x48x144xf32, #tpu.memory_space<vmem>>, vector<16xf32>,
        %add3A_798 = arith.constant 0 : i32
        %add3A_799 = arith.addi %mul3A_620, %add3A_798 : i32
        %swap3A_800 = arith.constant 0 : i32
        %swap3A_801 = arith.index_cast %swap3A_800 : i32 to index
        %swap3A_802 = arith.index_cast %add3A_799 : i32 to index
        %swap3A_803 = arith.constant 80 : index
        %swap3A_804 = tpu.vector_load %arg8[%swap3A_801, %swap3A_802, %swap3A_803] {strides = array<i32>} : memref<2x48x144xf32, #tpu.memory_space<vmem>>, vector<16xf32>,
        tpu.vector_store %arg8[%swap3A_801, %swap3A_802, %swap3A_803], %mul3A_752 {strides = array<i32>} : memref<2x48x144xf32, #tpu.memory_space<vmem>>, vector<16xf32>,
        %add3A_805 = arith.constant 0 : i32
        %add3A_806 = arith.addi %mul3A_620, %add3A_805 : i32
        %swap3A_807 = arith.constant 0 : i32
        %swap3A_808 = arith.index_cast %swap3A_807 : i32 to index
        %swap3A_809 = arith.index_cast %add3A_806 : i32 to index
        %swap3A_810 = arith.constant 96 : index
        %swap3A_811 = tpu.vector_load %arg8[%swap3A_808, %swap3A_809, %swap3A_810] {strides = array<i32>} : memref<2x48x144xf32, #tpu.memory_space<vmem>>, vector<16xf32>,
        tpu.vector_store %arg8[%swap3A_808, %swap3A_809, %swap3A_810], %mul3A_753 {strides = array<i32>} : memref<2x48x144xf32, #tpu.memory_space<vmem>>, vector<16xf32>,
        %add3A_812 = arith.constant 0 : i32
        %add3A_813 = arith.addi %mul3A_620, %add3A_812 : i32
        %swap3A_814 = arith.constant 0 : i32
        %swap3A_815 = arith.index_cast %swap3A_814 : i32 to index
        %swap3A_816 = arith.index_cast %add3A_813 : i32 to index
        %swap3A_817 = arith.constant 112 : index
        %swap3A_818 = tpu.vector_load %arg8[%swap3A_815, %swap3A_816, %swap3A_817] {strides = array<i32>} : memref<2x48x144xf32, #tpu.memory_space<vmem>>, vector<16xf32>,
        tpu.vector_store %arg8[%swap3A_815, %swap3A_816, %swap3A_817], %mul3A_754 {strides = array<i32>} : memref<2x48x144xf32, #tpu.memory_space<vmem>>, vector<16xf32>,
        %add3A_819 = arith.constant 1 : i32
        %add3A_820 = arith.addi %mul3A_620, %add3A_819 : i32
        %swap3A_821 = arith.constant 0 : i32
        %swap3A_822 = arith.index_cast %swap3A_821 : i32 to index
        %swap3A_823 = arith.index_cast %add3A_820 : i32 to index
        %swap3A_824 = arith.constant 0 : index
        %swap3A_825 = tpu.vector_load %arg8[%swap3A_822, %swap3A_823, %swap3A_824] {strides = array<i32>} : memref<2x48x144xf32, #tpu.memory_space<vmem>>, vector<16xf32>,
        tpu.vector_store %arg8[%swap3A_822, %swap3A_823, %swap3A_824], %mul3A_755 {strides = array<i32>} : memref<2x48x144xf32, #tpu.memory_space<vmem>>, vector<16xf32>,
        %add3A_826 = arith.constant 1 : i32
        %add3A_827 = arith.addi %mul3A_620, %add3A_826 : i32
        %swap3A_828 = arith.constant 0 : i32
        %swap3A_829 = arith.index_cast %swap3A_828 : i32 to index
        %swap3A_830 = arith.index_cast %add3A_827 : i32 to index
        %swap3A_831 = arith.constant 16 : index
        %swap3A_832 = tpu.vector_load %arg8[%swap3A_829, %swap3A_830, %swap3A_831] {strides = array<i32>} : memref<2x48x144xf32, #tpu.memory_space<vmem>>, vector<16xf32>,
        tpu.vector_store %arg8[%swap3A_829, %swap3A_830, %swap3A_831], %mul3A_756 {strides = array<i32>} : memref<2x48x144xf32, #tpu.memory_space<vmem>>, vector<16xf32>,
        %add3A_833 = arith.constant 1 : i32
        %add3A_834 = arith.addi %mul3A_620, %add3A_833 : i32
        %swap3A_835 = arith.constant 0 : i32
        %swap3A_836 = arith.index_cast %swap3A_835 : i32 to index
        %swap3A_837 = arith.index_cast %add3A_834 : i32 to index
        %swap3A_838 = arith.constant 32 : index
        %swap3A_839 = tpu.vector_load %arg8[%swap3A_836, %swap3A_837, %swap3A_838] {strides = array<i32>} : memref<2x48x144xf32, #tpu.memory_space<vmem>>, vector<16xf32>,
        tpu.vector_store %arg8[%swap3A_836, %swap3A_837, %swap3A_838], %mul3A_757 {strides = array<i32>} : memref<2x48x144xf32, #tpu.memory_space<vmem>>, vector<16xf32>,
        %add3A_840 = arith.constant 1 : i32
        %add3A_841 = arith.addi %mul3A_620, %add3A_840 : i32
        %swap3A_842 = arith.constant 0 : i32
        %swap3A_843 = arith.index_cast %swap3A_842 : i32 to index
        %swap3A_844 = arith.index_cast %add3A_841 : i32 to index
        %swap3A_845 = arith.constant 48 : index
        %swap3A_846 = tpu.vector_load %arg8[%swap3A_843, %swap3A_844, %swap3A_845] {strides = array<i32>} : memref<2x48x144xf32, #tpu.memory_space<vmem>>, vector<16xf32>,
        tpu.vector_store %arg8[%swap3A_843, %swap3A_844, %swap3A_845], %mul3A_758 {strides = array<i32>} : memref<2x48x144xf32, #tpu.memory_space<vmem>>, vector<16xf32>,
        %add3A_847 = arith.constant 1 : i32
        %add3A_848 = arith.addi %mul3A_620, %add3A_847 : i32
        %swap3A_849 = arith.constant 0 : i32
        %swap3A_850 = arith.index_cast %swap3A_849 : i32 to index
        %swap3A_851 = arith.index_cast %add3A_848 : i32 to index
        %swap3A_852 = arith.constant 64 : index
        %swap3A_853 = tpu.vector_load %arg8[%swap3A_850, %swap3A_851, %swap3A_852] {strides = array<i32>} : memref<2x48x144xf32, #tpu.memory_space<vmem>>, vector<16xf32>,
        tpu.vector_store %arg8[%swap3A_850, %swap3A_851, %swap3A_852], %mul3A_759 {strides = array<i32>} : memref<2x48x144xf32, #tpu.memory_space<vmem>>, vector<16xf32>,
        %add3A_854 = arith.constant 1 : i32
        %add3A_855 = arith.addi %mul3A_620, %add3A_854 : i32
        %swap3A_856 = arith.constant 0 : i32
        %swap3A_857 = arith.index_cast %swap3A_856 : i32 to index
        %swap3A_858 = arith.index_cast %add3A_855 : i32 to index
        %swap3A_859 = arith.constant 80 : index
        %swap3A_860 = tpu.vector_load %arg8[%swap3A_857, %swap3A_858, %swap3A_859] {strides = array<i32>} : memref<2x48x144xf32, #tpu.memory_space<vmem>>, vector<16xf32>,
        tpu.vector_store %arg8[%swap3A_857, %swap3A_858, %swap3A_859], %mul3A_760 {strides = array<i32>} : memref<2x48x144xf32, #tpu.memory_space<vmem>>, vector<16xf32>,
        %add3A_861 = arith.constant 1 : i32
        %add3A_862 = arith.addi %mul3A_620, %add3A_861 : i32
        %swap3A_863 = arith.constant 0 : i32
        %swap3A_864 = arith.index_cast %swap3A_863 : i32 to index
        %swap3A_865 = arith.index_cast %add3A_862 : i32 to index
        %swap3A_866 = arith.constant 96 : index
        %swap3A_867 = tpu.vector_load %arg8[%swap3A_864, %swap3A_865, %swap3A_866] {strides = array<i32>} : memref<2x48x144xf32, #tpu.memory_space<vmem>>, vector<16xf32>,
        tpu.vector_store %arg8[%swap3A_864, %swap3A_865, %swap3A_866], %mul3A_761 {strides = array<i32>} : memref<2x48x144xf32, #tpu.memory_space<vmem>>, vector<16xf32>,
        %add3A_868 = arith.constant 1 : i32
        %add3A_869 = arith.addi %mul3A_620, %add3A_868 : i32
        %swap3A_870 = arith.constant 0 : i32
        %swap3A_871 = arith.index_cast %swap3A_870 : i32 to index
        %swap3A_872 = arith.index_cast %add3A_869 : i32 to index
        %swap3A_873 = arith.constant 112 : index
        %swap3A_874 = tpu.vector_load %arg8[%swap3A_871, %swap3A_872, %swap3A_873] {strides = array<i32>} : memref<2x48x144xf32, #tpu.memory_space<vmem>>, vector<16xf32>,
        tpu.vector_store %arg8[%swap3A_871, %swap3A_872, %swap3A_873], %mul3A_762 {strides = array<i32>} : memref<2x48x144xf32, #tpu.memory_space<vmem>>, vector<16xf32>,
        %select_n3A = arith.select %eq3A_3, %bitcast3A, %broadcast_in_dim3A_1 : vector<16xi1>, vector<16xf32>
        %add3A_875 = arith.constant 0 : i32
        %add3A_876 = arith.addi %mul3A_620, %add3A_875 : i32
        %swap3A_877 = arith.constant 0 : i32
        %swap3A_878 = arith.index_cast %swap3A_877 : i32 to index
        %swap3A_879 = arith.index_cast %add3A_876 : i32 to index
        %swap3A_880 = arith.constant 128 : index
        %swap3A_881 = tpu.vector_load %arg8[%swap3A_878, %swap3A_879, %swap3A_880] {strides = array<i32>} : memref<2x48x144xf32, #tpu.memory_space<vmem>>, vector<16xf32>,
        tpu.vector_store %arg8[%swap3A_878, %swap3A_879, %swap3A_880], %select_n3A {strides = array<i32>} : memref<2x48x144xf32, #tpu.memory_space<vmem>>, vector<16xf32>,
        %select_n3A_882 = arith.select %eq3A_3, %bitcast3A_634, %broadcast_in_dim3A_1 : vector<16xi1>, vector<16xf32>
        %add3A_883 = arith.constant 1 : i32
        %add3A_884 = arith.addi %mul3A_620, %add3A_883 : i32
        %swap3A_885 = arith.constant 0 : i32
        %swap3A_886 = arith.index_cast %swap3A_885 : i32 to index
        %swap3A_887 = arith.index_cast %add3A_884 : i32 to index
        %swap3A_888 = arith.constant 128 : index
        %swap3A_889 = tpu.vector_load %arg8[%swap3A_886, %swap3A_887, %swap3A_888] {strides = array<i32>} : memref<2x48x144xf32, #tpu.memory_space<vmem>>, vector<16xf32>,
        tpu.vector_store %arg8[%swap3A_886, %swap3A_887, %swap3A_888], %select_n3A_882 {strides = array<i32>} : memref<2x48x144xf32, #tpu.memory_space<vmem>>, vector<16xf32>,
        %scan3A_890 = arith.constant 0 : i32
        scf.yield %scan3A_890 : i32
      }
      %scan3A_474 = arith.constant 24 : i32
      %get3A_475 = arith.constant 2 : i32
      %get3A_476 = arith.constant 1 : i32
      %get3A_477 = arith.index_cast %get3A_475 : i32 to index
      %get3A_478 = arith.index_cast %get3A_476 : i32 to index
      %get3A_479 = arith.constant 0 : index
      %get3A_480 = tpu.vector_load %arg5[%get3A_477, %get3A_478, %get3A_479] {strides = array<i32>} : memref<4x3x48xi32, #tpu.memory_space<vmem>>, vector<16xi32>,
      %swap3A_481 = arith.constant 0 : i32
      %swap3A_482 = arith.index_cast %swap3A_481 : i32 to index
      %swap3A_483 = arith.constant 0 : index
      %swap3A_484 = tpu.vector_load %arg6[%swap3A_482, %swap3A_483] {strides = array<i32>} : memref<2x48xi32, #tpu.memory_space<vmem>>, vector<16xi32>,
      tpu.vector_store %arg6[%swap3A_482, %swap3A_483], %get3A_480 {strides = array<i32>} : memref<2x48xi32, #tpu.memory_space<vmem>>, vector<16xi32>,
      %get3A_485 = arith.constant 2 : i32
      %get3A_486 = arith.constant 1 : i32
      %get3A_487 = arith.index_cast %get3A_485 : i32 to index
      %get3A_488 = arith.index_cast %get3A_486 : i32 to index
      %get3A_489 = arith.constant 16 : index
      %get3A_490 = tpu.vector_load %arg5[%get3A_487, %get3A_488, %get3A_489] {strides = array<i32>} : memref<4x3x48xi32, #tpu.memory_space<vmem>>, vector<16xi32>,
      %swap3A_491 = arith.constant 0 : i32
      %swap3A_492 = arith.index_cast %swap3A_491 : i32 to index
      %swap3A_493 = arith.constant 16 : index
      %swap3A_494 = tpu.vector_load %arg6[%swap3A_492, %swap3A_493] {strides = array<i32>} : memref<2x48xi32, #tpu.memory_space<vmem>>, vector<16xi32>,
      tpu.vector_store %arg6[%swap3A_492, %swap3A_493], %get3A_490 {strides = array<i32>} : memref<2x48xi32, #tpu.memory_space<vmem>>, vector<16xi32>,
      %get3A_495 = arith.constant 2 : i32
      %get3A_496 = arith.constant 1 : i32
      %get3A_497 = arith.index_cast %get3A_495 : i32 to index
      %get3A_498 = arith.index_cast %get3A_496 : i32 to index
      %get3A_499 = arith.constant 32 : index
      %get3A_500 = tpu.vector_load %arg5[%get3A_497, %get3A_498, %get3A_499] {strides = array<i32>} : memref<4x3x48xi32, #tpu.memory_space<vmem>>, vector<16xi32>,
      %swap3A_501 = arith.constant 0 : i32
      %swap3A_502 = arith.index_cast %swap3A_501 : i32 to index
      %swap3A_503 = arith.constant 32 : index
      %swap3A_504 = tpu.vector_load %arg6[%swap3A_502, %swap3A_503] {strides = array<i32>} : memref<2x48xi32, #tpu.memory_space<vmem>>, vector<16xi32>,
      tpu.vector_store %arg6[%swap3A_502, %swap3A_503], %get3A_500 {strides = array<i32>} : memref<2x48xi32, #tpu.memory_space<vmem>>, vector<16xi32>,
      %add3A_505 = arith.constant 3 : i32
      %add3A_506 = arith.addi %add3A_447, %add3A_505 : i32
      %lt3A_507 = arith.constant 212 : i32
      %lt3A_508 = arith.cmpi slt, %add3A_506, %lt3A_507 : i32
      %convert_element_type3A_509 = arith.extui %lt3A_508 : i1 to i32
      %cond3A_510 = arith.constant 0 : i32
      %cond3A_511 = arith.cmpi ne, %convert_element_type3A_509, %cond3A_510 : i32
      scf.if %cond3A_511 {
        %add3A_617 = arith.constant 3 : i32
        %add3A_618 = arith.addi %add3A_447, %add3A_617 : i32
        %dma_wait3A_619 = arith.constant 1 : i32
        %dma_wait3A_620 = arith.constant 0 : i32
        %dma_wait3A_621 = arith.constant 0 : i32
        %dma_wait3A_622 = tpu.memref_slice %arg5[%dma_wait3A_619, %dma_wait3A_620, %dma_wait3A_621] : memref<4x3x48xi32, #tpu.memory_space<vmem>> -> memref<1x3x48xi32, #tpu.memory_space<vmem>>
        %dma_wait3A_623 = tpu.memref_squeeze %dma_wait3A_622 : memref<1x3x48xi32, #tpu.memory_space<vmem>> -> memref<3x48xi32, #tpu.memory_space<vmem>>
        %dma_wait3A_624 = arith.constant 0 : i32
        %dma_wait3A_625 = arith.constant 0 : i32
        %dma_wait3A_626 = tpu.memref_slice %arg3[%add3A, %add3A_618, %dma_wait3A_624, %dma_wait3A_625] : memref<32x212x3x48xi32, #tpu.memory_space<hbm>> -> memref<1x1x3x48xi32, #tpu.memory_space<hbm>>
        %dma_wait3A_627 = tpu.memref_squeeze %dma_wait3A_626 : memref<1x1x3x48xi32, #tpu.memory_space<hbm>> -> memref<3x48xi32, #tpu.memory_space<hbm>>
        %dma_wait3A_628 = arith.constant 0 : i32
        %dma_wait3A_629 = arith.constant 0 : i32
        %dma_wait3A_630 = tpu.memref_slice %arg5[%dma_wait3A_619, %dma_wait3A_628, %dma_wait3A_629] : memref<4x3x48xi32, #tpu.memory_space<vmem>> -> memref<1x3x48xi32, #tpu.memory_space<vmem>>
        %dma_wait3A_631 = tpu.memref_squeeze %dma_wait3A_630 : memref<1x3x48xi32, #tpu.memory_space<vmem>> -> memref<3x48xi32, #tpu.memory_space<vmem>>
        %dma_wait3A_632 = arith.constant 0 : i32
        %dma_wait3A_633 = arith.constant 0 : i32
        %dma_wait3A_634 = tpu.memref_slice %arg3[%add3A, %add3A_618, %dma_wait3A_632, %dma_wait3A_633] : memref<32x212x3x48xi32, #tpu.memory_space<hbm>> -> memref<1x1x3x48xi32, #tpu.memory_space<hbm>>
        %dma_wait3A_635 = tpu.memref_squeeze %dma_wait3A_634 : memref<1x1x3x48xi32, #tpu.memory_space<hbm>> -> memref<3x48xi32, #tpu.memory_space<hbm>>
        tpu.wait_dma2 semaphore(%arg17 : memref<!tpu.dma_semaphore, #tpu.memory_space<semaphore_mem>>) src(%dma_wait3A_635 : memref<3x48xi32, #tpu.memory_space<hbm>>) dst(%dma_wait3A_631 : memref<3x48xi32, #tpu.memory_space<vmem>>)
        %dma_start3A_636 = arith.constant 1 : i32
        %dma_start3A_637 = arith.constant 0 : i32
        %dma_start3A_638 = arith.constant 1 : i32
        %dma_start3A_639 = arith.constant 0 : i32
        %dma_start3A_640 = arith.constant 0 : i32
        %dma_start3A_641 = tpu.memref_slice %arg7[%dma_start3A_638, %dma_start3A_639, %dma_start3A_640] : memref<4x48x128xf32, #tpu.memory_space<vmem>> -> memref<1x48x128xf32, #tpu.memory_space<vmem>>
        %dma_start3A_642 = tpu.memref_squeeze %dma_start3A_641 : memref<1x48x128xf32, #tpu.memory_space<vmem>> -> memref<48x128xf32, #tpu.memory_space<vmem>>
        %dma_start3A_643 = arith.constant 0 : i32
        %dma_start3A_644 = tpu.memref_slice %arg5[%dma_start3A_636, %dma_start3A_637, %dma_start3A_643] : memref<4x3x48xi32, #tpu.memory_space<vmem>> -> memref<1x1x48xi32, #tpu.memory_space<vmem>>
        %dma_start3A_645 = tpu.memref_squeeze %dma_start3A_644 : memref<1x1x48xi32, #tpu.memory_space<vmem>> -> memref<48xi32, #tpu.memory_space<vmem>>
        %dma_start3A_646 = arith.constant 0 : i32
        %dma_start3A_647 = arith.constant 0 : i32
        %dma_start3A_648 = tpu.memref_slice %arg2[%dma_start3A_646, %dma_start3A_647] : memref<10000x128xf32, #tpu.memory_space<hbm>> -> memref<10000x128xf32, #tpu.memory_space<hbm>>
        tpu.enqueue_indirect_dma source(%dma_start3A_648 : memref<10000x128xf32, #tpu.memory_space<hbm>>) target(%dma_start3A_642 : memref<48x128xf32, #tpu.memory_space<vmem>>) offsets(%dma_start3A_645 : memref<48xi32, #tpu.memory_space<vmem>>) semaphore(%arg11 : memref<!tpu.dma_semaphore, #tpu.memory_space<semaphore_mem>>)
      } else {
      }
      %add3A_512 = arith.constant 4 : i32
      %add3A_513 = arith.addi %add3A_447, %add3A_512 : i32
      %lt3A_514 = arith.constant 212 : i32
      %lt3A_515 = arith.cmpi slt, %add3A_513, %lt3A_514 : i32
      %convert_element_type3A_516 = arith.extui %lt3A_515 : i1 to i32
      %cond3A_517 = arith.constant 0 : i32
      %cond3A_518 = arith.cmpi ne, %convert_element_type3A_516, %cond3A_517 : i32
      scf.if %cond3A_518 {
        %add3A_617 = arith.constant 4 : i32
        %add3A_618 = arith.addi %add3A_447, %add3A_617 : i32
        %dma_start3A_619 = arith.constant 2 : i32
        %dma_start3A_620 = arith.constant 0 : i32
        %dma_start3A_621 = arith.constant 0 : i32
        %dma_start3A_622 = tpu.memref_slice %arg5[%dma_start3A_619, %dma_start3A_620, %dma_start3A_621] : memref<4x3x48xi32, #tpu.memory_space<vmem>> -> memref<1x3x48xi32, #tpu.memory_space<vmem>>
        %dma_start3A_623 = tpu.memref_squeeze %dma_start3A_622 : memref<1x3x48xi32, #tpu.memory_space<vmem>> -> memref<3x48xi32, #tpu.memory_space<vmem>>
        %dma_start3A_624 = arith.constant 0 : i32
        %dma_start3A_625 = arith.constant 0 : i32
        %dma_start3A_626 = tpu.memref_slice %arg3[%add3A, %add3A_618, %dma_start3A_624, %dma_start3A_625] : memref<32x212x3x48xi32, #tpu.memory_space<hbm>> -> memref<1x1x3x48xi32, #tpu.memory_space<hbm>>
        %dma_start3A_627 = tpu.memref_squeeze %dma_start3A_626 : memref<1x1x3x48xi32, #tpu.memory_space<hbm>> -> memref<3x48xi32, #tpu.memory_space<hbm>>
        %dma_start3A_628 = arith.constant 0 : i32
        %dma_start3A_629 = arith.constant 0 : i32
        %dma_start3A_630 = tpu.memref_slice %arg5[%dma_start3A_619, %dma_start3A_628, %dma_start3A_629] : memref<4x3x48xi32, #tpu.memory_space<vmem>> -> memref<1x3x48xi32, #tpu.memory_space<vmem>>
        %dma_start3A_631 = tpu.memref_squeeze %dma_start3A_630 : memref<1x3x48xi32, #tpu.memory_space<vmem>> -> memref<3x48xi32, #tpu.memory_space<vmem>>
        %dma_start3A_632 = arith.constant 0 : i32
        %dma_start3A_633 = arith.constant 0 : i32
        %dma_start3A_634 = tpu.memref_slice %arg3[%add3A, %add3A_618, %dma_start3A_632, %dma_start3A_633] : memref<32x212x3x48xi32, #tpu.memory_space<hbm>> -> memref<1x1x3x48xi32, #tpu.memory_space<hbm>>
        %dma_start3A_635 = tpu.memref_squeeze %dma_start3A_634 : memref<1x1x3x48xi32, #tpu.memory_space<hbm>> -> memref<3x48xi32, #tpu.memory_space<hbm>>
        tpu.enqueue_dma source(%dma_start3A_635 : memref<3x48xi32, #tpu.memory_space<hbm>>) target(%dma_start3A_631 : memref<3x48xi32, #tpu.memory_space<vmem>>) target_semaphore(%arg18 : memref<!tpu.dma_semaphore, #tpu.memory_space<semaphore_mem>>)
      } else {
      }
      %dma_start3A_519 = arith.constant 0 : i32
      %dma_start3A_520 = arith.constant 0 : i32
      %dma_start3A_521 = arith.constant 0 : i32
      %dma_start3A_522 = arith.constant 0 : i32
      %dma_start3A_523 = tpu.memref_slice %arg8[%dma_start3A_519, %dma_start3A_521, %dma_start3A_522] : memref<2x48x144xf32, #tpu.memory_space<vmem>> -> memref<1x48x144xf32, #tpu.memory_space<vmem>>
      %dma_start3A_524 = tpu.memref_squeeze %dma_start3A_523 : memref<1x48x144xf32, #tpu.memory_space<vmem>> -> memref<48x144xf32, #tpu.memory_space<vmem>>
      %dma_start3A_525 = arith.constant 0 : i32
      %dma_start3A_526 = tpu.memref_slice %arg6[%dma_start3A_520, %dma_start3A_525] : memref<2x48xi32, #tpu.memory_space<vmem>> -> memref<1x48xi32, #tpu.memory_space<vmem>>
      %dma_start3A_527 = tpu.memref_squeeze %dma_start3A_526 : memref<1x48xi32, #tpu.memory_space<vmem>> -> memref<48xi32, #tpu.memory_space<vmem>>
      %dma_start3A_528 = arith.constant 0 : i32
      %dma_start3A_529 = arith.constant 0 : i32
      %dma_start3A_530 = tpu.memref_slice %arg9[%dma_start3A_528, %dma_start3A_529] : memref<10000x144xf32, #tpu.memory_space<vmem_shared>> -> memref<10000x144xf32, #tpu.memory_space<vmem_shared>>
      tpu.enqueue_indirect_dma source(%dma_start3A_524 : memref<48x144xf32, #tpu.memory_space<vmem>>) target(%dma_start3A_530 : memref<10000x144xf32, #tpu.memory_space<vmem_shared>>) offsets(%dma_start3A_527 : memref<48xi32, #tpu.memory_space<vmem>>) semaphore(%arg14 : memref<!tpu.dma_semaphore, #tpu.memory_space<semaphore_mem>>) {add = true}
      %add3A_531 = arith.constant 3 : i32
      %add3A_532 = arith.addi %mul3A_281, %add3A_531 : i32
      %dma_wait3A_533 = arith.constant 3 : i32
      %dma_wait3A_534 = arith.constant 0 : i32
      %dma_wait3A_535 = arith.constant 3 : i32
      %dma_wait3A_536 = arith.constant 0 : i32
      %dma_wait3A_537 = arith.constant 0 : i32
      %dma_wait3A_538 = tpu.memref_slice %arg7[%dma_wait3A_535, %dma_wait3A_536, %dma_wait3A_537] : memref<4x48x128xf32, #tpu.memory_space<vmem>> -> memref<1x48x128xf32, #tpu.memory_space<vmem>>
      %dma_wait3A_539 = tpu.memref_squeeze %dma_wait3A_538 : memref<1x48x128xf32, #tpu.memory_space<vmem>> -> memref<48x128xf32, #tpu.memory_space<vmem>>
      %dma_wait3A_540 = arith.constant 0 : i32
      %dma_wait3A_541 = tpu.memref_slice %arg5[%dma_wait3A_533, %dma_wait3A_534, %dma_wait3A_540] : memref<4x3x48xi32, #tpu.memory_space<vmem>> -> memref<1x1x48xi32, #tpu.memory_space<vmem>>
      %dma_wait3A_542 = tpu.memref_squeeze %dma_wait3A_541 : memref<1x1x48xi32, #tpu.memory_space<vmem>> -> memref<48xi32, #tpu.memory_space<vmem>>
      %dma_wait3A_543 = arith.constant 0 : i32
      %dma_wait3A_544 = arith.constant 0 : i32
      %dma_wait3A_545 = tpu.memref_slice %arg2[%dma_wait3A_543, %dma_wait3A_544] : memref<10000x128xf32, #tpu.memory_space<hbm>> -> memref<10000x128xf32, #tpu.memory_space<hbm>>
      tpu.wait_indirect_dma semaphore(%arg13 : memref<!tpu.dma_semaphore, #tpu.memory_space<semaphore_mem>>) src(%dma_wait3A_545 : memref<10000x128xf32, #tpu.memory_space<hbm>>) dst(%dma_wait3A_539 : memref<48x128xf32, #tpu.memory_space<vmem>>)
      %ge3A_546 = arith.constant 2 : i32
      %ge3A_547 = arith.cmpi sge, %add3A_532, %ge3A_546 : i32
      %convert_element_type3A_548 = arith.extui %ge3A_547 : i1 to i32
      %cond3A_549 = arith.constant 0 : i32
      %cond3A_550 = arith.cmpi ne, %convert_element_type3A_548, %cond3A_549 : i32
      scf.if %cond3A_550 {
        %dma_wait3A_617 = arith.constant 1 : i32
        %dma_wait3A_618 = arith.constant 1 : i32
        %dma_wait3A_619 = arith.constant 0 : i32
        %dma_wait3A_620 = arith.constant 0 : i32
        %dma_wait3A_621 = tpu.memref_slice %arg8[%dma_wait3A_617, %dma_wait3A_619, %dma_wait3A_620] : memref<2x48x144xf32, #tpu.memory_space<vmem>> -> memref<1x48x144xf32, #tpu.memory_space<vmem>>
        %dma_wait3A_622 = tpu.memref_squeeze %dma_wait3A_621 : memref<1x48x144xf32, #tpu.memory_space<vmem>> -> memref<48x144xf32, #tpu.memory_space<vmem>>
        %dma_wait3A_623 = arith.constant 0 : i32
        %dma_wait3A_624 = tpu.memref_slice %arg6[%dma_wait3A_618, %dma_wait3A_623] : memref<2x48xi32, #tpu.memory_space<vmem>> -> memref<1x48xi32, #tpu.memory_space<vmem>>
        %dma_wait3A_625 = tpu.memref_squeeze %dma_wait3A_624 : memref<1x48xi32, #tpu.memory_space<vmem>> -> memref<48xi32, #tpu.memory_space<vmem>>
        %dma_wait3A_626 = arith.constant 0 : i32
        %dma_wait3A_627 = arith.constant 0 : i32
        %dma_wait3A_628 = tpu.memref_slice %arg9[%dma_wait3A_626, %dma_wait3A_627] : memref<10000x144xf32, #tpu.memory_space<vmem_shared>> -> memref<10000x144xf32, #tpu.memory_space<vmem_shared>>
        tpu.wait_indirect_dma semaphore(%arg15 : memref<!tpu.dma_semaphore, #tpu.memory_space<semaphore_mem>>) src(%dma_wait3A_622 : memref<48x144xf32, #tpu.memory_space<vmem>>) dst(%dma_wait3A_628 : memref<10000x144xf32, #tpu.memory_space<vmem_shared>>)
      } else {
      }
      %scan3A_551 = arith.constant 3 : i32
      %scan3A_552 = arith.constant 2 : i32
      %scan3A_553 = arith.constant 0 : i32
      %scan3A_554 = arith.constant 0 : i32
      %scan3A_555 = arith.constant 24 : i32
      %scan3A_556 = arith.addi %scan3A_554, %scan3A_555 : i32
      %scan3A_557 = arith.constant 1 : i32
      %scan3A_558 = scf.for %scan3A_617 = %scan3A_554 to %scan3A_556 step %scan3A_557 iter_args(%scan3A_618 = %scan3A_553) -> (i32)  : i32 {
        %mul3A_619 = arith.constant 2 : i32
        %mul3A_620 = arith.muli %mul3A_619, %scan3A_617 : i32
        %add3A_621 = arith.constant 0 : i32
        %add3A_622 = arith.addi %mul3A_620, %add3A_621 : i32
        %broadcast_in_dim3A_623 = vector.broadcast %add3A_622 : i32 to vector<16xi32>
        %gather3A = arith.constant 0 : i32
        %gather3A_624 = tpu.memref_slice %arg5[%scan3A_551, %scan3A_552, %gather3A] : memref<4x3x48xi32, #tpu.memory_space<vmem>> -> memref<1x1x48xi32, #tpu.memory_space<vmem>>
        %gather3A_625 = tpu.memref_squeeze %gather3A_624 : memref<1x1x48xi32, #tpu.memory_space<vmem>> -> memref<48xi32, #tpu.memory_space<vmem>>
        %gather3A_626 = tpu.vector_load_idx %gather3A_625[%broadcast_in_dim3A_623] : memref<48xi32, #tpu.memory_space<vmem>>[vector<16xi32>], vector<16xi32>,
        %bitcast3A = vector.bitcast %gather3A_626 : vector<16xi32> to vector<16xf32>
        %add3A_627 = arith.constant 1 : i32
        %add3A_628 = arith.addi %mul3A_620, %add3A_627 : i32
        %broadcast_in_dim3A_629 = vector.broadcast %add3A_628 : i32 to vector<16xi32>
        %gather3A_630 = arith.constant 0 : i32
        %gather3A_631 = tpu.memref_slice %arg5[%scan3A_551, %scan3A_552, %gather3A_630] : memref<4x3x48xi32, #tpu.memory_space<vmem>> -> memref<1x1x48xi32, #tpu.memory_space<vmem>>
        %gather3A_632 = tpu.memref_squeeze %gather3A_631 : memref<1x1x48xi32, #tpu.memory_space<vmem>> -> memref<48xi32, #tpu.memory_space<vmem>>
        %gather3A_633 = tpu.vector_load_idx %gather3A_632[%broadcast_in_dim3A_629] : memref<48xi32, #tpu.memory_space<vmem>>[vector<16xi32>], vector<16xi32>,
        %bitcast3A_634 = vector.bitcast %gather3A_633 : vector<16xi32> to vector<16xf32>
        %add3A_635 = arith.constant 0 : i32
        %add3A_636 = arith.addi %mul3A_620, %add3A_635 : i32
        %get3A_637 = arith.constant 3 : i32
        %get3A_638 = arith.index_cast %get3A_637 : i32 to index
        %get3A_639 = arith.index_cast %add3A_636 : i32 to index
        %get3A_640 = arith.constant 0 : index
        %get3A_641 = tpu.vector_load %arg7[%get3A_638, %get3A_639, %get3A_640] {strides = array<i32>} : memref<4x48x128xf32, #tpu.memory_space<vmem>>, vector<16xf32>,
        %add3A_642 = arith.constant 0 : i32
        %add3A_643 = arith.addi %mul3A_620, %add3A_642 : i32
        %get3A_644 = arith.constant 3 : i32
        %get3A_645 = arith.index_cast %get3A_644 : i32 to index
        %get3A_646 = arith.index_cast %add3A_643 : i32 to index
        %get3A_647 = arith.constant 16 : index
        %get3A_648 = tpu.vector_load %arg7[%get3A_645, %get3A_646, %get3A_647] {strides = array<i32>} : memref<4x48x128xf32, #tpu.memory_space<vmem>>, vector<16xf32>,
        %add3A_649 = arith.constant 0 : i32
        %add3A_650 = arith.addi %mul3A_620, %add3A_649 : i32
        %get3A_651 = arith.constant 3 : i32
        %get3A_652 = arith.index_cast %get3A_651 : i32 to index
        %get3A_653 = arith.index_cast %add3A_650 : i32 to index
        %get3A_654 = arith.constant 32 : index
        %get3A_655 = tpu.vector_load %arg7[%get3A_652, %get3A_653, %get3A_654] {strides = array<i32>} : memref<4x48x128xf32, #tpu.memory_space<vmem>>, vector<16xf32>,
        %add3A_656 = arith.constant 0 : i32
        %add3A_657 = arith.addi %mul3A_620, %add3A_656 : i32
        %get3A_658 = arith.constant 3 : i32
        %get3A_659 = arith.index_cast %get3A_658 : i32 to index
        %get3A_660 = arith.index_cast %add3A_657 : i32 to index
        %get3A_661 = arith.constant 48 : index
        %get3A_662 = tpu.vector_load %arg7[%get3A_659, %get3A_660, %get3A_661] {strides = array<i32>} : memref<4x48x128xf32, #tpu.memory_space<vmem>>, vector<16xf32>,
        %add3A_663 = arith.constant 0 : i32
        %add3A_664 = arith.addi %mul3A_620, %add3A_663 : i32
        %get3A_665 = arith.constant 3 : i32
        %get3A_666 = arith.index_cast %get3A_665 : i32 to index
        %get3A_667 = arith.index_cast %add3A_664 : i32 to index
        %get3A_668 = arith.constant 64 : index
        %get3A_669 = tpu.vector_load %arg7[%get3A_666, %get3A_667, %get3A_668] {strides = array<i32>} : memref<4x48x128xf32, #tpu.memory_space<vmem>>, vector<16xf32>,
        %add3A_670 = arith.constant 0 : i32
        %add3A_671 = arith.addi %mul3A_620, %add3A_670 : i32
        %get3A_672 = arith.constant 3 : i32
        %get3A_673 = arith.index_cast %get3A_672 : i32 to index
        %get3A_674 = arith.index_cast %add3A_671 : i32 to index
        %get3A_675 = arith.constant 80 : index
        %get3A_676 = tpu.vector_load %arg7[%get3A_673, %get3A_674, %get3A_675] {strides = array<i32>} : memref<4x48x128xf32, #tpu.memory_space<vmem>>, vector<16xf32>,
        %add3A_677 = arith.constant 0 : i32
        %add3A_678 = arith.addi %mul3A_620, %add3A_677 : i32
        %get3A_679 = arith.constant 3 : i32
        %get3A_680 = arith.index_cast %get3A_679 : i32 to index
        %get3A_681 = arith.index_cast %add3A_678 : i32 to index
        %get3A_682 = arith.constant 96 : index
        %get3A_683 = tpu.vector_load %arg7[%get3A_680, %get3A_681, %get3A_682] {strides = array<i32>} : memref<4x48x128xf32, #tpu.memory_space<vmem>>, vector<16xf32>,
        %add3A_684 = arith.constant 0 : i32
        %add3A_685 = arith.addi %mul3A_620, %add3A_684 : i32
        %get3A_686 = arith.constant 3 : i32
        %get3A_687 = arith.index_cast %get3A_686 : i32 to index
        %get3A_688 = arith.index_cast %add3A_685 : i32 to index
        %get3A_689 = arith.constant 112 : index
        %get3A_690 = tpu.vector_load %arg7[%get3A_687, %get3A_688, %get3A_689] {strides = array<i32>} : memref<4x48x128xf32, #tpu.memory_space<vmem>>, vector<16xf32>,
        %add3A_691 = arith.constant 1 : i32
        %add3A_692 = arith.addi %mul3A_620, %add3A_691 : i32
        %get3A_693 = arith.constant 3 : i32
        %get3A_694 = arith.index_cast %get3A_693 : i32 to index
        %get3A_695 = arith.index_cast %add3A_692 : i32 to index
        %get3A_696 = arith.constant 0 : index
        %get3A_697 = tpu.vector_load %arg7[%get3A_694, %get3A_695, %get3A_696] {strides = array<i32>} : memref<4x48x128xf32, #tpu.memory_space<vmem>>, vector<16xf32>,
        %add3A_698 = arith.constant 1 : i32
        %add3A_699 = arith.addi %mul3A_620, %add3A_698 : i32
        %get3A_700 = arith.constant 3 : i32
        %get3A_701 = arith.index_cast %get3A_700 : i32 to index
        %get3A_702 = arith.index_cast %add3A_699 : i32 to index
        %get3A_703 = arith.constant 16 : index
        %get3A_704 = tpu.vector_load %arg7[%get3A_701, %get3A_702, %get3A_703] {strides = array<i32>} : memref<4x48x128xf32, #tpu.memory_space<vmem>>, vector<16xf32>,
        %add3A_705 = arith.constant 1 : i32
        %add3A_706 = arith.addi %mul3A_620, %add3A_705 : i32
        %get3A_707 = arith.constant 3 : i32
        %get3A_708 = arith.index_cast %get3A_707 : i32 to index
        %get3A_709 = arith.index_cast %add3A_706 : i32 to index
        %get3A_710 = arith.constant 32 : index
        %get3A_711 = tpu.vector_load %arg7[%get3A_708, %get3A_709, %get3A_710] {strides = array<i32>} : memref<4x48x128xf32, #tpu.memory_space<vmem>>, vector<16xf32>,
        %add3A_712 = arith.constant 1 : i32
        %add3A_713 = arith.addi %mul3A_620, %add3A_712 : i32
        %get3A_714 = arith.constant 3 : i32
        %get3A_715 = arith.index_cast %get3A_714 : i32 to index
        %get3A_716 = arith.index_cast %add3A_713 : i32 to index
        %get3A_717 = arith.constant 48 : index
        %get3A_718 = tpu.vector_load %arg7[%get3A_715, %get3A_716, %get3A_717] {strides = array<i32>} : memref<4x48x128xf32, #tpu.memory_space<vmem>>, vector<16xf32>,
        %add3A_719 = arith.constant 1 : i32
        %add3A_720 = arith.addi %mul3A_620, %add3A_719 : i32
        %get3A_721 = arith.constant 3 : i32
        %get3A_722 = arith.index_cast %get3A_721 : i32 to index
        %get3A_723 = arith.index_cast %add3A_720 : i32 to index
        %get3A_724 = arith.constant 64 : index
        %get3A_725 = tpu.vector_load %arg7[%get3A_722, %get3A_723, %get3A_724] {strides = array<i32>} : memref<4x48x128xf32, #tpu.memory_space<vmem>>, vector<16xf32>,
        %add3A_726 = arith.constant 1 : i32
        %add3A_727 = arith.addi %mul3A_620, %add3A_726 : i32
        %get3A_728 = arith.constant 3 : i32
        %get3A_729 = arith.index_cast %get3A_728 : i32 to index
        %get3A_730 = arith.index_cast %add3A_727 : i32 to index
        %get3A_731 = arith.constant 80 : index
        %get3A_732 = tpu.vector_load %arg7[%get3A_729, %get3A_730, %get3A_731] {strides = array<i32>} : memref<4x48x128xf32, #tpu.memory_space<vmem>>, vector<16xf32>,
        %add3A_733 = arith.constant 1 : i32
        %add3A_734 = arith.addi %mul3A_620, %add3A_733 : i32
        %get3A_735 = arith.constant 3 : i32
        %get3A_736 = arith.index_cast %get3A_735 : i32 to index
        %get3A_737 = arith.index_cast %add3A_734 : i32 to index
        %get3A_738 = arith.constant 96 : index
        %get3A_739 = tpu.vector_load %arg7[%get3A_736, %get3A_737, %get3A_738] {strides = array<i32>} : memref<4x48x128xf32, #tpu.memory_space<vmem>>, vector<16xf32>,
        %add3A_740 = arith.constant 1 : i32
        %add3A_741 = arith.addi %mul3A_620, %add3A_740 : i32
        %get3A_742 = arith.constant 3 : i32
        %get3A_743 = arith.index_cast %get3A_742 : i32 to index
        %get3A_744 = arith.index_cast %add3A_741 : i32 to index
        %get3A_745 = arith.constant 112 : index
        %get3A_746 = tpu.vector_load %arg7[%get3A_743, %get3A_744, %get3A_745] {strides = array<i32>} : memref<4x48x128xf32, #tpu.memory_space<vmem>>, vector<16xf32>,
        %mul3A_747 = arith.mulf %get3A_641, %bitcast3A : vector<16xf32>
        %mul3A_748 = arith.mulf %get3A_648, %bitcast3A : vector<16xf32>
        %mul3A_749 = arith.mulf %get3A_655, %bitcast3A : vector<16xf32>
        %mul3A_750 = arith.mulf %get3A_662, %bitcast3A : vector<16xf32>
        %mul3A_751 = arith.mulf %get3A_669, %bitcast3A : vector<16xf32>
        %mul3A_752 = arith.mulf %get3A_676, %bitcast3A : vector<16xf32>
        %mul3A_753 = arith.mulf %get3A_683, %bitcast3A : vector<16xf32>
        %mul3A_754 = arith.mulf %get3A_690, %bitcast3A : vector<16xf32>
        %mul3A_755 = arith.mulf %get3A_697, %bitcast3A_634 : vector<16xf32>
        %mul3A_756 = arith.mulf %get3A_704, %bitcast3A_634 : vector<16xf32>
        %mul3A_757 = arith.mulf %get3A_711, %bitcast3A_634 : vector<16xf32>
        %mul3A_758 = arith.mulf %get3A_718, %bitcast3A_634 : vector<16xf32>
        %mul3A_759 = arith.mulf %get3A_725, %bitcast3A_634 : vector<16xf32>
        %mul3A_760 = arith.mulf %get3A_732, %bitcast3A_634 : vector<16xf32>
        %mul3A_761 = arith.mulf %get3A_739, %bitcast3A_634 : vector<16xf32>
        %mul3A_762 = arith.mulf %get3A_746, %bitcast3A_634 : vector<16xf32>
        %add3A_763 = arith.constant 0 : i32
        %add3A_764 = arith.addi %mul3A_620, %add3A_763 : i32
        %swap3A_765 = arith.constant 1 : i32
        %swap3A_766 = arith.index_cast %swap3A_765 : i32 to index
        %swap3A_767 = arith.index_cast %add3A_764 : i32 to index
        %swap3A_768 = arith.constant 0 : index
        %swap3A_769 = tpu.vector_load %arg8[%swap3A_766, %swap3A_767, %swap3A_768] {strides = array<i32>} : memref<2x48x144xf32, #tpu.memory_space<vmem>>, vector<16xf32>,
        tpu.vector_store %arg8[%swap3A_766, %swap3A_767, %swap3A_768], %mul3A_747 {strides = array<i32>} : memref<2x48x144xf32, #tpu.memory_space<vmem>>, vector<16xf32>,
        %add3A_770 = arith.constant 0 : i32
        %add3A_771 = arith.addi %mul3A_620, %add3A_770 : i32
        %swap3A_772 = arith.constant 1 : i32
        %swap3A_773 = arith.index_cast %swap3A_772 : i32 to index
        %swap3A_774 = arith.index_cast %add3A_771 : i32 to index
        %swap3A_775 = arith.constant 16 : index
        %swap3A_776 = tpu.vector_load %arg8[%swap3A_773, %swap3A_774, %swap3A_775] {strides = array<i32>} : memref<2x48x144xf32, #tpu.memory_space<vmem>>, vector<16xf32>,
        tpu.vector_store %arg8[%swap3A_773, %swap3A_774, %swap3A_775], %mul3A_748 {strides = array<i32>} : memref<2x48x144xf32, #tpu.memory_space<vmem>>, vector<16xf32>,
        %add3A_777 = arith.constant 0 : i32
        %add3A_778 = arith.addi %mul3A_620, %add3A_777 : i32
        %swap3A_779 = arith.constant 1 : i32
        %swap3A_780 = arith.index_cast %swap3A_779 : i32 to index
        %swap3A_781 = arith.index_cast %add3A_778 : i32 to index
        %swap3A_782 = arith.constant 32 : index
        %swap3A_783 = tpu.vector_load %arg8[%swap3A_780, %swap3A_781, %swap3A_782] {strides = array<i32>} : memref<2x48x144xf32, #tpu.memory_space<vmem>>, vector<16xf32>,
        tpu.vector_store %arg8[%swap3A_780, %swap3A_781, %swap3A_782], %mul3A_749 {strides = array<i32>} : memref<2x48x144xf32, #tpu.memory_space<vmem>>, vector<16xf32>,
        %add3A_784 = arith.constant 0 : i32
        %add3A_785 = arith.addi %mul3A_620, %add3A_784 : i32
        %swap3A_786 = arith.constant 1 : i32
        %swap3A_787 = arith.index_cast %swap3A_786 : i32 to index
        %swap3A_788 = arith.index_cast %add3A_785 : i32 to index
        %swap3A_789 = arith.constant 48 : index
        %swap3A_790 = tpu.vector_load %arg8[%swap3A_787, %swap3A_788, %swap3A_789] {strides = array<i32>} : memref<2x48x144xf32, #tpu.memory_space<vmem>>, vector<16xf32>,
        tpu.vector_store %arg8[%swap3A_787, %swap3A_788, %swap3A_789], %mul3A_750 {strides = array<i32>} : memref<2x48x144xf32, #tpu.memory_space<vmem>>, vector<16xf32>,
        %add3A_791 = arith.constant 0 : i32
        %add3A_792 = arith.addi %mul3A_620, %add3A_791 : i32
        %swap3A_793 = arith.constant 1 : i32
        %swap3A_794 = arith.index_cast %swap3A_793 : i32 to index
        %swap3A_795 = arith.index_cast %add3A_792 : i32 to index
        %swap3A_796 = arith.constant 64 : index
        %swap3A_797 = tpu.vector_load %arg8[%swap3A_794, %swap3A_795, %swap3A_796] {strides = array<i32>} : memref<2x48x144xf32, #tpu.memory_space<vmem>>, vector<16xf32>,
        tpu.vector_store %arg8[%swap3A_794, %swap3A_795, %swap3A_796], %mul3A_751 {strides = array<i32>} : memref<2x48x144xf32, #tpu.memory_space<vmem>>, vector<16xf32>,
        %add3A_798 = arith.constant 0 : i32
        %add3A_799 = arith.addi %mul3A_620, %add3A_798 : i32
        %swap3A_800 = arith.constant 1 : i32
        %swap3A_801 = arith.index_cast %swap3A_800 : i32 to index
        %swap3A_802 = arith.index_cast %add3A_799 : i32 to index
        %swap3A_803 = arith.constant 80 : index
        %swap3A_804 = tpu.vector_load %arg8[%swap3A_801, %swap3A_802, %swap3A_803] {strides = array<i32>} : memref<2x48x144xf32, #tpu.memory_space<vmem>>, vector<16xf32>,
        tpu.vector_store %arg8[%swap3A_801, %swap3A_802, %swap3A_803], %mul3A_752 {strides = array<i32>} : memref<2x48x144xf32, #tpu.memory_space<vmem>>, vector<16xf32>,
        %add3A_805 = arith.constant 0 : i32
        %add3A_806 = arith.addi %mul3A_620, %add3A_805 : i32
        %swap3A_807 = arith.constant 1 : i32
        %swap3A_808 = arith.index_cast %swap3A_807 : i32 to index
        %swap3A_809 = arith.index_cast %add3A_806 : i32 to index
        %swap3A_810 = arith.constant 96 : index
        %swap3A_811 = tpu.vector_load %arg8[%swap3A_808, %swap3A_809, %swap3A_810] {strides = array<i32>} : memref<2x48x144xf32, #tpu.memory_space<vmem>>, vector<16xf32>,
        tpu.vector_store %arg8[%swap3A_808, %swap3A_809, %swap3A_810], %mul3A_753 {strides = array<i32>} : memref<2x48x144xf32, #tpu.memory_space<vmem>>, vector<16xf32>,
        %add3A_812 = arith.constant 0 : i32
        %add3A_813 = arith.addi %mul3A_620, %add3A_812 : i32
        %swap3A_814 = arith.constant 1 : i32
        %swap3A_815 = arith.index_cast %swap3A_814 : i32 to index
        %swap3A_816 = arith.index_cast %add3A_813 : i32 to index
        %swap3A_817 = arith.constant 112 : index
        %swap3A_818 = tpu.vector_load %arg8[%swap3A_815, %swap3A_816, %swap3A_817] {strides = array<i32>} : memref<2x48x144xf32, #tpu.memory_space<vmem>>, vector<16xf32>,
        tpu.vector_store %arg8[%swap3A_815, %swap3A_816, %swap3A_817], %mul3A_754 {strides = array<i32>} : memref<2x48x144xf32, #tpu.memory_space<vmem>>, vector<16xf32>,
        %add3A_819 = arith.constant 1 : i32
        %add3A_820 = arith.addi %mul3A_620, %add3A_819 : i32
        %swap3A_821 = arith.constant 1 : i32
        %swap3A_822 = arith.index_cast %swap3A_821 : i32 to index
        %swap3A_823 = arith.index_cast %add3A_820 : i32 to index
        %swap3A_824 = arith.constant 0 : index
        %swap3A_825 = tpu.vector_load %arg8[%swap3A_822, %swap3A_823, %swap3A_824] {strides = array<i32>} : memref<2x48x144xf32, #tpu.memory_space<vmem>>, vector<16xf32>,
        tpu.vector_store %arg8[%swap3A_822, %swap3A_823, %swap3A_824], %mul3A_755 {strides = array<i32>} : memref<2x48x144xf32, #tpu.memory_space<vmem>>, vector<16xf32>,
        %add3A_826 = arith.constant 1 : i32
        %add3A_827 = arith.addi %mul3A_620, %add3A_826 : i32
        %swap3A_828 = arith.constant 1 : i32
        %swap3A_829 = arith.index_cast %swap3A_828 : i32 to index
        %swap3A_830 = arith.index_cast %add3A_827 : i32 to index
        %swap3A_831 = arith.constant 16 : index
        %swap3A_832 = tpu.vector_load %arg8[%swap3A_829, %swap3A_830, %swap3A_831] {strides = array<i32>} : memref<2x48x144xf32, #tpu.memory_space<vmem>>, vector<16xf32>,
        tpu.vector_store %arg8[%swap3A_829, %swap3A_830, %swap3A_831], %mul3A_756 {strides = array<i32>} : memref<2x48x144xf32, #tpu.memory_space<vmem>>, vector<16xf32>,
        %add3A_833 = arith.constant 1 : i32
        %add3A_834 = arith.addi %mul3A_620, %add3A_833 : i32
        %swap3A_835 = arith.constant 1 : i32
        %swap3A_836 = arith.index_cast %swap3A_835 : i32 to index
        %swap3A_837 = arith.index_cast %add3A_834 : i32 to index
        %swap3A_838 = arith.constant 32 : index
        %swap3A_839 = tpu.vector_load %arg8[%swap3A_836, %swap3A_837, %swap3A_838] {strides = array<i32>} : memref<2x48x144xf32, #tpu.memory_space<vmem>>, vector<16xf32>,
        tpu.vector_store %arg8[%swap3A_836, %swap3A_837, %swap3A_838], %mul3A_757 {strides = array<i32>} : memref<2x48x144xf32, #tpu.memory_space<vmem>>, vector<16xf32>,
        %add3A_840 = arith.constant 1 : i32
        %add3A_841 = arith.addi %mul3A_620, %add3A_840 : i32
        %swap3A_842 = arith.constant 1 : i32
        %swap3A_843 = arith.index_cast %swap3A_842 : i32 to index
        %swap3A_844 = arith.index_cast %add3A_841 : i32 to index
        %swap3A_845 = arith.constant 48 : index
        %swap3A_846 = tpu.vector_load %arg8[%swap3A_843, %swap3A_844, %swap3A_845] {strides = array<i32>} : memref<2x48x144xf32, #tpu.memory_space<vmem>>, vector<16xf32>,
        tpu.vector_store %arg8[%swap3A_843, %swap3A_844, %swap3A_845], %mul3A_758 {strides = array<i32>} : memref<2x48x144xf32, #tpu.memory_space<vmem>>, vector<16xf32>,
        %add3A_847 = arith.constant 1 : i32
        %add3A_848 = arith.addi %mul3A_620, %add3A_847 : i32
        %swap3A_849 = arith.constant 1 : i32
        %swap3A_850 = arith.index_cast %swap3A_849 : i32 to index
        %swap3A_851 = arith.index_cast %add3A_848 : i32 to index
        %swap3A_852 = arith.constant 64 : index
        %swap3A_853 = tpu.vector_load %arg8[%swap3A_850, %swap3A_851, %swap3A_852] {strides = array<i32>} : memref<2x48x144xf32, #tpu.memory_space<vmem>>, vector<16xf32>,
        tpu.vector_store %arg8[%swap3A_850, %swap3A_851, %swap3A_852], %mul3A_759 {strides = array<i32>} : memref<2x48x144xf32, #tpu.memory_space<vmem>>, vector<16xf32>,
        %add3A_854 = arith.constant 1 : i32
        %add3A_855 = arith.addi %mul3A_620, %add3A_854 : i32
        %swap3A_856 = arith.constant 1 : i32
        %swap3A_857 = arith.index_cast %swap3A_856 : i32 to index
        %swap3A_858 = arith.index_cast %add3A_855 : i32 to index
        %swap3A_859 = arith.constant 80 : index
        %swap3A_860 = tpu.vector_load %arg8[%swap3A_857, %swap3A_858, %swap3A_859] {strides = array<i32>} : memref<2x48x144xf32, #tpu.memory_space<vmem>>, vector<16xf32>,
        tpu.vector_store %arg8[%swap3A_857, %swap3A_858, %swap3A_859], %mul3A_760 {strides = array<i32>} : memref<2x48x144xf32, #tpu.memory_space<vmem>>, vector<16xf32>,
        %add3A_861 = arith.constant 1 : i32
        %add3A_862 = arith.addi %mul3A_620, %add3A_861 : i32
        %swap3A_863 = arith.constant 1 : i32
        %swap3A_864 = arith.index_cast %swap3A_863 : i32 to index
        %swap3A_865 = arith.index_cast %add3A_862 : i32 to index
        %swap3A_866 = arith.constant 96 : index
        %swap3A_867 = tpu.vector_load %arg8[%swap3A_864, %swap3A_865, %swap3A_866] {strides = array<i32>} : memref<2x48x144xf32, #tpu.memory_space<vmem>>, vector<16xf32>,
        tpu.vector_store %arg8[%swap3A_864, %swap3A_865, %swap3A_866], %mul3A_761 {strides = array<i32>} : memref<2x48x144xf32, #tpu.memory_space<vmem>>, vector<16xf32>,
        %add3A_868 = arith.constant 1 : i32
        %add3A_869 = arith.addi %mul3A_620, %add3A_868 : i32
        %swap3A_870 = arith.constant 1 : i32
        %swap3A_871 = arith.index_cast %swap3A_870 : i32 to index
        %swap3A_872 = arith.index_cast %add3A_869 : i32 to index
        %swap3A_873 = arith.constant 112 : index
        %swap3A_874 = tpu.vector_load %arg8[%swap3A_871, %swap3A_872, %swap3A_873] {strides = array<i32>} : memref<2x48x144xf32, #tpu.memory_space<vmem>>, vector<16xf32>,
        tpu.vector_store %arg8[%swap3A_871, %swap3A_872, %swap3A_873], %mul3A_762 {strides = array<i32>} : memref<2x48x144xf32, #tpu.memory_space<vmem>>, vector<16xf32>,
        %select_n3A = arith.select %eq3A_3, %bitcast3A, %broadcast_in_dim3A_1 : vector<16xi1>, vector<16xf32>
        %add3A_875 = arith.constant 0 : i32
        %add3A_876 = arith.addi %mul3A_620, %add3A_875 : i32
        %swap3A_877 = arith.constant 1 : i32
        %swap3A_878 = arith.index_cast %swap3A_877 : i32 to index
        %swap3A_879 = arith.index_cast %add3A_876 : i32 to index
        %swap3A_880 = arith.constant 128 : index
        %swap3A_881 = tpu.vector_load %arg8[%swap3A_878, %swap3A_879, %swap3A_880] {strides = array<i32>} : memref<2x48x144xf32, #tpu.memory_space<vmem>>, vector<16xf32>,
        tpu.vector_store %arg8[%swap3A_878, %swap3A_879, %swap3A_880], %select_n3A {strides = array<i32>} : memref<2x48x144xf32, #tpu.memory_space<vmem>>, vector<16xf32>,
        %select_n3A_882 = arith.select %eq3A_3, %bitcast3A_634, %broadcast_in_dim3A_1 : vector<16xi1>, vector<16xf32>
        %add3A_883 = arith.constant 1 : i32
        %add3A_884 = arith.addi %mul3A_620, %add3A_883 : i32
        %swap3A_885 = arith.constant 1 : i32
        %swap3A_886 = arith.index_cast %swap3A_885 : i32 to index
        %swap3A_887 = arith.index_cast %add3A_884 : i32 to index
        %swap3A_888 = arith.constant 128 : index
        %swap3A_889 = tpu.vector_load %arg8[%swap3A_886, %swap3A_887, %swap3A_888] {strides = array<i32>} : memref<2x48x144xf32, #tpu.memory_space<vmem>>, vector<16xf32>,
        tpu.vector_store %arg8[%swap3A_886, %swap3A_887, %swap3A_888], %select_n3A_882 {strides = array<i32>} : memref<2x48x144xf32, #tpu.memory_space<vmem>>, vector<16xf32>,
        %scan3A_890 = arith.constant 0 : i32
        scf.yield %scan3A_890 : i32
      }
      %scan3A_559 = arith.constant 24 : i32
      %get3A_560 = arith.constant 3 : i32
      %get3A_561 = arith.constant 1 : i32
      %get3A_562 = arith.index_cast %get3A_560 : i32 to index
      %get3A_563 = arith.index_cast %get3A_561 : i32 to index
      %get3A_564 = arith.constant 0 : index
      %get3A_565 = tpu.vector_load %arg5[%get3A_562, %get3A_563, %get3A_564] {strides = array<i32>} : memref<4x3x48xi32, #tpu.memory_space<vmem>>, vector<16xi32>,
      %swap3A_566 = arith.constant 1 : i32
      %swap3A_567 = arith.index_cast %swap3A_566 : i32 to index
      %swap3A_568 = arith.constant 0 : index
      %swap3A_569 = tpu.vector_load %arg6[%swap3A_567, %swap3A_568] {strides = array<i32>} : memref<2x48xi32, #tpu.memory_space<vmem>>, vector<16xi32>,
      tpu.vector_store %arg6[%swap3A_567, %swap3A_568], %get3A_565 {strides = array<i32>} : memref<2x48xi32, #tpu.memory_space<vmem>>, vector<16xi32>,
      %get3A_570 = arith.constant 3 : i32
      %get3A_571 = arith.constant 1 : i32
      %get3A_572 = arith.index_cast %get3A_570 : i32 to index
      %get3A_573 = arith.index_cast %get3A_571 : i32 to index
      %get3A_574 = arith.constant 16 : index
      %get3A_575 = tpu.vector_load %arg5[%get3A_572, %get3A_573, %get3A_574] {strides = array<i32>} : memref<4x3x48xi32, #tpu.memory_space<vmem>>, vector<16xi32>,
      %swap3A_576 = arith.constant 1 : i32
      %swap3A_577 = arith.index_cast %swap3A_576 : i32 to index
      %swap3A_578 = arith.constant 16 : index
      %swap3A_579 = tpu.vector_load %arg6[%swap3A_577, %swap3A_578] {strides = array<i32>} : memref<2x48xi32, #tpu.memory_space<vmem>>, vector<16xi32>,
      tpu.vector_store %arg6[%swap3A_577, %swap3A_578], %get3A_575 {strides = array<i32>} : memref<2x48xi32, #tpu.memory_space<vmem>>, vector<16xi32>,
      %get3A_580 = arith.constant 3 : i32
      %get3A_581 = arith.constant 1 : i32
      %get3A_582 = arith.index_cast %get3A_580 : i32 to index
      %get3A_583 = arith.index_cast %get3A_581 : i32 to index
      %get3A_584 = arith.constant 32 : index
      %get3A_585 = tpu.vector_load %arg5[%get3A_582, %get3A_583, %get3A_584] {strides = array<i32>} : memref<4x3x48xi32, #tpu.memory_space<vmem>>, vector<16xi32>,
      %swap3A_586 = arith.constant 1 : i32
      %swap3A_587 = arith.index_cast %swap3A_586 : i32 to index
      %swap3A_588 = arith.constant 32 : index
      %swap3A_589 = tpu.vector_load %arg6[%swap3A_587, %swap3A_588] {strides = array<i32>} : memref<2x48xi32, #tpu.memory_space<vmem>>, vector<16xi32>,
      tpu.vector_store %arg6[%swap3A_587, %swap3A_588], %get3A_585 {strides = array<i32>} : memref<2x48xi32, #tpu.memory_space<vmem>>, vector<16xi32>,
      %add3A_590 = arith.constant 3 : i32
      %add3A_591 = arith.addi %add3A_532, %add3A_590 : i32
      %lt3A_592 = arith.constant 212 : i32
      %lt3A_593 = arith.cmpi slt, %add3A_591, %lt3A_592 : i32
      %convert_element_type3A_594 = arith.extui %lt3A_593 : i1 to i32
      %cond3A_595 = arith.constant 0 : i32
      %cond3A_596 = arith.cmpi ne, %convert_element_type3A_594, %cond3A_595 : i32
      scf.if %cond3A_596 {
        %add3A_617 = arith.constant 3 : i32
        %add3A_618 = arith.addi %add3A_532, %add3A_617 : i32
        %dma_wait3A_619 = arith.constant 2 : i32
        %dma_wait3A_620 = arith.constant 0 : i32
        %dma_wait3A_621 = arith.constant 0 : i32
        %dma_wait3A_622 = tpu.memref_slice %arg5[%dma_wait3A_619, %dma_wait3A_620, %dma_wait3A_621] : memref<4x3x48xi32, #tpu.memory_space<vmem>> -> memref<1x3x48xi32, #tpu.memory_space<vmem>>
        %dma_wait3A_623 = tpu.memref_squeeze %dma_wait3A_622 : memref<1x3x48xi32, #tpu.memory_space<vmem>> -> memref<3x48xi32, #tpu.memory_space<vmem>>
        %dma_wait3A_624 = arith.constant 0 : i32
        %dma_wait3A_625 = arith.constant 0 : i32
        %dma_wait3A_626 = tpu.memref_slice %arg3[%add3A, %add3A_618, %dma_wait3A_624, %dma_wait3A_625] : memref<32x212x3x48xi32, #tpu.memory_space<hbm>> -> memref<1x1x3x48xi32, #tpu.memory_space<hbm>>
        %dma_wait3A_627 = tpu.memref_squeeze %dma_wait3A_626 : memref<1x1x3x48xi32, #tpu.memory_space<hbm>> -> memref<3x48xi32, #tpu.memory_space<hbm>>
        %dma_wait3A_628 = arith.constant 0 : i32
        %dma_wait3A_629 = arith.constant 0 : i32
        %dma_wait3A_630 = tpu.memref_slice %arg5[%dma_wait3A_619, %dma_wait3A_628, %dma_wait3A_629] : memref<4x3x48xi32, #tpu.memory_space<vmem>> -> memref<1x3x48xi32, #tpu.memory_space<vmem>>
        %dma_wait3A_631 = tpu.memref_squeeze %dma_wait3A_630 : memref<1x3x48xi32, #tpu.memory_space<vmem>> -> memref<3x48xi32, #tpu.memory_space<vmem>>
        %dma_wait3A_632 = arith.constant 0 : i32
        %dma_wait3A_633 = arith.constant 0 : i32
        %dma_wait3A_634 = tpu.memref_slice %arg3[%add3A, %add3A_618, %dma_wait3A_632, %dma_wait3A_633] : memref<32x212x3x48xi32, #tpu.memory_space<hbm>> -> memref<1x1x3x48xi32, #tpu.memory_space<hbm>>
        %dma_wait3A_635 = tpu.memref_squeeze %dma_wait3A_634 : memref<1x1x3x48xi32, #tpu.memory_space<hbm>> -> memref<3x48xi32, #tpu.memory_space<hbm>>
        tpu.wait_dma2 semaphore(%arg18 : memref<!tpu.dma_semaphore, #tpu.memory_space<semaphore_mem>>) src(%dma_wait3A_635 : memref<3x48xi32, #tpu.memory_space<hbm>>) dst(%dma_wait3A_631 : memref<3x48xi32, #tpu.memory_space<vmem>>)
        %dma_start3A_636 = arith.constant 2 : i32
        %dma_start3A_637 = arith.constant 0 : i32
        %dma_start3A_638 = arith.constant 2 : i32
        %dma_start3A_639 = arith.constant 0 : i32
        %dma_start3A_640 = arith.constant 0 : i32
        %dma_start3A_641 = tpu.memref_slice %arg7[%dma_start3A_638, %dma_start3A_639, %dma_start3A_640] : memref<4x48x128xf32, #tpu.memory_space<vmem>> -> memref<1x48x128xf32, #tpu.memory_space<vmem>>
        %dma_start3A_642 = tpu.memref_squeeze %dma_start3A_641 : memref<1x48x128xf32, #tpu.memory_space<vmem>> -> memref<48x128xf32, #tpu.memory_space<vmem>>
        %dma_start3A_643 = arith.constant 0 : i32
        %dma_start3A_644 = tpu.memref_slice %arg5[%dma_start3A_636, %dma_start3A_637, %dma_start3A_643] : memref<4x3x48xi32, #tpu.memory_space<vmem>> -> memref<1x1x48xi32, #tpu.memory_space<vmem>>
        %dma_start3A_645 = tpu.memref_squeeze %dma_start3A_644 : memref<1x1x48xi32, #tpu.memory_space<vmem>> -> memref<48xi32, #tpu.memory_space<vmem>>
        %dma_start3A_646 = arith.constant 0 : i32
        %dma_start3A_647 = arith.constant 0 : i32
        %dma_start3A_648 = tpu.memref_slice %arg2[%dma_start3A_646, %dma_start3A_647] : memref<10000x128xf32, #tpu.memory_space<hbm>> -> memref<10000x128xf32, #tpu.memory_space<hbm>>
        tpu.enqueue_indirect_dma source(%dma_start3A_648 : memref<10000x128xf32, #tpu.memory_space<hbm>>) target(%dma_start3A_642 : memref<48x128xf32, #tpu.memory_space<vmem>>) offsets(%dma_start3A_645 : memref<48xi32, #tpu.memory_space<vmem>>) semaphore(%arg12 : memref<!tpu.dma_semaphore, #tpu.memory_space<semaphore_mem>>)
      } else {
      }
      %add3A_597 = arith.constant 4 : i32
      %add3A_598 = arith.addi %add3A_532, %add3A_597 : i32
      %lt3A_599 = arith.constant 212 : i32
      %lt3A_600 = arith.cmpi slt, %add3A_598, %lt3A_599 : i32
      %convert_element_type3A_601 = arith.extui %lt3A_600 : i1 to i32
      %cond3A_602 = arith.constant 0 : i32
      %cond3A_603 = arith.cmpi ne, %convert_element_type3A_601, %cond3A_602 : i32
      scf.if %cond3A_603 {
        %add3A_617 = arith.constant 4 : i32
        %add3A_618 = arith.addi %add3A_532, %add3A_617 : i32
        %dma_start3A_619 = arith.constant 3 : i32
        %dma_start3A_620 = arith.constant 0 : i32
        %dma_start3A_621 = arith.constant 0 : i32
        %dma_start3A_622 = tpu.memref_slice %arg5[%dma_start3A_619, %dma_start3A_620, %dma_start3A_621] : memref<4x3x48xi32, #tpu.memory_space<vmem>> -> memref<1x3x48xi32, #tpu.memory_space<vmem>>
        %dma_start3A_623 = tpu.memref_squeeze %dma_start3A_622 : memref<1x3x48xi32, #tpu.memory_space<vmem>> -> memref<3x48xi32, #tpu.memory_space<vmem>>
        %dma_start3A_624 = arith.constant 0 : i32
        %dma_start3A_625 = arith.constant 0 : i32
        %dma_start3A_626 = tpu.memref_slice %arg3[%add3A, %add3A_618, %dma_start3A_624, %dma_start3A_625] : memref<32x212x3x48xi32, #tpu.memory_space<hbm>> -> memref<1x1x3x48xi32, #tpu.memory_space<hbm>>
        %dma_start3A_627 = tpu.memref_squeeze %dma_start3A_626 : memref<1x1x3x48xi32, #tpu.memory_space<hbm>> -> memref<3x48xi32, #tpu.memory_space<hbm>>
        %dma_start3A_628 = arith.constant 0 : i32
        %dma_start3A_629 = arith.constant 0 : i32
        %dma_start3A_630 = tpu.memref_slice %arg5[%dma_start3A_619, %dma_start3A_628, %dma_start3A_629] : memref<4x3x48xi32, #tpu.memory_space<vmem>> -> memref<1x3x48xi32, #tpu.memory_space<vmem>>
        %dma_start3A_631 = tpu.memref_squeeze %dma_start3A_630 : memref<1x3x48xi32, #tpu.memory_space<vmem>> -> memref<3x48xi32, #tpu.memory_space<vmem>>
        %dma_start3A_632 = arith.constant 0 : i32
        %dma_start3A_633 = arith.constant 0 : i32
        %dma_start3A_634 = tpu.memref_slice %arg3[%add3A, %add3A_618, %dma_start3A_632, %dma_start3A_633] : memref<32x212x3x48xi32, #tpu.memory_space<hbm>> -> memref<1x1x3x48xi32, #tpu.memory_space<hbm>>
        %dma_start3A_635 = tpu.memref_squeeze %dma_start3A_634 : memref<1x1x3x48xi32, #tpu.memory_space<hbm>> -> memref<3x48xi32, #tpu.memory_space<hbm>>
        tpu.enqueue_dma source(%dma_start3A_635 : memref<3x48xi32, #tpu.memory_space<hbm>>) target(%dma_start3A_631 : memref<3x48xi32, #tpu.memory_space<vmem>>) target_semaphore(%arg19 : memref<!tpu.dma_semaphore, #tpu.memory_space<semaphore_mem>>)
      } else {
      }
      %dma_start3A_604 = arith.constant 1 : i32
      %dma_start3A_605 = arith.constant 1 : i32
      %dma_start3A_606 = arith.constant 0 : i32
      %dma_start3A_607 = arith.constant 0 : i32
      %dma_start3A_608 = tpu.memref_slice %arg8[%dma_start3A_604, %dma_start3A_606, %dma_start3A_607] : memref<2x48x144xf32, #tpu.memory_space<vmem>> -> memref<1x48x144xf32, #tpu.memory_space<vmem>>
      %dma_start3A_609 = tpu.memref_squeeze %dma_start3A_608 : memref<1x48x144xf32, #tpu.memory_space<vmem>> -> memref<48x144xf32, #tpu.memory_space<vmem>>
      %dma_start3A_610 = arith.constant 0 : i32
      %dma_start3A_611 = tpu.memref_slice %arg6[%dma_start3A_605, %dma_start3A_610] : memref<2x48xi32, #tpu.memory_space<vmem>> -> memref<1x48xi32, #tpu.memory_space<vmem>>
      %dma_start3A_612 = tpu.memref_squeeze %dma_start3A_611 : memref<1x48xi32, #tpu.memory_space<vmem>> -> memref<48xi32, #tpu.memory_space<vmem>>
      %dma_start3A_613 = arith.constant 0 : i32
      %dma_start3A_614 = arith.constant 0 : i32
      %dma_start3A_615 = tpu.memref_slice %arg9[%dma_start3A_613, %dma_start3A_614] : memref<10000x144xf32, #tpu.memory_space<vmem_shared>> -> memref<10000x144xf32, #tpu.memory_space<vmem_shared>>
      tpu.enqueue_indirect_dma source(%dma_start3A_609 : memref<48x144xf32, #tpu.memory_space<vmem>>) target(%dma_start3A_615 : memref<10000x144xf32, #tpu.memory_space<vmem_shared>>) offsets(%dma_start3A_612 : memref<48xi32, #tpu.memory_space<vmem>>) semaphore(%arg15 : memref<!tpu.dma_semaphore, #tpu.memory_space<semaphore_mem>>) {add = true}
      %scan3A_616 = arith.constant 0 : i32
      scf.yield %scan3A_616 : i32
    }
    %scan3A_248 = arith.constant 53 : i32
    %dma_wait3A_249 = arith.constant 0 : i32
    %dma_wait3A_250 = arith.constant 0 : i32
    %dma_wait3A_251 = arith.constant 0 : i32
    %dma_wait3A_252 = arith.constant 0 : i32
    %dma_wait3A_253 = tpu.memref_slice %arg8[%dma_wait3A_249, %dma_wait3A_251, %dma_wait3A_252] : memref<2x48x144xf32, #tpu.memory_space<vmem>> -> memref<1x48x144xf32, #tpu.memory_space<vmem>>
    %dma_wait3A_254 = tpu.memref_squeeze %dma_wait3A_253 : memref<1x48x144xf32, #tpu.memory_space<vmem>> -> memref<48x144xf32, #tpu.memory_space<vmem>>
    %dma_wait3A_255 = arith.constant 0 : i32
    %dma_wait3A_256 = tpu.memref_slice %arg6[%dma_wait3A_250, %dma_wait3A_255] : memref<2x48xi32, #tpu.memory_space<vmem>> -> memref<1x48xi32, #tpu.memory_space<vmem>>
    %dma_wait3A_257 = tpu.memref_squeeze %dma_wait3A_256 : memref<1x48xi32, #tpu.memory_space<vmem>> -> memref<48xi32, #tpu.memory_space<vmem>>
    %dma_wait3A_258 = arith.constant 0 : i32
    %dma_wait3A_259 = arith.constant 0 : i32
    %dma_wait3A_260 = tpu.memref_slice %arg9[%dma_wait3A_258, %dma_wait3A_259] : memref<10000x144xf32, #tpu.memory_space<vmem_shared>> -> memref<10000x144xf32, #tpu.memory_space<vmem_shared>>
    tpu.wait_indirect_dma semaphore(%arg14 : memref<!tpu.dma_semaphore, #tpu.memory_space<semaphore_mem>>) src(%dma_wait3A_254 : memref<48x144xf32, #tpu.memory_space<vmem>>) dst(%dma_wait3A_260 : memref<10000x144xf32, #tpu.memory_space<vmem_shared>>)
    %dma_wait3A_261 = arith.constant 1 : i32
    %dma_wait3A_262 = arith.constant 1 : i32
    %dma_wait3A_263 = arith.constant 0 : i32
    %dma_wait3A_264 = arith.constant 0 : i32
    %dma_wait3A_265 = tpu.memref_slice %arg8[%dma_wait3A_261, %dma_wait3A_263, %dma_wait3A_264] : memref<2x48x144xf32, #tpu.memory_space<vmem>> -> memref<1x48x144xf32, #tpu.memory_space<vmem>>
    %dma_wait3A_266 = tpu.memref_squeeze %dma_wait3A_265 : memref<1x48x144xf32, #tpu.memory_space<vmem>> -> memref<48x144xf32, #tpu.memory_space<vmem>>
    %dma_wait3A_267 = arith.constant 0 : i32
    %dma_wait3A_268 = tpu.memref_slice %arg6[%dma_wait3A_262, %dma_wait3A_267] : memref<2x48xi32, #tpu.memory_space<vmem>> -> memref<1x48xi32, #tpu.memory_space<vmem>>
    %dma_wait3A_269 = tpu.memref_squeeze %dma_wait3A_268 : memref<1x48xi32, #tpu.memory_space<vmem>> -> memref<48xi32, #tpu.memory_space<vmem>>
    %dma_wait3A_270 = arith.constant 0 : i32
    %dma_wait3A_271 = arith.constant 0 : i32
    %dma_wait3A_272 = tpu.memref_slice %arg9[%dma_wait3A_270, %dma_wait3A_271] : memref<10000x144xf32, #tpu.memory_space<vmem_shared>> -> memref<10000x144xf32, #tpu.memory_space<vmem_shared>>
    tpu.wait_indirect_dma semaphore(%arg15 : memref<!tpu.dma_semaphore, #tpu.memory_space<semaphore_mem>>) src(%dma_wait3A_266 : memref<48x144xf32, #tpu.memory_space<vmem>>) dst(%dma_wait3A_272 : memref<10000x144xf32, #tpu.memory_space<vmem_shared>>)
    %barrier3A_273 = arith.constant 0 : index
    tpu.barrier barrier_id(%barrier3A_273)
    %mul3A_274 = arith.constant 625 : i32
    %mul3A_275 = arith.muli %arg1, %mul3A_274 : i32
    %mul3A_276 = arith.constant 625 : i32
    %mul3A_277 = arith.muli %arg1, %mul3A_276 : i32
    "tpu.region"() ({
      %run_scoped3A_278 = tpu.sem_alloc : memref<!tpu.dma_semaphore, #tpu.memory_space<semaphore_mem>>
      %dma_start3A_279 = arith.constant 0 : i32
      %dma_start3A_280 = tpu.memref_slice %arg4[%arg0, %mul3A_277, %dma_start3A_279] : memref<2x10000x144xf32, #tpu.memory_space<hbm>> -> memref<1x625x144xf32, #tpu.memory_space<hbm>>
      %dma_start3A_281 = tpu.memref_squeeze %dma_start3A_280 : memref<1x625x144xf32, #tpu.memory_space<hbm>> -> memref<625x144xf32, #tpu.memory_space<hbm>>
      %dma_start3A_282 = arith.constant 0 : i32
      %dma_start3A_283 = tpu.memref_slice %arg9[%mul3A_275, %dma_start3A_282] : memref<10000x144xf32, #tpu.memory_space<vmem_shared>> -> memref<625x144xf32, #tpu.memory_space<vmem_shared>>
      tpu.enqueue_dma source(%dma_start3A_283 : memref<625x144xf32, #tpu.memory_space<vmem_shared>>) target(%dma_start3A_281 : memref<625x144xf32, #tpu.memory_space<hbm>>) target_semaphore(%run_scoped3A_278 : memref<!tpu.dma_semaphore, #tpu.memory_space<semaphore_mem>>)
      %dma_wait3A_284 = arith.constant 0 : i32
      %dma_wait3A_285 = tpu.memref_slice %arg4[%arg0, %mul3A_277, %dma_wait3A_284] : memref<2x10000x144xf32, #tpu.memory_space<hbm>> -> memref<1x625x144xf32, #tpu.memory_space<hbm>>
      %dma_wait3A_286 = tpu.memref_squeeze %dma_wait3A_285 : memref<1x625x144xf32, #tpu.memory_space<hbm>> -> memref<625x144xf32, #tpu.memory_space<hbm>>
      %dma_wait3A_287 = arith.constant 0 : i32
      %dma_wait3A_288 = tpu.memref_slice %arg9[%mul3A_275, %dma_wait3A_287] : memref<10000x144xf32, #tpu.memory_space<vmem_shared>> -> memref<625x144xf32, #tpu.memory_space<vmem_shared>>
      tpu.wait_dma2 semaphore(%run_scoped3A_278 : memref<!tpu.dma_semaphore, #tpu.memory_space<semaphore_mem>>) src(%dma_wait3A_288 : memref<625x144xf32, #tpu.memory_space<vmem_shared>>) dst(%dma_wait3A_286 : memref<625x144xf32, #tpu.memory_space<hbm>>)
      tpu.yield
    }) : () -> ()
    return
  }
}

module attributes {stable_mosaic.version = 14 : i64} {
  func.func @body(%arg0: memref<2x10000x144xf32, #tpu.memory_space<vmem>>, %arg1: memref<128x256xf32, #tpu.memory_space<vmem>>, %arg2: memref<1x256xf32, #tpu.memory_space<vmem>>, %arg3: memref<256x64xf32, #tpu.memory_space<vmem>>, %arg4: memref<1x64xf32, #tpu.memory_space<vmem>>, %arg5: memref<10000x64xf32, #tpu.memory_space<vmem>>) attributes {dimension_semantics = [], scalar_prefetch = 0 : i64, scratch_operands = 0 : i64, tpu.core_type = #tpu.core_type<tc>} {
    %get3A = arith.constant 0 : index
    %get3A_0 = arith.constant 0 : index
    %get3A_1 = arith.constant 0 : index
    %get3A_2 = vector.load %arg0[%get3A, %get3A_0, %get3A_1] : memref<2x10000x144xf32, #tpu.memory_space<vmem>>, vector<1x10000x144xf32>
    %get3A_3 = vector.shape_cast %get3A_2 : vector<1x10000x144xf32> to vector<10000x144xf32>
    %get3A_4 = arith.constant 1 : index
    %get3A_5 = arith.constant 0 : index
    %get3A_6 = arith.constant 0 : index
    %get3A_7 = vector.load %arg0[%get3A_4, %get3A_5, %get3A_6] : memref<2x10000x144xf32, #tpu.memory_space<vmem>>, vector<1x10000x144xf32>
    %get3A_8 = vector.shape_cast %get3A_7 : vector<1x10000x144xf32> to vector<10000x144xf32>
    %add3A = arith.addf %get3A_3, %get3A_8 : vector<10000x144xf32>
    %get3A_9 = arith.constant 0 : index
    %get3A_10 = arith.constant 0 : index
    %get3A_11 = vector.load %arg1[%get3A_9, %get3A_10] : memref<128x256xf32, #tpu.memory_space<vmem>>, vector<128x256xf32>
    %get3A_12 = arith.constant 0 : index
    %get3A_13 = arith.constant 0 : index
    %get3A_14 = vector.load %arg3[%get3A_12, %get3A_13] : memref<256x64xf32, #tpu.memory_space<vmem>>, vector<256x64xf32>
    %dot_general3A = arith.constant dense<0.000000e+00> : vector<128x64xf32>
    %dot_general3A_15 = tpu.matmul %get3A_11, %get3A_14, %dot_general3A {dimension_numbers = #tpu.dot_dimension_numbers<[1], [0], [0], [1], [0, 0, 1, 1], [], []>, transpose_lhs_hint = false} : vector<128x256xf32>, vector<256x64xf32>, vector<128x64xf32> -> vector<128x64xf32>
    %get3A_16 = arith.constant 0 : index
    %get3A_17 = arith.constant 0 : index
    %get3A_18 = vector.load %arg2[%get3A_16, %get3A_17] : memref<1x256xf32, #tpu.memory_space<vmem>>, vector<1x256xf32>
    %get3A_19 = arith.constant 0 : index
    %get3A_20 = arith.constant 0 : index
    %get3A_21 = vector.load %arg3[%get3A_19, %get3A_20] : memref<256x64xf32, #tpu.memory_space<vmem>>, vector<256x64xf32>
    %dot_general3A_22 = arith.constant dense<0.000000e+00> : vector<1x64xf32>
    %dot_general3A_23 = tpu.matmul %get3A_18, %get3A_21, %dot_general3A_22 {dimension_numbers = #tpu.dot_dimension_numbers<[1], [0], [0], [1], [0, 0, 1, 1], [], []>, transpose_lhs_hint = false} : vector<1x256xf32>, vector<256x64xf32>, vector<1x64xf32> -> vector<1x64xf32>
    %slice3A = vector.extract_strided_slice %add3A {offsets = [0, 0], sizes = [10000, 128], strides = [1, 1]} : vector<10000x144xf32> to vector<10000x128xf32>
    %dot_general3A_24 = arith.constant dense<0.000000e+00> : vector<10000x64xf32>
    %dot_general3A_25 = tpu.matmul %slice3A, %dot_general3A_15, %dot_general3A_24 {dimension_numbers = #tpu.dot_dimension_numbers<[1], [0], [0], [1], [0, 0, 1, 1], [], []>, transpose_lhs_hint = false} : vector<10000x128xf32>, vector<128x64xf32>, vector<10000x64xf32> -> vector<10000x64xf32>
    %slice3A_26 = vector.extract_strided_slice %add3A {offsets = [0, 128], sizes = [10000, 1], strides = [1, 1]} : vector<10000x144xf32> to vector<10000x1xf32>
    %mul3A = vector.broadcast %slice3A_26 : vector<10000x1xf32> to vector<10000x64xf32>
    %mul3A_27 = vector.broadcast %dot_general3A_23 : vector<1x64xf32> to vector<10000x64xf32>
    %mul3A_28 = arith.mulf %mul3A, %mul3A_27 : vector<10000x64xf32>
    %add3A_29 = arith.addf %dot_general3A_25, %mul3A_28 : vector<10000x64xf32>
    %get3A_30 = arith.constant 0 : index
    %get3A_31 = arith.constant 0 : index
    %get3A_32 = vector.load %arg4[%get3A_30, %get3A_31] : memref<1x64xf32, #tpu.memory_space<vmem>>, vector<1x64xf32>
    %add3A_33 = vector.broadcast %get3A_32 : vector<1x64xf32> to vector<10000x64xf32>
    %add3A_34 = arith.addf %add3A_29, %add3A_33 : vector<10000x64xf32>
    %swap3A = arith.constant 0 : index
    %swap3A_35 = arith.constant 0 : index
    %swap3A_36 = vector.load %arg5[%swap3A, %swap3A_35] : memref<10000x64xf32, #tpu.memory_space<vmem>>, vector<10000x64xf32>
    tpu.vector_store %arg5[%swap3A, %swap3A_35], %add3A_34 {strides = array<i32>} : memref<10000x64xf32, #tpu.memory_space<vmem>>, vector<10000x64xf32>,
    return
  }
}

</mosaic_0001>

<sc_bundles>
// kernel: kernel.4.cloned.1.call-start
scs
__scs_entry_jumppad:
0x0: {  	(pc) =	sbr.rel $0x88, $3  }
0x1: {  	(tag) =	ssettag $0x0;
	lr =	simm.s32 $0x1  }
0x2: {  	[smem:$0x3F9A] =	sst lr;
	_ =	strace $0xD0000000  }
0x3: {  	_ = 	snop  }
0x4: {  	_ = 	snop  }
0x5: {  	_ = 	snop  }
0x6: {  	_ = 	snop  }
0x7: {  	_ = 	snop  }
__scs_overlays_trampoline_lowered:
0x8: {  	[smem:$0x3FA9] =	sst s0  }
0x9: {  	[smem:$0x3FAA] =	sst s1  }
0xa: {  	[smem:$0x3FAB] =	sst s2  }
0xb: {  	[smem:$0x3FAC] =	sst s3  }
0xc: {  	[smem:$0x3FAD] =	sst s4  }
0xd: {  	[smem:$0x3FAE] =	sst s5  }
0xe: {  	[smem:$0x3FAF] =	sst s6  }
0xf: {  	[smem:$0x3FB0] =	sst s7  }
0x10: {  	[smem:$0x3FB1] =	sst s8  }
0x11: {  	[smem:$0x3FB2] =	sst s9;
	s0 =	simm.s32 @!p0 $0x0  }
0x12: {  	s1 =	sld [smem:$0x3F98];
	s0 =	simm.s32 @p0 $0x1  }
0x13: {  	[smem:$0x3FB3] =	sst s0;
	s0 =	simm.s32 @!p1 $0x0  }
0x14: {  	s2 =	sld [smem:$0x3F97];
	s0 =	simm.s32 @p1 $0x1  }
0x15: {  	[smem:$0x3FB4] =	sst s0;
	s0 =	simm.s32 @!p2 $0x0  }
0x16: {  	s3 =	sld [smem:$0x3FDB];
	s0 =	simm.s32 @p2 $0x1  }
0x17: {  	s4 =	simm.s32 $0x1BF5;
	[smem:$0x3FB6] =	sst s0  }
0x18: {  	s0 =	sld [smem:$0x3F99];
	_ =	swait.ge [sflag:s4], $0x0  }
0x19: {  	s7 =	sld [smem:$0x3F9A]  }
0x1a: {  	s8 =	sadd.s32 $0xFFFFE003, lr  }
0x1b: {  	s9 =	sadd.s32 $0xFFFFFEF7, lr;
	s5 =	simm.s32 $0xFFFFFFFF;
	p2 =	slt.u32 s8, $0xFFFFF086  }
0x1c: {  	p1 =	slt.u32 s9, $0xF7A;
	s5 =	simm.s32 @!p2 $0x0  }
0x1d: {  	s5 =	simm.s32 @p1 $0x1;
	p0 =	seq.s32 s7, s2  }
0x1e: {  	s7 =	smul.u32 @!p0 $0xF7A, s2;
	p2 =	seq.s32 @!p0 s5, $0x0  }
0x1f: {  	s9 =	smul.u32 $0xF7A, s1;
	s8 =	simm.s32 @!p0 $0x1BF5;
	p2 =	por !p2, p0  }
0x20: {  	[sflag:s8] =	ssyncset.s32 @!p0 $0xFFFFF086;
	s6 =	sadd.s32 @!p0 s3, s7;
	s7 =	simm.s32 @!p0 $0x108  }
0x21: {  	s3 =	sadd.s32 s3, s9;
	s6 =	sadd.s32 @!p0 $0x88, s6;
	s7 =	simm.s32 @p2 $0x1082  }
0x22: {  	[simem:s7], [sflag:s8] =	dma.local @!p0 [hbm:s6], $0xF7A  }
0x23: {  	s9 =	sor.u32 $0xD0000000, s2;
	s6 =	simm.s32 $0x108;
	_ =	swait.ge @!p0 [sflag:s8], $0x0  }
0x24: {  	s3 =	sadd.s32 $0x88, s3;
	s6 =	simm.s32 @!p1 $0x1082;
	[sflag:s4] =	ssyncset.s32 $0xFFFFF086  }
0x25: {  	[simem:s6], [sflag:s4] =	dma.local [hbm:s3], $0xF7A  }
0x26: {  	[smem:$0x3F9A] =	sst s1;
	(tag) =	ssettag s2;
	_ =	strace s9  }
0x27: {  	s1 =	sld [smem:$0x3FAA]  }
0x28: {  	s2 =	sld [smem:$0x3FAB]  }
0x29: {  	s4 =	sld [smem:$0x3FAD]  }
0x2a: {  	p0 =	seq.s32 s5, $0x0;
	s5 =	sld [smem:$0x3FAE]  }
0x2b: {  	s6 =	sld [smem:$0x3FAF]  }
0x2c: {  	s7 =	sld [smem:$0x3FB0]  }
0x2d: {  	s3 =	simm.s32 $0x108;
	s8 =	sld [smem:$0x3FB1]  }
0x2e: {  	s3 =	simm.s32 @!p0 $0x1082;
	s9 =	sld [smem:$0x3FB2]  }
0x2f: {  	lr =	sadd.s32 s0, s3;
	s0 =	sld [smem:$0x3FA9]  }
0x30: {  	s3 =	sld [smem:$0x3FAC]  }
0x31: {  	[smem:$0x3FB5] =	sst s10  }
0x32: {  	s10 =	sld [smem:$0x3FB3];
	_ =	sdelay $0x3  }
0x33: {  	p0 =	seq.s32 s10, $0x1;
	s10 =	sld [smem:$0x3FB5];
	_ =	sdelay $0x3  }
0x34: {  	[smem:$0x3FB5] =	sst s10  }
0x35: {  	s10 =	sld [smem:$0x3FB4];
	_ =	sdelay $0x3  }
0x36: {  	p1 =	seq.s32 s10, $0x1;
	s10 =	sld [smem:$0x3FB5];
	_ =	sdelay $0x3  }
0x37: {  	[smem:$0x3FB5] =	sst s10  }
0x38: {  	s10 =	sld [smem:$0x3FB6]  }
0x39: {  	_ = 	snop;
	(pc) =	sbr.ind lr, $3  }
0x3a: {  	_ = 	snop  }
0x3b: {  	_ = 	snop  }
0x3c: {  	p2 =	seq.s32 s10, $0x1;
	s10 =	sld [smem:$0x3FB5]  }
0x3d: {  	_ =	shalt  }
0x3e: {  	_ =	shalt  }
0x3f: {  	_ =	shalt  }
0x40: {  	_ =	shalt  }
0x41: {  	_ =	shalt  }
0x42: {  	_ =	shalt  }
0x43: {  	_ =	shalt  }
0x44: {  	_ =	shalt  }
0x45: {  	_ =	shalt  }
0x46: {  	_ =	shalt  }
0x47: {  	_ =	shalt  }
0x48: {  	_ =	shalt  }
0x49: {  	_ =	shalt  }
0x4a: {  	_ =	shalt  }
0x4b: {  	_ =	shalt  }
0x4c: {  	_ =	shalt  }
0x4d: {  	_ =	shalt  }
0x4e: {  	_ =	shalt  }
0x4f: {  	_ =	shalt  }
0x50: {  	_ =	shalt  }
0x51: {  	_ =	shalt  }
0x52: {  	_ =	shalt  }
0x53: {  	_ =	shalt  }
0x54: {  	_ =	shalt  }
0x55: {  	_ =	shalt  }
0x56: {  	_ =	shalt  }
0x57: {  	_ =	shalt  }
0x58: {  	_ =	shalt  }
0x59: {  	_ =	shalt  }
0x5a: {  	_ =	shalt  }
0x5b: {  	_ =	shalt  }
0x5c: {  	_ =	shalt  }
0x5d: {  	_ =	shalt  }
0x5e: {  	_ =	shalt  }
0x5f: {  	_ =	shalt  }
0x60: {  	_ =	shalt  }
0x61: {  	_ =	shalt  }
0x62: {  	_ =	shalt  }
0x63: {  	_ =	shalt  }
0x64: {  	_ =	shalt  }
0x65: {  	_ =	shalt  }
0x66: {  	_ =	shalt  }
0x67: {  	_ =	shalt  }
0x68: {  	_ =	shalt  }
0x69: {  	_ =	shalt  }
0x6a: {  	_ =	shalt  }
0x6b: {  	_ =	shalt  }
0x6c: {  	_ =	shalt  }
0x6d: {  	_ =	shalt  }
0x6e: {  	_ =	shalt  }
0x6f: {  	_ =	shalt  }
0x70: {  	_ =	shalt  }
0x71: {  	_ =	shalt  }
0x72: {  	_ =	shalt  }
0x73: {  	_ =	shalt  }
0x74: {  	_ =	shalt  }
0x75: {  	_ =	shalt  }
0x76: {  	_ =	shalt  }
0x77: {  	_ =	shalt  }
0x78: {  	_ =	shalt  }
0x79: {  	_ =	shalt  }
0x7a: {  	_ =	shalt  }
0x7b: {  	_ =	shalt  }
0x7c: {  	_ =	shalt  }
0x7d: {  	_ =	shalt  }
0x7e: {  	_ =	shalt  }
0x7f: {  	_ =	shalt  }
0x80: {  	_ =	shalt  }
0x81: {  	_ =	shalt  }
0x82: {  	_ =	shalt  }
0x83: {  	_ =	shalt  }
0x84: {  	_ =	shalt  }
0x85: {  	_ =	shalt  }
0x86: {  	_ =	shalt  }
0x87: {  	_ =	shalt  }
.Lfunc_end0:
.L_simem_size_0:
called_computation_lowered:
.L_overlay_start_0:
0x88: {  	s2 =	sld [smem:$0x3FD9]  }
0x89: {  	s3 =	sld [smem:$0x3FFE];
	_ =	sdelay $0x1  }
0x8a: {  	s1 =	srdreg.scid  }
0x8b: {  	s0 =	sand.u32 $0x1, s1  }
0x8c: {  	s17 =	sshll.u32 s0, $0xA;
	s2 =	sadd.s32 s3, s2  }
0x8d: {  	s2 =	sadd.s32 s2, s17  }
0x8e: {  	[smem:$0x3FC1] =	sst s2  }
0x8f: {  	_ = 	snop  }
0x90: {  	s2 =	sld [smem:$0x3FC9];
	(tm) =	ssettm $0x1  }
0x91: {  	s18 =	sld [smem:$0x3FFB];
	_ =	sdelay $0x3  }
0x92: {  	_ =	strace s18  }
0x93: {  	s3 =	sld [smem:$0x3FFC];
	_ =	sdelay $0x3  }
0x94: {  	_ =	strace s3  }
0x95: {  	s3 =	sld [smem:$0x3FFD];
	_ =	sdelay $0x3  }
0x96: {  	_ =	strace s3  }
0x97: {  	_ =	strace $0x8FFFFFFF  }
0x98: {  	s19 =	sld [smem:$0x3FDB];
	_ =	sdelay $0x1  }
0x99: {  	s4 =	simm.s32 $_scs_section_size  }
0x9a: {  	s5 =	simm.s32 $_size__tile_overlayer_lowered;
	s6 =	simm.s32 $_tile_overlayer_lowered  }
0x9b: {  	s22 =	simm.s32 $0x1BFF;
	s21 =	sshll.u32 s6, $0x1;
	s3 =	sadd.s32 s4, s19  }
0x9c: {  	s7 =	simm.s32 $0x0;
	s20 =	sshll.u32 s5, $0x1;
	s5 =	sadd.s32 s21, s3  }
0x9d: {  	[timem:s7], [sflag:s22] =	dma.local [hbm:s5], s20  }
0x9e: {  	_ =	swait.ge [sflag:s22], s20  }
0x9f: {  	s4 =	ssub.s32 $0x0, s20;
	[sflag:s22] =	ssyncset.done $0x0  }
0xa0: {  	[sflag:s22] =	ssyncadd.s32 s4;
	_ =	sdelay $0x1  }
0xa1: {  	s23 =	simm.s32 $0x1B8B  }
0xa2: {  	_ =	swait.ge [sflag:s23], $0x1  }
0xa3: {  	[sflag:s23] =	ssyncset.done $0x0  }
0xa4: {  	s25 =	simm.s32 $0x1B8E;
	s24 =	sld [smem:$0x3FFE];
	[sflag:s23] =	ssyncadd.s32 $0xFFFFFFFF  }
0xa5: {  	s26 =	simm.s32 $execute0_lowered;
	[smem:$0x3FD2] =	sst s25  }
0xa6: {  	s5 =	sshll.u32 s26, $0x1;
	_ =	strace $0x80000046;
	[dreg:$0x1] =	wrdreg $0xFFFFFFFF  }
0xa7: {  	s28 =	simm.s32 $_size_execute0_lowered;
	s3 =	sadd.s32 s3, s5;
	[dreg:$0x0] =	wrdreg $0x0  }
0xa8: {  	s5 =	sshll.u32 s28, $0x1;
	[dreg:$0x2] =	wrdreg s3  }
0xa9: {  	[dreg:$0x3] =	wrdreg s5  }
0xaa: {  	[dreg:$0x4] =	wrdreg $0xC0  }
0xab: {  	_ =	task [dreg:s7], $0x5FFFF  }
0xac: {  	[dreg:$0x1] =	wrdreg $0xFFFFFFFF  }
0xad: {  	[dreg:$0x0] =	wrdreg $0x60  }
0xae: {  	[dreg:$0x2] =	wrdreg s2  }
0xaf: {  	[dreg:$0x3] =	wrdreg s24  }
0xb0: {  	[dreg:$0x4] =	wrdreg $0x98A00  }
0xb1: {  	[dreg:$0x5] =	wrdreg $0x9  }
0xb2: {  	_ =	task.clear_ibuf [dreg:s7], $0x6FFFF;
	_ =	strace $0x90000046  }
0xb3: {  	s29 =	simm.s32 $0x9;
	_ =	strace $0x80000048  }
0xb4: {  	_ =	swait.ge [sflag:s29], $0x1  }
0xb5: {  	[sflag:s29] =	ssyncadd.s32 $0xFFFFFFFF  }
0xb6: {  	_ =	strace $0x90000048  }
0xb7: {  	_ =	sfence  }
0xb8: {  	s30 =	sld [smem:$0x0];
	_ =	sdelay $0x2  }
0xb9: {  	s31 =	sshll.u32 s1, $0xD;
	s1 =	sshrl.u32 s1, $0x2  }
0xba: {  	s3 =	sand.u32 $0x4000, s31;
	s1 =	sadd.s32 s1, s30  }
0xbb: {  	s0 =	sor.u32 s3, s0;
	s1 =	sshll.u32 s1, $0x11  }
0xbc: {  	s0 =	sor.u32 s1, s0  }
0xbd: {  	s0 =	sadd.s32 $0x8F2B, s0  }
0xbe: {  	[sflag:s0] =	ssyncadd.remote.s32 $0x1  }
0xbf: {  	_ =	sfence.sel $0xFFFF  }
0xc0: {  	[dreg:$0x0] =	wrdreg $0xFFFFFFFF;
	(pc) =	sbr.abs _section_cstart, $3  }
0xc1: {  	[dreg:$0x1] =	wrdreg $0xFFFFFFFF  }
0xc2: {  	_ =	task.clear_ibuf [dreg:s7], $0x2FFFF;
	_ =	strace $0x9FFFFFFF  }
0xc3: {  	(tm) =	ssettm $0x7FFFFFFF  }
tec
execute0_lowered:
.L_overlay_start_1:
0x0: {  	(tag) =	ssettag $0x1  }
0x1: {  	s1 =	rddreg [dreg:$0x0];
	s0 =	srdreg.scid  }
0x2: {  	s9 =	stileid.u32;
	s2 =	rddreg [dreg:$0x1]  }
0x3: {  	s3 =	rddreg [dreg:$0x2];
	s6 =	simm.s32 $0x0;
	s31 =	simm.s32 $0x62A0  }
0x4: {  	s28 =	simm.s32 $0x3;
	s29 =	simm.s32 $0x5;
	s7 =	smul.u32 $0x57E40, s9  }
0x5: {  	s30 =	simm.s32 $0x180;
	s0 =	sand.u32 $0x1, s0;
	s4 =	smul.u32 $0x15F90, s9  }
0x6: {  	[smem:$0x7FF] =	sst s6;
	s5 =	smul.u32 $0x15F900, s0;
	s7 =	sshrl.u32 s7, $0x2  }
0x7: {  	_ =	strace $0x80000047;
	s13 =	sadd.s32 s4, s3;
	s7 =	sadd.s32 s7, s3  }
0x8: {  	s23 =	ssub.s32 $0x2, s0;
	[dreg:$0x4] =	wrdreg s13;
	s24 =	sadd.s32 $0x1B00, s7  }
0x9: {  	s0 =	sshll.u32 s0, $0x4;
	s25 =	sadd.s32 $0x3600, s7;
	[dreg:$0x5] =	wrdreg s24  }
0xa: {  	s8 =	sshrl.u32 s23, $0x1;
	s26 =	sadd.s32 $0x5100, s7;
	[dreg:$0x6] =	wrdreg s25  }
0xb: {  	s6 =	ssub.s32 s23, s8;
	s8 =	sadd.s32 $0x6C00, s7;
	[dreg:$0x7] =	wrdreg s26  }
0xc: {  	s0 =	sor.u32 s9, s0;
	s9 =	sadd.s32 $0x8700, s7;
	[dreg:$0x8] =	wrdreg s8  }
0xd: {  	s5 =	sadd.s32 s4, s5;
	s10 =	sadd.s32 $0xA200, s7;
	[dreg:$0x9] =	wrdreg s9  }
0xe: {  	s0 =	smul.u32 $0x7740, s0;
	s11 =	sadd.s32 $0xBD00, s7;
	[dreg:$0xa] =	wrdreg s10  }
0xf: {  	s22 =	sshrl.u32 s5, $0x3;
	s12 =	sadd.s32 $0xD800, s7;
	[dreg:$0xb] =	wrdreg s11  }
0x10: {  	s5 =	sadd.s32 $0x600, s2;
	s14 =	sadd.s32 $0xF300, s7;
	[dreg:$0xc] =	wrdreg s12  }
0x11: {  	s15 =	sadd.s32 $0x10E00, s7;
	s16 =	sadd.s32 $0x12900, s7;
	[dreg:$0xd] =	wrdreg s14  }
0x12: {  	s17 =	sadd.s32 $0x14400, s7;
	s7 =	sadd.s32 $0x15F00, s7;
	[dreg:$0xe] =	wrdreg s15  }
0x13: {  	s20 =	smax.u32 s6, $0x1;
	s6 =	simm.s32 $0xB;
	[dreg:$0xf] =	wrdreg s16  }
0x14: {  	s2 =	sadd.s32 s22, s2;
	[dreg:$0x10] =	wrdreg s17;
	s18 =	sshrl.u32 s0, $0x3  }
0x15: {  	[dreg:$0x11] =	wrdreg s7;
	s21 =	sadd.s32 $0x240, s0;
	s22 =	sadd.s32 $0x2D0, s0  }
0x16: {  	s23 =	sadd.s32 $0x360, s0;
	s0 =	sadd.s32 $0x3F0, s0;
	[dreg:$0x15] =	wrdreg s20  }
0x17: {  	s8 =	simm.s32 $0x1B0;
	s10 =	simm.s32 $0x30;
	s12 =	simm.s32 $0x9  }
0x18: {  	s14 =	simm.s32 $0x1;
	s15 =	simm.s32 $0xA;
	s17 =	simm.s32 $0x240  }
0x19: {  	s20 =	simm.s32 $0x4;
	s9 =	simm.s32 $0x6;
	s11 =	simm.s32 $0x210  }
0x1a: {  	s4 =	sadd.s32 s5, s18;
	[dreg:$0x13] =	wrdreg s0;
	s19 =	sadd.s32 $0x1E400, s2  }
.Ltmp0:
0x1b: {  	s0 =	simm.s32 $0x60;
	[dreg:$0x14] =	wrdreg s19;
	(pc) =	sbr.rel .LBB2_1-.Ltmp0, $4  }
0x1c: {  	s18 =	simm.s32 $0x2;
	s24 =	sadd.s32 $0x12, s4;
	[dreg:$0x12] =	wrdreg s4  }
0x1d: {  	s25 =	sadd.s32 $0x24, s4;
	s26 =	sadd.s32 $0x36, s4;
	[dreg:$0x16] =	wrdreg s24  }
0x1e: {  	s19 =	simm.s32 $0xF0;
	s4 =	simm.s32 $0x0;
	[dreg:$0x17] =	wrdreg s25  }
0x1f: {  	v0 =	vimm.f32 $0.0e+00;
	vm0 =	vmmov $0x1;
	[dreg:$0x18] =	wrdreg s26;
	s25 =	simm.s32 $0x270;
	s26 =	simm.s32 $0x7DA0  }
.LBB2_14:
0x20: {  	[spmem:s3] =	stream.indirect.scatter.add.f32 [tilespmem:s26], [sflag:$0x6], $0x90, s25, s10, $0xb8;
	[tilespmem:$0x1F830] =	vst v63  }
0x21: {  	_ =	swait.ge [sflag:s29], $0x1B00  }
0x22: {  	[sflag:s29] =	ssyncset.done $0x0  }
0x23: {  	[sflag:s29] =	ssyncadd.s32 $0xFFFFE500  }
0x24: {  	_ =	swait.ge [sflag:s9], $0x1B00  }
0x25: {  	[sflag:s9] =	ssyncset.done $0x0  }
0x26: {  	[sflag:s9] =	ssyncadd.s32 $0xFFFFE500  }
0x27: {  	s2 =	stileid.u32;
	[bflag:$0x0] =	sbarrier.arrive $0xFFFF  }
0x28: {  	s2 =	sshll.u32 s2, $0x6;
	s13 =	rddreg [dreg:$0x4]  }
0x29: {  	s2 =	sor.u32 $0x1C0B, s2;
	s6 =	rddreg [dreg:$0x14];
	s4 =	sshrl.u32 s13, $0x3  }
0x2a: {  	[hbm:s6], [sflag:s2] =	dma.local [spmem:s4], $0x2BF2  }
0x2b: {  	s6 =	simm.s32 $0xB  }
0x2c: {  	_ =	swait.ge [sflag:s6], $0x2BF2  }
0x2d: {  	s16 =	rddreg [dreg:$0x19]  }
0x2e: {  	s24 =	rddreg [dreg:$0x15];
	s4 =	sadd.s32 $0x1, s16  }
0x2f: {  	p0 =	sne.s32 s4, s24  }
.Ltmp1:
0x30: {  	_ = 	snop;
	(pc) =	sbr.rel @!p0 .LBB2_15-.Ltmp1, $3  }
0x31: {  	_ =	sdelay $0x1  }
0x32: {  	[sflag:s6] =	ssyncset.done $0x0  }
0x33: {  	[sflag:s6] =	ssyncadd.s32 $0xFFFFD40E  }
.LBB2_1:
0x34: {  	[dreg:$0x19] =	wrdreg s4;
	s2 =	simm.s32 $0x0;
	s4 =	simm.s32 $0x240  }
.LBB2_2:
0x35: {  	p0 =	sne.s32 s4, $0x69C0;
	[tilespmem:s2+$0x6320] =	vst v0  }
0x36: {  	[tilespmem:s2+$0x62A0] =	vst v0  }
0x37: {  	[tilespmem:s2+$0x62B0] =	vst v0  }
0x38: {  	[tilespmem:s2+$0x62C0] =	vst v0  }
.Ltmp2:
0x39: {  	[tilespmem:s2+$0x62D0] =	vst v0;
	(pc) =	sbr.rel @p0 .LBB2_2-.Ltmp2, $4  }
0x3a: {  	[tilespmem:s2+$0x62E0] =	vst v0  }
0x3b: {  	[tilespmem:s2+$0x62F0] =	vst v0  }
0x3c: {  	[tilespmem:s2+$0x6300] =	vst v0  }
0x3d: {  	[tilespmem:s2+$0x6310] =	vst v0;
	s2 =	sshra.s32 s4, $0x2;
	s4 =	sadd.s32 $0x240, s4  }
0x3e: {  	[tilespmem:s2+$0x6320] =	vst v0  }
0x3f: {  	[tilespmem:s2+$0x62A0] =	vst v0  }
0x40: {  	[tilespmem:s2+$0x62B0] =	vst v0  }
0x41: {  	[tilespmem:s2+$0x62C0] =	vst v0  }
0x42: {  	[tilespmem:s2+$0x62D0] =	vst v0  }
0x43: {  	[tilespmem:s2+$0x62E0] =	vst v0  }
0x44: {  	[tilespmem:s2+$0x62F0] =	vst v0  }
0x45: {  	[tilespmem:s2+$0x6300] =	vst v0  }
0x46: {  	[tilespmem:s2+$0x6310] =	vst v0  }
0x47: {  	[spmem:s13] =	stream.linear.scatter [tilespmem:s31], [sflag:$0xB], $0x1B00, $0x38;
	[tilespmem:$0x1F830] =	vst v63  }
0x48: {  	_ =	swait.ge [sflag:s6], $0x1B00  }
0x49: {  	[sflag:s6] =	ssyncset.done $0x0  }
0x4a: {  	s24 =	rddreg [dreg:$0x5];
	[sflag:s6] =	ssyncadd.s32 $0xFFFFE500  }
0x4b: {  	[spmem:s24] =	stream.linear.scatter [tilespmem:s31], [sflag:$0xB], $0x1B00, $0x38;
	[tilespmem:$0x1F830] =	vst v63  }
0x4c: {  	_ =	swait.ge [sflag:s6], $0x1B00  }
0x4d: {  	[sflag:s6] =	ssyncset.done $0x0  }
0x4e: {  	s4 =	rddreg [dreg:$0x6];
	[sflag:s6] =	ssyncadd.s32 $0xFFFFE500  }
0x4f: {  	[spmem:s4] =	stream.linear.scatter [tilespmem:s31], [sflag:$0xB], $0x1B00, $0x38;
	[tilespmem:$0x1F830] =	vst v63  }
0x50: {  	_ =	swait.ge [sflag:s6], $0x1B00  }
0x51: {  	[sflag:s6] =	ssyncset.done $0x0  }
0x52: {  	s7 =	rddreg [dreg:$0x7];
	[sflag:s6] =	ssyncadd.s32 $0xFFFFE500  }
0x53: {  	[spmem:s7] =	stream.linear.scatter [tilespmem:s31], [sflag:$0xB], $0x1B00, $0x38;
	[tilespmem:$0x1F830] =	vst v63  }
0x54: {  	_ =	swait.ge [sflag:s6], $0x1B00  }
0x55: {  	[sflag:s6] =	ssyncset.done $0x0  }
0x56: {  	s13 =	rddreg [dreg:$0x8];
	[sflag:s6] =	ssyncadd.s32 $0xFFFFE500  }
0x57: {  	[spmem:s13] =	stream.linear.scatter [tilespmem:s31], [sflag:$0xB], $0x1B00, $0x38;
	[tilespmem:$0x1F830] =	vst v63  }
0x58: {  	_ =	swait.ge [sflag:s6], $0x1B00  }
0x59: {  	[sflag:s6] =	ssyncset.done $0x0  }
0x5a: {  	s16 =	rddreg [dreg:$0x9];
	[sflag:s6] =	ssyncadd.s32 $0xFFFFE500  }
0x5b: {  	[spmem:s16] =	stream.linear.scatter [tilespmem:s31], [sflag:$0xB], $0x1B00, $0x38;
	[tilespmem:$0x1F830] =	vst v63  }
0x5c: {  	_ =	swait.ge [sflag:s6], $0x1B00  }
0x5d: {  	[sflag:s6] =	ssyncset.done $0x0  }
0x5e: {  	s24 =	rddreg [dreg:$0xa];
	[sflag:s6] =	ssyncadd.s32 $0xFFFFE500  }
0x5f: {  	[spmem:s24] =	stream.linear.scatter [tilespmem:s31], [sflag:$0xB], $0x1B00, $0x38;
	[tilespmem:$0x1F830] =	vst v63  }
0x60: {  	_ =	swait.ge [sflag:s6], $0x1B00  }
0x61: {  	[sflag:s6] =	ssyncset.done $0x0  }
0x62: {  	s4 =	rddreg [dreg:$0xb];
	[sflag:s6] =	ssyncadd.s32 $0xFFFFE500  }
0x63: {  	[spmem:s4] =	stream.linear.scatter [tilespmem:s31], [sflag:$0xB], $0x1B00, $0x38;
	[tilespmem:$0x1F830] =	vst v63  }
0x64: {  	_ =	swait.ge [sflag:s6], $0x1B00  }
0x65: {  	[sflag:s6] =	ssyncset.done $0x0  }
0x66: {  	s7 =	rddreg [dreg:$0xc];
	[sflag:s6] =	ssyncadd.s32 $0xFFFFE500  }
0x67: {  	[spmem:s7] =	stream.linear.scatter [tilespmem:s31], [sflag:$0xB], $0x1B00, $0x38;
	[tilespmem:$0x1F830] =	vst v63  }
0x68: {  	_ =	swait.ge [sflag:s6], $0x1B00  }
0x69: {  	[sflag:s6] =	ssyncset.done $0x0  }
0x6a: {  	s13 =	rddreg [dreg:$0xd];
	[sflag:s6] =	ssyncadd.s32 $0xFFFFE500  }
0x6b: {  	[spmem:s13] =	stream.linear.scatter [tilespmem:s31], [sflag:$0xB], $0x1B00, $0x38;
	[tilespmem:$0x1F830] =	vst v63  }
0x6c: {  	_ =	swait.ge [sflag:s6], $0x1B00  }
0x6d: {  	[sflag:s6] =	ssyncset.done $0x0  }
0x6e: {  	s16 =	rddreg [dreg:$0xe];
	[sflag:s6] =	ssyncadd.s32 $0xFFFFE500  }
0x6f: {  	[spmem:s16] =	stream.linear.scatter [tilespmem:s31], [sflag:$0xB], $0x1B00, $0x38;
	[tilespmem:$0x1F830] =	vst v63  }
0x70: {  	_ =	swait.ge [sflag:s6], $0x1B00  }
0x71: {  	[sflag:s6] =	ssyncset.done $0x0  }
0x72: {  	s24 =	rddreg [dreg:$0xf];
	[sflag:s6] =	ssyncadd.s32 $0xFFFFE500  }
0x73: {  	[spmem:s24] =	stream.linear.scatter [tilespmem:s31], [sflag:$0xB], $0x1B00, $0x38;
	[tilespmem:$0x1F830] =	vst v63  }
0x74: {  	_ =	swait.ge [sflag:s6], $0x1B00  }
0x75: {  	[sflag:s6] =	ssyncset.done $0x0  }
0x76: {  	s4 =	rddreg [dreg:$0x10];
	[sflag:s6] =	ssyncadd.s32 $0xFFFFE500  }
0x77: {  	[spmem:s4] =	stream.linear.scatter [tilespmem:s31], [sflag:$0xB], $0x1B00, $0x38;
	[tilespmem:$0x1F830] =	vst v63  }
0x78: {  	_ =	swait.ge [sflag:s6], $0x1B00  }
0x79: {  	[sflag:s6] =	ssyncset.done $0x0  }
0x7a: {  	s7 =	rddreg [dreg:$0x11];
	[sflag:s6] =	ssyncadd.s32 $0xFFFFE500  }
0x7b: {  	[spmem:s7] =	stream.linear.scatter [tilespmem:s31], [sflag:$0xB], $0x90, $0x38;
	[tilespmem:$0x1F830] =	vst v63  }
0x7c: {  	_ =	swait.ge [sflag:s6], $0x90  }
0x7d: {  	[sflag:s6] =	ssyncset.done $0x0  }
0x7e: {  	[sflag:s6] =	ssyncadd.s32 $0xFFFFFF70  }
0x7f: {  	[bflag:$0x0] =	sbarrier.arrive $0xFFFF  }
0x80: {  	s6 =	simm.s32 $0x0;
	s13 =	rddreg [dreg:$0x12]  }
0x81: {  	[tilespmem:s6], [sflag:$0x7] =	stream.linear.gather [hbm4b:s13+s6], $0x90, $0x38;
	[tilespmem:$0x1F830] =	vst v63  }
0x82: {  	s4 =	simm.s32 $0x90;
	s16 =	rddreg [dreg:$0x16]  }
0x83: {  	[tilespmem:s4], [sflag:$0x8] =	stream.linear.gather [hbm4b:s16+s6], $0x90, $0x38;
	[tilespmem:$0x1F830] =	vst v63  }
0x84: {  	s7 =	simm.s32 $0x120;
	s24 =	rddreg [dreg:$0x17]  }
0x85: {  	[tilespmem:s7], [sflag:$0x9] =	stream.linear.gather [hbm4b:s24+s6], $0x90, $0x38;
	[tilespmem:$0x1F830] =	vst v63  }
0x86: {  	s13 =	rddreg [dreg:$0x18];
	s16 =	simm.s32 $0x7  }
0x87: {  	[tilespmem:s8], [sflag:$0xA] =	stream.linear.gather [hbm4b:s13+s6], $0x90, $0x38;
	[tilespmem:$0x1F830] =	vst v63  }
0x88: {  	_ =	swait.ge [sflag:s16], $0x90  }
0x89: {  	[sflag:s16] =	ssyncset.done $0x0  }
0x8a: {  	s24 =	simm.s32 $0x2A0;
	s13 =	simm.s32 $0x8;
	[sflag:s16] =	ssyncadd.s32 $0xFFFFFF70  }
0x8b: {  	[tilespmem:s24], [sflag:$0x1] =	stream.indirect.gather [hbm4b:s1+s10], $0x80, s6, s10, $0xb8;
	[tilespmem:$0x1F830] =	vst v63  }
0x8c: {  	_ =	swait.ge [sflag:s13], $0x90  }
0x8d: {  	[sflag:s13] =	ssyncset.done $0x0  }
0x8e: {  	s16 =	simm.s32 $0x1AA0;
	[sflag:s13] =	ssyncadd.s32 $0xFFFFFF70  }
0x8f: {  	[tilespmem:s16], [sflag:$0x2] =	stream.indirect.gather [hbm4b:s1+s10], $0x80, s4, s10, $0xb8;
	[tilespmem:$0x1F830] =	vst v63  }
0x90: {  	_ =	swait.ge [sflag:s12], $0x90  }
0x91: {  	[sflag:s12] =	ssyncset.done $0x0  }
0x92: {  	s24 =	simm.s32 $0x32A0;
	[sflag:s12] =	ssyncadd.s32 $0xFFFFFF70  }
0x93: {  	[tilespmem:s24], [sflag:$0x3] =	stream.indirect.gather [hbm4b:s1+s10], $0x80, s7, s10, $0xb8;
	[tilespmem:$0x1F830] =	vst v63  }
.LBB2_4:
0x94: {  	_ =	swait.ge [sflag:s14], $0x1800  }
0x95: {  	p1 =	seq.s32 s6, $0x0;
	[sflag:s14] =	ssyncset.done $0x0  }
0x96: {  	s2 =	simm.s32 @!p1 $0x5;
	[sflag:s14] =	ssyncadd.s32 $0xFFFFE800  }
0x97: {  	_ =	swait.ge @!p1 [sflag:s2], $0x1B00  }
0x98: {  	[sflag:s2] =	ssyncset.done @!p1 $0x0  }
0x99: {  	s16 =	simm.s32 $0x320;
	[sflag:s2] =	ssyncadd.s32 @!p1 $0xFFFFE500  }
0x9a: {  	v1 =	vld [tilespmem:s16+$0xFFFFFF80]  }
0x9b: {  	s4 =	simm.s32 $0x0;
	v3 =	vld [tilespmem:s16+$0xFFFFFF90]  }
0x9c: {  	v2 =	vmov s4;
	v4 =	vld [tilespmem:s16+$0xFFFFFFA0]  }
0x9d: {  	v2 =	vand.u32 $0xFFFFFFFE, v2;
	v5 =	vld [tilespmem:s16+$0xFFFFFFB0]  }
0x9e: {  	v2 =	vbroadcast v2, $0x0;
	v6 =	vld [tilespmem:s16+$0xFFFFFFC0]  }
0x9f: {  	v7 =	vld [tilespmem:s16+$0xFFFFFFD0]  }
0xa0: {  	v8 =	vld [tilespmem:s16+$0xFFFFFFE0]  }
0xa1: {  	v9 =	vld [tilespmem:s16+$0xFFFFFFF0]  }
0xa2: {  	v10 =	vld [tilespmem:s16+$0x0]  }
0xa3: {  	v11 =	vld [tilespmem:s16+$0x10]  }
0xa4: {  	v2 =	vld.idx.msk [tilespmem:v2+s0+$0x0], $0xffff  }
0xa5: {  	s24 =	simm.s32 $0x1;
	v12 =	vld [tilespmem:s16+$0x20]  }
0xa6: {  	v13 =	vmov s24;
	v14 =	vld [tilespmem:s16+$0x30]  }
0xa7: {  	v15 =	vld [tilespmem:s16+$0x40]  }
0xa8: {  	v16 =	vld [tilespmem:s16+$0x50]  }
0xa9: {  	v17 =	vld [tilespmem:s16+$0x60];
	v9 =	vmul.f32 v2, v9  }
0xaa: {  	s4 =	simm.s32 $0x6330;
	v18 =	vld [tilespmem:s16+$0x70];
	v1 =	vmul.f32 v2, v1  }
0xab: {  	v13 =	vld.idx.msk [tilespmem:v13+s0+$0x0], $0xffff;
	v3 =	vmul.f32 v2, v3;
	[tilespmem:s4+$0xFFFFFFE0] =	vst v9  }
0xac: {  	v4 =	vmul.f32 v2, v4;
	[tilespmem:s4+$0xFFFFFF70] =	vst v1  }
0xad: {  	v63 =	vmul.f32 v2, v7;
	[tilespmem:s4+$0xFFFFFF80] =	vst v3  }
0xae: {  	v1 =	vmul.f32 v2, v5;
	[tilespmem:s4+$0xFFFFFF90] =	vst v4  }
0xaf: {  	v3 =	vmul.f32 v2, v6;
	[tilespmem:s4+$0xFFFFFFC0] =	vst v63  }
0xb0: {  	[tilespmem:s4+$0xFFFFFFA0] =	vst v1  }
0xb1: {  	v1 =	vmul.f32 v2, v8;
	[tilespmem:s4+$0xFFFFFFB0] =	vst v3;
	v2 =	vnsel vm0, $0x0, v2  }
0xb2: {  	v3 =	vmul.f32 v13, v10;
	[tilespmem:s4+$0xFFFFFFF0] =	vst v2  }
0xb3: {  	v2 =	vmul.f32 v13, v12;
	[tilespmem:s4+$0xFFFFFFD0] =	vst v1  }
0xb4: {  	v1 =	vmul.f32 v13, v11;
	[tilespmem:s4+$0x0] =	vst v3  }
0xb5: {  	v3 =	vmul.f32 v13, v14;
	[tilespmem:s4+$0x20] =	vst v2  }
0xb6: {  	v2 =	vmul.f32 v13, v16;
	[tilespmem:s4+$0x10] =	vst v1  }
0xb7: {  	v1 =	vmul.f32 v13, v15;
	[tilespmem:s4+$0x30] =	vst v3  }
0xb8: {  	v3 =	vmul.f32 v13, v17;
	[tilespmem:s4+$0x50] =	vst v2  }
0xb9: {  	[tilespmem:s4+$0x40] =	vst v1  }
0xba: {  	v2 =	vnsel vm0, $0x0, v13;
	v1 =	vmul.f32 v13, v18;
	[tilespmem:s4+$0x60] =	vst v3  }
0xbb: {  	[tilespmem:s4+$0x80] =	vst v2  }
0xbc: {  	s13 =	simm.s32 $0x420;
	[tilespmem:s4+$0x70] =	vst v1  }
0xbd: {  	s7 =	simm.s32 $0x5;
	s2 =	simm.s32 $0x2;
	s16 =	simm.s32 $0x3;
	v1 =	vld [tilespmem:s13+$0xFFFFFF80]  }
.LBB2_5:
0xbe: {  	p0 =	sne.s32 s7, $0x2F;
	v2 =	vmov s2;
	v3 =	vld [tilespmem:s13+$0xFFFFFF90]  }
0xbf: {  	v2 =	vand.u32 $0xFFFFFFFE, v2;
	v4 =	vld [tilespmem:s13+$0xFFFFFFA0]  }
0xc0: {  	v2 =	vbroadcast v2, $0x0;
	v5 =	vld [tilespmem:s13+$0xFFFFFFB0]  }
0xc1: {  	v6 =	vld [tilespmem:s13+$0xFFFFFFC0]  }
0xc2: {  	v7 =	vld [tilespmem:s13+$0xFFFFFFD0]  }
0xc3: {  	v8 =	vld [tilespmem:s13+$0xFFFFFFE0]  }
0xc4: {  	v9 =	vld [tilespmem:s13+$0xFFFFFFF0]  }
0xc5: {  	v10 =	vld [tilespmem:s13+$0x0]  }
0xc6: {  	v2 =	vld.idx.msk [tilespmem:v2+s0+$0x0], $0xffff  }
0xc7: {  	v11 =	vld [tilespmem:s13+$0x10]  }
0xc8: {  	v12 =	vld [tilespmem:s13+$0x20]  }
0xc9: {  	v13 =	vmov s16;
	s16 =	smov.u32 s7;
	v14 =	vld [tilespmem:s13+$0x30]  }
0xca: {  	v15 =	vld [tilespmem:s13+$0x40]  }
0xcb: {  	v16 =	vld [tilespmem:s13+$0x50]  }
0xcc: {  	v1 =	vmul.f32 v2, v1;
	v9 =	vmul.f32 v2, v9;
	v18 =	vnsel vm0, $0x0, v2;
	v17 =	vld [tilespmem:s13+$0x60]  }
0xcd: {  	s4 =	sadd.s32 $0x120, s4;
	v3 =	vmul.f32 v2, v3;
	v4 =	vmul.f32 v2, v4;
	v19 =	vld [tilespmem:s13+$0x70]  }
0xce: {  	v5 =	vmul.f32 v2, v5;
	v6 =	vmul.f32 v2, v6;
	v13 =	vld.idx.msk [tilespmem:v13+s0+$0x0], $0xffff;
	[tilespmem:s4+$0xFFFFFFE0] =	vst v9  }
0xcf: {  	v7 =	vmul.f32 v2, v7;
	v2 =	vmul.f32 v2, v8;
	[tilespmem:s4+$0xFFFFFF70] =	vst v1  }
0xd0: {  	[tilespmem:s4+$0xFFFFFF80] =	vst v3  }
0xd1: {  	[tilespmem:s4+$0xFFFFFF90] =	vst v4  }
0xd2: {  	[tilespmem:s4+$0xFFFFFFA0] =	vst v5  }
0xd3: {  	[tilespmem:s4+$0xFFFFFFB0] =	vst v6  }
0xd4: {  	v1 =	vmul.f32 v13, v10;
	v3 =	vmul.f32 v13, v11;
	v4 =	vnsel vm0, $0x0, v13;
	[tilespmem:s4+$0xFFFFFFC0] =	vst v7  }
0xd5: {  	v5 =	vmul.f32 v13, v12;
	v6 =	vmul.f32 v13, v14;
	[tilespmem:s4+$0xFFFFFFD0] =	vst v2  }
0xd6: {  	v7 =	vmul.f32 v13, v16;
	v2 =	vmul.f32 v13, v15;
	[tilespmem:s4+$0xFFFFFFF0] =	vst v18  }
0xd7: {  	v8 =	vmul.f32 v13, v17;
	v9 =	vmul.f32 v13, v19;
	[tilespmem:s4+$0x0] =	vst v1  }
0xd8: {  	[tilespmem:s4+$0x10] =	vst v3  }
0xd9: {  	[tilespmem:s4+$0x20] =	vst v5  }
0xda: {  	[tilespmem:s4+$0x30] =	vst v6  }
0xdb: {  	[tilespmem:s4+$0x40] =	vst v2  }
.Ltmp3:
0xdc: {  	[tilespmem:s4+$0x50] =	vst v7;
	(pc) =	sbr.rel @p0 .LBB2_5-.Ltmp3, $4  }
0xdd: {  	[tilespmem:s4+$0x60] =	vst v8  }
0xde: {  	[tilespmem:s4+$0x70] =	vst v9  }
0xdf: {  	s13 =	sadd.s32 $0x100, s13;
	[tilespmem:s4+$0x80] =	vst v4  }
0xe0: {  	s7 =	sadd.s32 $0x2, s7;
	s2 =	sadd.s32 $0xFFFFFFFF, s16;
	v1 =	vld [tilespmem:s13+$0xFFFFFF80]  }
0xe1: {  	v3 =	vld [tilespmem:s13+$0xFFFFFF90]  }
0xe2: {  	v2 =	vmov s2;
	v4 =	vld [tilespmem:s13+$0xFFFFFFA0]  }
0xe3: {  	v5 =	vld [tilespmem:s13+$0xFFFFFFB0];
	v2 =	vand.u32 $0xFFFFFFFE, v2  }
0xe4: {  	v6 =	vld [tilespmem:s13+$0xFFFFFFC0];
	v2 =	vbroadcast v2, $0x0  }
0xe5: {  	v7 =	vld [tilespmem:s13+$0xFFFFFFD0]  }
0xe6: {  	v8 =	vld [tilespmem:s13+$0xFFFFFFE0]  }
0xe7: {  	v9 =	vld [tilespmem:s13+$0xFFFFFFF0]  }
0xe8: {  	v10 =	vld [tilespmem:s13+$0x0]  }
0xe9: {  	v11 =	vld [tilespmem:s13+$0x10]  }
0xea: {  	v2 =	vld.idx.msk [tilespmem:v2+s0+$0x0], $0xffff  }
0xeb: {  	v12 =	vld [tilespmem:s13+$0x20]  }
0xec: {  	v13 =	vmov s16;
	v14 =	vld [tilespmem:s13+$0x30]  }
0xed: {  	v15 =	vld [tilespmem:s13+$0x40]  }
0xee: {  	v16 =	vld [tilespmem:s13+$0x50]  }
0xef: {  	v17 =	vld [tilespmem:s13+$0x60];
	v9 =	vmul.f32 v2, v9  }
0xf0: {  	v18 =	vld [tilespmem:s13+$0x70];
	s4 =	sadd.s32 $0x120, s4;
	v1 =	vmul.f32 v2, v1  }
0xf1: {  	v13 =	vld.idx.msk [tilespmem:v13+s0+$0x0], $0xffff;
	v3 =	vmul.f32 v2, v3;
	[tilespmem:s4+$0xFFFFFFE0] =	vst v9  }
0xf2: {  	v4 =	vmul.f32 v2, v4;
	[tilespmem:s4+$0xFFFFFF70] =	vst v1  }
0xf3: {  	v47 =	vmul.f32 v2, v7;
	[tilespmem:s4+$0xFFFFFF80] =	vst v3  }
0xf4: {  	v1 =	vmul.f32 v2, v5;
	[tilespmem:s4+$0xFFFFFF90] =	vst v4  }
0xf5: {  	v3 =	vmul.f32 v2, v6;
	[tilespmem:s4+$0xFFFFFFC0] =	vst v47  }
0xf6: {  	[tilespmem:s4+$0xFFFFFFA0] =	vst v1  }
0xf7: {  	v1 =	vmul.f32 v2, v8;
	[tilespmem:s4+$0xFFFFFFB0] =	vst v3;
	v2 =	vnsel vm0, $0x0, v2  }
0xf8: {  	v3 =	vmul.f32 v13, v10;
	[tilespmem:s4+$0xFFFFFFF0] =	vst v2  }
0xf9: {  	v2 =	vmul.f32 v13, v12;
	[tilespmem:s4+$0xFFFFFFD0] =	vst v1  }
0xfa: {  	v1 =	vmul.f32 v13, v11;
	[tilespmem:s4+$0x0] =	vst v3  }
0xfb: {  	v3 =	vmul.f32 v13, v14;
	[tilespmem:s4+$0x20] =	vst v2  }
0xfc: {  	v2 =	vmul.f32 v13, v16;
	[tilespmem:s4+$0x10] =	vst v1  }
0xfd: {  	v1 =	vmul.f32 v13, v15;
	[tilespmem:s4+$0x30] =	vst v3  }
0xfe: {  	v3 =	vmul.f32 v13, v17;
	[tilespmem:s4+$0x50] =	vst v2  }
0xff: {  	[tilespmem:s4+$0x40] =	vst v1  }
0x100: {  	v2 =	vnsel vm0, $0x0, v13;
	v1 =	vmul.f32 v13, v18;
	[tilespmem:s4+$0x60] =	vst v3  }
0x101: {  	[tilespmem:s4+$0x80] =	vst v2  }
0x102: {  	[tilespmem:s4+$0x70] =	vst v1  }
0x103: {  	v1 =	vld [tilespmem:$0x30]  }
0x104: {  	v2 =	vld [tilespmem:$0x40]  }
0x105: {  	v3 =	vld [tilespmem:$0x50];
	_ =	sdelay $0x2  }
0x106: {  	[tilespmem:$0x240] =	vst v1  }
0x107: {  	p0 =	seq.s32 s6, $0x34;
	[tilespmem:$0x250] =	vst v2  }
0x108: {  	s4 =	smul.u32 @!p0 $0x240, s6;
	[tilespmem:$0x260] =	vst v3  }
0x109: {  	_ =	swait.ge [sflag:s15], $0x90  }
0x10a: {  	s2 =	sadd.s32 @!p0 s4, s21;
	[sflag:s15] =	ssyncset.done $0x0  }
0x10b: {  	s7 =	simm.s32 $0x4AA0;
	s2 =	sshrl.u32 @!p0 s2, $0x3;
	[sflag:s15] =	ssyncadd.s32 $0xFFFFFF70  }
0x10c: {  	[tilespmem:s7], [sflag:$0x4] =	stream.indirect.gather [hbm4b:s1+s10], $0x80, s8, s10, $0xb8;
	[tilespmem:$0x1F830] =	vst v63  }
0x10d: {  	s2 =	sadd.s32 @!p0 s5, s2;
	s7 =	simm.s32 @!p0 $0x0  }
0x10e: {  	[tilespmem:s7], [sflag:$0x7] =	stream.linear.gather @!p0 [hbm4b:s2+s7], $0x90, $0x38;
	[tilespmem:$0x1F830] =	vst v63  }
0x10f: {  	_ = 	snop  }
0x110: {  	[spmem:s3] =	stream.indirect.scatter.add.f32 [tilespmem:s31], [sflag:$0x5], $0x90, s17, s10, $0xb8;
	[tilespmem:$0x1F830] =	vst v63  }
0x111: {  	_ =	swait.ge [sflag:s18], $0x1800  }
0x112: {  	[sflag:s18] =	ssyncset.done $0x0  }
0x113: {  	s2 =	simm.s32 @!p1 $0x6;
	[sflag:s18] =	ssyncadd.s32 $0xFFFFE800  }
0x114: {  	_ =	swait.ge @!p1 [sflag:s2], $0x1B00  }
0x115: {  	[sflag:s2] =	ssyncset.done @!p1 $0x0  }
0x116: {  	s13 =	simm.s32 $0x1B90;
	[sflag:s2] =	ssyncadd.s32 @!p1 $0xFFFFE500  }
0x117: {  	s16 =	simm.s32 $0x0;
	v1 =	vld [tilespmem:s13+$0xFFFFFF10]  }
0x118: {  	v2 =	vmov s16;
	v3 =	vld [tilespmem:s13+$0xFFFFFF20]  }
0x119: {  	v2 =	vand.u32 $0xFFFFFFFE, v2;
	v48 =	vld [tilespmem:s13+$0xFFFFFF30]  }
0x11a: {  	v2 =	vbroadcast v2, $0x0;
	v49 =	vld [tilespmem:s13+$0xFFFFFF40]  }
0x11b: {  	v50 =	vld [tilespmem:s13+$0xFFFFFF50]  }
0x11c: {  	v51 =	vld [tilespmem:s13+$0xFFFFFF60]  }
0x11d: {  	v52 =	vld [tilespmem:s13+$0xFFFFFF70]  }
0x11e: {  	v53 =	vld [tilespmem:s13+$0xFFFFFF80]  }
0x11f: {  	v54 =	vld [tilespmem:s13+$0xFFFFFF90]  }
0x120: {  	v2 =	vld.idx.msk [tilespmem:v2+s19+$0x0], $0xffff  }
0x121: {  	v55 =	vld [tilespmem:s13+$0xFFFFFFA0]  }
0x122: {  	s24 =	simm.s32 $0x1;
	v56 =	vld [tilespmem:s13+$0xFFFFFFB0]  }
0x123: {  	v57 =	vmov s24;
	v58 =	vld [tilespmem:s13+$0xFFFFFFC0]  }
0x124: {  	v59 =	vld [tilespmem:s13+$0xFFFFFFD0]  }
0x125: {  	v60 =	vld [tilespmem:s13+$0xFFFFFFE0]  }
0x126: {  	v61 =	vld [tilespmem:s13+$0xFFFFFFF0];
	v9 =	vmul.f32 v2, v53  }
0x127: {  	v62 =	vld [tilespmem:s13+$0x0];
	s13 =	simm.s32 $0x7EB0;
	v1 =	vmul.f32 v2, v1  }
0x128: {  	v13 =	vld.idx.msk [tilespmem:v57+s19+$0x0], $0xffff;
	v3 =	vmul.f32 v2, v3;
	[tilespmem:s13+$0xFFFFFF60] =	vst v9  }
0x129: {  	v4 =	vmul.f32 v2, v48;
	[tilespmem:s13+$0xFFFFFEF0] =	vst v1  }
0x12a: {  	v63 =	vmul.f32 v2, v51;
	[tilespmem:s13+$0xFFFFFF00] =	vst v3  }
0x12b: {  	v1 =	vmul.f32 v2, v49;
	[tilespmem:s13+$0xFFFFFF10] =	vst v4  }
0x12c: {  	v3 =	vmul.f32 v2, v50;
	[tilespmem:s13+$0xFFFFFF40] =	vst v63  }
0x12d: {  	[tilespmem:s13+$0xFFFFFF20] =	vst v1  }
0x12e: {  	v1 =	vmul.f32 v2, v52;
	[tilespmem:s13+$0xFFFFFF30] =	vst v3;
	v2 =	vnsel vm0, $0x0, v2  }
0x12f: {  	v3 =	vmul.f32 v13, v54;
	[tilespmem:s13+$0xFFFFFF70] =	vst v2  }
0x130: {  	v2 =	vmul.f32 v13, v56;
	[tilespmem:s13+$0xFFFFFF50] =	vst v1  }
0x131: {  	v1 =	vmul.f32 v13, v55;
	[tilespmem:s13+$0xFFFFFF80] =	vst v3  }
0x132: {  	v3 =	vmul.f32 v13, v58;
	[tilespmem:s13+$0xFFFFFFA0] =	vst v2  }
0x133: {  	v2 =	vmul.f32 v13, v60;
	[tilespmem:s13+$0xFFFFFF90] =	vst v1  }
0x134: {  	v1 =	vmul.f32 v13, v59;
	[tilespmem:s13+$0xFFFFFFB0] =	vst v3  }
0x135: {  	v3 =	vmul.f32 v13, v61;
	[tilespmem:s13+$0xFFFFFFD0] =	vst v2  }
0x136: {  	[tilespmem:s13+$0xFFFFFFC0] =	vst v1  }
0x137: {  	v2 =	vnsel vm0, $0x0, v13;
	v1 =	vmul.f32 v13, v62;
	[tilespmem:s13+$0xFFFFFFE0] =	vst v3  }
0x138: {  	[tilespmem:s13+$0x0] =	vst v2  }
0x139: {  	s16 =	simm.s32 $0x1C90;
	[tilespmem:s13+$0xFFFFFFF0] =	vst v1  }
0x13a: {  	s24 =	simm.s32 $0x2;
	s7 =	simm.s32 $0x3;
	s2 =	simm.s32 $0x5;
	v1 =	vld [tilespmem:s16+$0xFFFFFF10]  }
.LBB2_7:
0x13b: {  	p1 =	sne.s32 s2, $0x2F;
	v2 =	vmov s24;
	v3 =	vld [tilespmem:s16+$0xFFFFFF20]  }
0x13c: {  	v2 =	vand.u32 $0xFFFFFFFE, v2;
	v4 =	vld [tilespmem:s16+$0xFFFFFF30]  }
0x13d: {  	v2 =	vbroadcast v2, $0x0;
	v5 =	vld [tilespmem:s16+$0xFFFFFF40]  }
0x13e: {  	v6 =	vld [tilespmem:s16+$0xFFFFFF50]  }
0x13f: {  	v7 =	vld [tilespmem:s16+$0xFFFFFF60]  }
0x140: {  	v8 =	vld [tilespmem:s16+$0xFFFFFF70]  }
0x141: {  	v9 =	vld [tilespmem:s16+$0xFFFFFF80]  }
0x142: {  	v10 =	vld [tilespmem:s16+$0xFFFFFF90]  }
0x143: {  	v2 =	vld.idx.msk [tilespmem:v2+s19+$0x0], $0xffff  }
0x144: {  	v11 =	vld [tilespmem:s16+$0xFFFFFFA0]  }
0x145: {  	v12 =	vld [tilespmem:s16+$0xFFFFFFB0]  }
0x146: {  	v13 =	vmov s7;
	s7 =	smov.u32 s2;
	v14 =	vld [tilespmem:s16+$0xFFFFFFC0]  }
0x147: {  	v15 =	vld [tilespmem:s16+$0xFFFFFFD0]  }
0x148: {  	v16 =	vld [tilespmem:s16+$0xFFFFFFE0]  }
0x149: {  	v1 =	vmul.f32 v2, v1;
	v9 =	vmul.f32 v2, v9;
	v18 =	vnsel vm0, $0x0, v2;
	v17 =	vld [tilespmem:s16+$0xFFFFFFF0]  }
0x14a: {  	s13 =	sadd.s32 $0x120, s13;
	v3 =	vmul.f32 v2, v3;
	v4 =	vmul.f32 v2, v4;
	v19 =	vld [tilespmem:s16+$0x0]  }
0x14b: {  	v5 =	vmul.f32 v2, v5;
	v6 =	vmul.f32 v2, v6;
	v13 =	vld.idx.msk [tilespmem:v13+s19+$0x0], $0xffff;
	[tilespmem:s13+$0xFFFFFF60] =	vst v9  }
0x14c: {  	v7 =	vmul.f32 v2, v7;
	v2 =	vmul.f32 v2, v8;
	[tilespmem:s13+$0xFFFFFEF0] =	vst v1  }
0x14d: {  	[tilespmem:s13+$0xFFFFFF00] =	vst v3  }
0x14e: {  	[tilespmem:s13+$0xFFFFFF10] =	vst v4  }
0x14f: {  	[tilespmem:s13+$0xFFFFFF20] =	vst v5  }
0x150: {  	[tilespmem:s13+$0xFFFFFF30] =	vst v6  }
0x151: {  	v1 =	vmul.f32 v13, v10;
	v3 =	vmul.f32 v13, v11;
	v4 =	vnsel vm0, $0x0, v13;
	[tilespmem:s13+$0xFFFFFF40] =	vst v7  }
0x152: {  	v5 =	vmul.f32 v13, v12;
	v6 =	vmul.f32 v13, v14;
	[tilespmem:s13+$0xFFFFFF50] =	vst v2  }
0x153: {  	v7 =	vmul.f32 v13, v16;
	v2 =	vmul.f32 v13, v15;
	[tilespmem:s13+$0xFFFFFF70] =	vst v18  }
0x154: {  	v8 =	vmul.f32 v13, v17;
	v9 =	vmul.f32 v13, v19;
	[tilespmem:s13+$0xFFFFFF80] =	vst v1  }
0x155: {  	[tilespmem:s13+$0xFFFFFF90] =	vst v3  }
0x156: {  	[tilespmem:s13+$0xFFFFFFA0] =	vst v5  }
0x157: {  	[tilespmem:s13+$0xFFFFFFB0] =	vst v6  }
0x158: {  	[tilespmem:s13+$0xFFFFFFC0] =	vst v2  }
.Ltmp4:
0x159: {  	[tilespmem:s13+$0xFFFFFFD0] =	vst v7;
	(pc) =	sbr.rel @p1 .LBB2_7-.Ltmp4, $4  }
0x15a: {  	[tilespmem:s13+$0xFFFFFFE0] =	vst v8  }
0x15b: {  	[tilespmem:s13+$0xFFFFFFF0] =	vst v9  }
0x15c: {  	s16 =	sadd.s32 $0x100, s16;
	[tilespmem:s13+$0x0] =	vst v4  }
0x15d: {  	s2 =	sadd.s32 $0x2, s2;
	s24 =	sadd.s32 $0xFFFFFFFF, s7;
	v1 =	vld [tilespmem:s16+$0xFFFFFF10]  }
0x15e: {  	v3 =	vld [tilespmem:s16+$0xFFFFFF20]  }
0x15f: {  	v2 =	vmov s24;
	v4 =	vld [tilespmem:s16+$0xFFFFFF30]  }
0x160: {  	v5 =	vld [tilespmem:s16+$0xFFFFFF40];
	v2 =	vand.u32 $0xFFFFFFFE, v2  }
0x161: {  	v6 =	vld [tilespmem:s16+$0xFFFFFF50];
	v2 =	vbroadcast v2, $0x0  }
0x162: {  	v7 =	vld [tilespmem:s16+$0xFFFFFF60]  }
0x163: {  	v8 =	vld [tilespmem:s16+$0xFFFFFF70]  }
0x164: {  	v9 =	vld [tilespmem:s16+$0xFFFFFF80]  }
0x165: {  	v10 =	vld [tilespmem:s16+$0xFFFFFF90]  }
0x166: {  	v11 =	vld [tilespmem:s16+$0xFFFFFFA0]  }
0x167: {  	v2 =	vld.idx.msk [tilespmem:v2+s19+$0x0], $0xffff  }
0x168: {  	v12 =	vld [tilespmem:s16+$0xFFFFFFB0]  }
0x169: {  	v13 =	vmov s7;
	v14 =	vld [tilespmem:s16+$0xFFFFFFC0]  }
0x16a: {  	v15 =	vld [tilespmem:s16+$0xFFFFFFD0]  }
0x16b: {  	v16 =	vld [tilespmem:s16+$0xFFFFFFE0]  }
0x16c: {  	v17 =	vld [tilespmem:s16+$0xFFFFFFF0];
	v9 =	vmul.f32 v2, v9  }
0x16d: {  	v18 =	vld [tilespmem:s16+$0x0];
	s2 =	sadd.s32 $0x120, s13;
	v1 =	vmul.f32 v2, v1  }
0x16e: {  	v13 =	vld.idx.msk [tilespmem:v13+s19+$0x0], $0xffff;
	v3 =	vmul.f32 v2, v3;
	[tilespmem:s2+$0xFFFFFF60] =	vst v9  }
0x16f: {  	v4 =	vmul.f32 v2, v4;
	[tilespmem:s2+$0xFFFFFEF0] =	vst v1  }
0x170: {  	v47 =	vmul.f32 v2, v7;
	[tilespmem:s2+$0xFFFFFF00] =	vst v3  }
0x171: {  	v1 =	vmul.f32 v2, v5;
	[tilespmem:s2+$0xFFFFFF10] =	vst v4  }
0x172: {  	v3 =	vmul.f32 v2, v6;
	[tilespmem:s2+$0xFFFFFF40] =	vst v47  }
0x173: {  	[tilespmem:s2+$0xFFFFFF20] =	vst v1  }
0x174: {  	v1 =	vmul.f32 v2, v8;
	[tilespmem:s2+$0xFFFFFF30] =	vst v3;
	v2 =	vnsel vm0, $0x0, v2  }
0x175: {  	v3 =	vmul.f32 v13, v10;
	[tilespmem:s2+$0xFFFFFF70] =	vst v2  }
0x176: {  	v2 =	vmul.f32 v13, v12;
	[tilespmem:s2+$0xFFFFFF50] =	vst v1  }
0x177: {  	v1 =	vmul.f32 v13, v11;
	[tilespmem:s2+$0xFFFFFF80] =	vst v3  }
0x178: {  	v3 =	vmul.f32 v13, v14;
	[tilespmem:s2+$0xFFFFFFA0] =	vst v2  }
0x179: {  	v2 =	vmul.f32 v13, v16;
	[tilespmem:s2+$0xFFFFFF90] =	vst v1  }
0x17a: {  	v1 =	vmul.f32 v13, v15;
	[tilespmem:s2+$0xFFFFFFB0] =	vst v3  }
0x17b: {  	v3 =	vmul.f32 v13, v17;
	[tilespmem:s2+$0xFFFFFFD0] =	vst v2  }
0x17c: {  	[tilespmem:s2+$0xFFFFFFC0] =	vst v1  }
0x17d: {  	v2 =	vnsel vm0, $0x0, v13;
	v1 =	vmul.f32 v13, v18;
	[tilespmem:s2+$0xFFFFFFE0] =	vst v3  }
0x17e: {  	[tilespmem:s2+$0x0] =	vst v2  }
0x17f: {  	[tilespmem:s2+$0xFFFFFFF0] =	vst v1  }
0x180: {  	v1 =	vld [tilespmem:$0xC0]  }
0x181: {  	v2 =	vld [tilespmem:$0xD0]  }
0x182: {  	v3 =	vld [tilespmem:$0xE0];
	_ =	sdelay $0x2  }
0x183: {  	[tilespmem:$0x270] =	vst v1  }
0x184: {  	[tilespmem:$0x280] =	vst v2  }
0x185: {  	s2 =	simm.s32 @!p0 $0x7;
	[tilespmem:$0x290] =	vst v3  }
0x186: {  	_ =	swait.ge @!p0 [sflag:s2], $0x90  }
0x187: {  	s7 =	simm.s32 @!p0 $0x0;
	[sflag:s2] =	ssyncset.done @!p0 $0x0  }
0x188: {  	s13 =	simm.s32 @!p0 $0x2A0;
	[sflag:s2] =	ssyncadd.s32 @!p0 $0xFFFFFF70;
	s2 =	simm.s32 @!p0 $0x30  }
0x189: {  	[tilespmem:s13], [sflag:$0x1] =	stream.indirect.gather @!p0 [hbm4b:s1+s2], $0x80, s7, s2, $0xb8;
	[tilespmem:$0x1F830] =	vst v63  }
0x18a: {  	s2 =	sadd.s32 @!p0 s4, s22  }
0x18b: {  	s2 =	sshrl.u32 @!p0 s2, $0x3  }
0x18c: {  	s13 =	simm.s32 @!p0 $0x90;
	s2 =	sadd.s32 @!p0 s5, s2  }
0x18d: {  	[tilespmem:s13], [sflag:$0x8] =	stream.linear.gather @!p0 [hbm4b:s2+s7], $0x90, $0x38;
	[tilespmem:$0x1F830] =	vst v63  }
0x18e: {  	_ = 	snop  }
0x18f: {  	[spmem:s3] =	stream.indirect.scatter.add.f32 [tilespmem:s26], [sflag:$0x6], $0x90, s25, s10, $0xb8;
	[tilespmem:$0x1F830] =	vst v63  }
0x190: {  	_ =	swait.ge [sflag:s28], $0x1800  }
0x191: {  	[sflag:s28] =	ssyncset.done $0x0  }
0x192: {  	[sflag:s28] =	ssyncadd.s32 $0xFFFFE800  }
0x193: {  	_ =	swait.ge [sflag:s29], $0x1B00  }
0x194: {  	[sflag:s29] =	ssyncset.done $0x0  }
0x195: {  	s13 =	simm.s32 $0x3390;
	[sflag:s29] =	ssyncadd.s32 $0xFFFFE500  }
0x196: {  	s16 =	simm.s32 $0x0;
	v1 =	vld [tilespmem:s13+$0xFFFFFF10]  }
0x197: {  	v2 =	vmov s16;
	v3 =	vld [tilespmem:s13+$0xFFFFFF20]  }
0x198: {  	v2 =	vand.u32 $0xFFFFFFFE, v2;
	v48 =	vld [tilespmem:s13+$0xFFFFFF30]  }
0x199: {  	v2 =	vbroadcast v2, $0x0;
	v49 =	vld [tilespmem:s13+$0xFFFFFF40]  }
0x19a: {  	v50 =	vld [tilespmem:s13+$0xFFFFFF50]  }
0x19b: {  	v51 =	vld [tilespmem:s13+$0xFFFFFF60]  }
0x19c: {  	v52 =	vld [tilespmem:s13+$0xFFFFFF70]  }
0x19d: {  	v53 =	vld [tilespmem:s13+$0xFFFFFF80]  }
0x19e: {  	v54 =	vld [tilespmem:s13+$0xFFFFFF90]  }
0x19f: {  	v2 =	vld.idx.msk [tilespmem:v2+s30+$0x0], $0xffff  }
0x1a0: {  	v55 =	vld [tilespmem:s13+$0xFFFFFFA0]  }
0x1a1: {  	s24 =	simm.s32 $0x1;
	v56 =	vld [tilespmem:s13+$0xFFFFFFB0]  }
0x1a2: {  	v57 =	vmov s24;
	v58 =	vld [tilespmem:s13+$0xFFFFFFC0]  }
0x1a3: {  	v59 =	vld [tilespmem:s13+$0xFFFFFFD0]  }
0x1a4: {  	v60 =	vld [tilespmem:s13+$0xFFFFFFE0]  }
0x1a5: {  	v61 =	vld [tilespmem:s13+$0xFFFFFFF0];
	v9 =	vmul.f32 v2, v53  }
0x1a6: {  	v62 =	vld [tilespmem:s13+$0x0];
	s13 =	simm.s32 $0x6330;
	v1 =	vmul.f32 v2, v1  }
0x1a7: {  	v13 =	vld.idx.msk [tilespmem:v57+s30+$0x0], $0xffff;
	v3 =	vmul.f32 v2, v3;
	[tilespmem:s13+$0xFFFFFFE0] =	vst v9  }
0x1a8: {  	v4 =	vmul.f32 v2, v48;
	[tilespmem:s13+$0xFFFFFF70] =	vst v1  }
0x1a9: {  	v63 =	vmul.f32 v2, v51;
	[tilespmem:s13+$0xFFFFFF80] =	vst v3  }
0x1aa: {  	v1 =	vmul.f32 v2, v49;
	[tilespmem:s13+$0xFFFFFF90] =	vst v4  }
0x1ab: {  	v3 =	vmul.f32 v2, v50;
	[tilespmem:s13+$0xFFFFFFC0] =	vst v63  }
0x1ac: {  	[tilespmem:s13+$0xFFFFFFA0] =	vst v1  }
0x1ad: {  	v1 =	vmul.f32 v2, v52;
	[tilespmem:s13+$0xFFFFFFB0] =	vst v3;
	v2 =	vnsel vm0, $0x0, v2  }
0x1ae: {  	v3 =	vmul.f32 v13, v54;
	[tilespmem:s13+$0xFFFFFFF0] =	vst v2  }
0x1af: {  	v2 =	vmul.f32 v13, v56;
	[tilespmem:s13+$0xFFFFFFD0] =	vst v1  }
0x1b0: {  	v1 =	vmul.f32 v13, v55;
	[tilespmem:s13+$0x0] =	vst v3  }
0x1b1: {  	v3 =	vmul.f32 v13, v58;
	[tilespmem:s13+$0x20] =	vst v2  }
0x1b2: {  	v2 =	vmul.f32 v13, v60;
	[tilespmem:s13+$0x10] =	vst v1  }
0x1b3: {  	v1 =	vmul.f32 v13, v59;
	[tilespmem:s13+$0x30] =	vst v3  }
0x1b4: {  	v3 =	vmul.f32 v13, v61;
	[tilespmem:s13+$0x50] =	vst v2  }
0x1b5: {  	[tilespmem:s13+$0x40] =	vst v1  }
0x1b6: {  	v2 =	vnsel vm0, $0x0, v13;
	v1 =	vmul.f32 v13, v62;
	[tilespmem:s13+$0x60] =	vst v3  }
0x1b7: {  	[tilespmem:s13+$0x80] =	vst v2  }
0x1b8: {  	s16 =	simm.s32 $0x3490;
	[tilespmem:s13+$0x70] =	vst v1  }
0x1b9: {  	s24 =	simm.s32 $0x2;
	s7 =	simm.s32 $0x3;
	s2 =	simm.s32 $0x5;
	v1 =	vld [tilespmem:s16+$0xFFFFFF10]  }
.LBB2_9:
0x1ba: {  	p1 =	sne.s32 s2, $0x2F;
	v2 =	vmov s24;
	v3 =	vld [tilespmem:s16+$0xFFFFFF20]  }
0x1bb: {  	v2 =	vand.u32 $0xFFFFFFFE, v2;
	v4 =	vld [tilespmem:s16+$0xFFFFFF30]  }
0x1bc: {  	v2 =	vbroadcast v2, $0x0;
	v5 =	vld [tilespmem:s16+$0xFFFFFF40]  }
0x1bd: {  	v6 =	vld [tilespmem:s16+$0xFFFFFF50]  }
0x1be: {  	v7 =	vld [tilespmem:s16+$0xFFFFFF60]  }
0x1bf: {  	v8 =	vld [tilespmem:s16+$0xFFFFFF70]  }
0x1c0: {  	v9 =	vld [tilespmem:s16+$0xFFFFFF80]  }
0x1c1: {  	v10 =	vld [tilespmem:s16+$0xFFFFFF90]  }
0x1c2: {  	v2 =	vld.idx.msk [tilespmem:v2+s30+$0x0], $0xffff  }
0x1c3: {  	v11 =	vld [tilespmem:s16+$0xFFFFFFA0]  }
0x1c4: {  	v12 =	vld [tilespmem:s16+$0xFFFFFFB0]  }
0x1c5: {  	v13 =	vmov s7;
	s7 =	smov.u32 s2;
	v14 =	vld [tilespmem:s16+$0xFFFFFFC0]  }
0x1c6: {  	v15 =	vld [tilespmem:s16+$0xFFFFFFD0]  }
0x1c7: {  	v16 =	vld [tilespmem:s16+$0xFFFFFFE0]  }
0x1c8: {  	v1 =	vmul.f32 v2, v1;
	v9 =	vmul.f32 v2, v9;
	v18 =	vnsel vm0, $0x0, v2;
	v17 =	vld [tilespmem:s16+$0xFFFFFFF0]  }
0x1c9: {  	s13 =	sadd.s32 $0x120, s13;
	v3 =	vmul.f32 v2, v3;
	v4 =	vmul.f32 v2, v4;
	v19 =	vld [tilespmem:s16+$0x0]  }
0x1ca: {  	v5 =	vmul.f32 v2, v5;
	v6 =	vmul.f32 v2, v6;
	v13 =	vld.idx.msk [tilespmem:v13+s30+$0x0], $0xffff;
	[tilespmem:s13+$0xFFFFFFE0] =	vst v9  }
0x1cb: {  	v7 =	vmul.f32 v2, v7;
	v2 =	vmul.f32 v2, v8;
	[tilespmem:s13+$0xFFFFFF70] =	vst v1  }
0x1cc: {  	[tilespmem:s13+$0xFFFFFF80] =	vst v3  }
0x1cd: {  	[tilespmem:s13+$0xFFFFFF90] =	vst v4  }
0x1ce: {  	[tilespmem:s13+$0xFFFFFFA0] =	vst v5  }
0x1cf: {  	[tilespmem:s13+$0xFFFFFFB0] =	vst v6  }
0x1d0: {  	v1 =	vmul.f32 v13, v10;
	v3 =	vmul.f32 v13, v11;
	v4 =	vnsel vm0, $0x0, v13;
	[tilespmem:s13+$0xFFFFFFC0] =	vst v7  }
0x1d1: {  	v5 =	vmul.f32 v13, v12;
	v6 =	vmul.f32 v13, v14;
	[tilespmem:s13+$0xFFFFFFD0] =	vst v2  }
0x1d2: {  	v7 =	vmul.f32 v13, v16;
	v2 =	vmul.f32 v13, v15;
	[tilespmem:s13+$0xFFFFFFF0] =	vst v18  }
0x1d3: {  	v8 =	vmul.f32 v13, v17;
	v9 =	vmul.f32 v13, v19;
	[tilespmem:s13+$0x0] =	vst v1  }
0x1d4: {  	[tilespmem:s13+$0x10] =	vst v3  }
0x1d5: {  	[tilespmem:s13+$0x20] =	vst v5  }
0x1d6: {  	[tilespmem:s13+$0x30] =	vst v6  }
0x1d7: {  	[tilespmem:s13+$0x40] =	vst v2  }
.Ltmp5:
0x1d8: {  	[tilespmem:s13+$0x50] =	vst v7;
	(pc) =	sbr.rel @p1 .LBB2_9-.Ltmp5, $4  }
0x1d9: {  	[tilespmem:s13+$0x60] =	vst v8  }
0x1da: {  	[tilespmem:s13+$0x70] =	vst v9  }
0x1db: {  	s16 =	sadd.s32 $0x100, s16;
	[tilespmem:s13+$0x80] =	vst v4  }
0x1dc: {  	s2 =	sadd.s32 $0x2, s2;
	s24 =	sadd.s32 $0xFFFFFFFF, s7;
	v1 =	vld [tilespmem:s16+$0xFFFFFF10]  }
0x1dd: {  	v3 =	vld [tilespmem:s16+$0xFFFFFF20]  }
0x1de: {  	v2 =	vmov s24;
	v4 =	vld [tilespmem:s16+$0xFFFFFF30]  }
0x1df: {  	v5 =	vld [tilespmem:s16+$0xFFFFFF40];
	v2 =	vand.u32 $0xFFFFFFFE, v2  }
0x1e0: {  	v6 =	vld [tilespmem:s16+$0xFFFFFF50];
	v2 =	vbroadcast v2, $0x0  }
0x1e1: {  	v7 =	vld [tilespmem:s16+$0xFFFFFF60]  }
0x1e2: {  	v8 =	vld [tilespmem:s16+$0xFFFFFF70]  }
0x1e3: {  	v9 =	vld [tilespmem:s16+$0xFFFFFF80]  }
0x1e4: {  	v10 =	vld [tilespmem:s16+$0xFFFFFF90]  }
0x1e5: {  	v11 =	vld [tilespmem:s16+$0xFFFFFFA0]  }
0x1e6: {  	v2 =	vld.idx.msk [tilespmem:v2+s30+$0x0], $0xffff  }
0x1e7: {  	v12 =	vld [tilespmem:s16+$0xFFFFFFB0]  }
0x1e8: {  	v13 =	vmov s7;
	v14 =	vld [tilespmem:s16+$0xFFFFFFC0]  }
0x1e9: {  	v15 =	vld [tilespmem:s16+$0xFFFFFFD0]  }
0x1ea: {  	v16 =	vld [tilespmem:s16+$0xFFFFFFE0]  }
0x1eb: {  	v17 =	vld [tilespmem:s16+$0xFFFFFFF0];
	v9 =	vmul.f32 v2, v9  }
0x1ec: {  	v18 =	vld [tilespmem:s16+$0x0];
	s2 =	sadd.s32 $0x120, s13;
	v1 =	vmul.f32 v2, v1  }
0x1ed: {  	v13 =	vld.idx.msk [tilespmem:v13+s30+$0x0], $0xffff;
	v3 =	vmul.f32 v2, v3;
	[tilespmem:s2+$0xFFFFFFE0] =	vst v9  }
0x1ee: {  	v4 =	vmul.f32 v2, v4;
	[tilespmem:s2+$0xFFFFFF70] =	vst v1  }
0x1ef: {  	v47 =	vmul.f32 v2, v7;
	[tilespmem:s2+$0xFFFFFF80] =	vst v3  }
0x1f0: {  	v1 =	vmul.f32 v2, v5;
	[tilespmem:s2+$0xFFFFFF90] =	vst v4  }
0x1f1: {  	v3 =	vmul.f32 v2, v6;
	[tilespmem:s2+$0xFFFFFFC0] =	vst v47  }
0x1f2: {  	[tilespmem:s2+$0xFFFFFFA0] =	vst v1  }
0x1f3: {  	v1 =	vmul.f32 v2, v8;
	[tilespmem:s2+$0xFFFFFFB0] =	vst v3;
	v2 =	vnsel vm0, $0x0, v2  }
0x1f4: {  	v3 =	vmul.f32 v13, v10;
	[tilespmem:s2+$0xFFFFFFF0] =	vst v2  }
0x1f5: {  	v2 =	vmul.f32 v13, v12;
	[tilespmem:s2+$0xFFFFFFD0] =	vst v1  }
0x1f6: {  	v1 =	vmul.f32 v13, v11;
	[tilespmem:s2+$0x0] =	vst v3  }
0x1f7: {  	v3 =	vmul.f32 v13, v14;
	[tilespmem:s2+$0x20] =	vst v2  }
0x1f8: {  	v2 =	vmul.f32 v13, v16;
	[tilespmem:s2+$0x10] =	vst v1  }
0x1f9: {  	v1 =	vmul.f32 v13, v15;
	[tilespmem:s2+$0x30] =	vst v3  }
0x1fa: {  	v3 =	vmul.f32 v13, v17;
	[tilespmem:s2+$0x50] =	vst v2  }
0x1fb: {  	[tilespmem:s2+$0x40] =	vst v1  }
0x1fc: {  	v2 =	vnsel vm0, $0x0, v13;
	v1 =	vmul.f32 v13, v18;
	[tilespmem:s2+$0x60] =	vst v3  }
0x1fd: {  	[tilespmem:s2+$0x80] =	vst v2  }
0x1fe: {  	[tilespmem:s2+$0x70] =	vst v1  }
0x1ff: {  	v1 =	vld [tilespmem:$0x150]  }
0x200: {  	v2 =	vld [tilespmem:$0x160]  }
0x201: {  	v3 =	vld [tilespmem:$0x170];
	_ =	sdelay $0x2  }
0x202: {  	[tilespmem:$0x240] =	vst v1  }
0x203: {  	[tilespmem:$0x250] =	vst v2  }
0x204: {  	s2 =	simm.s32 @!p0 $0x8;
	[tilespmem:$0x260] =	vst v3  }
0x205: {  	_ =	swait.ge @!p0 [sflag:s2], $0x90  }
0x206: {  	s7 =	simm.s32 @!p0 $0x90;
	[sflag:s2] =	ssyncset.done @!p0 $0x0  }
0x207: {  	s13 =	simm.s32 @!p0 $0x1AA0;
	[sflag:s2] =	ssyncadd.s32 @!p0 $0xFFFFFF70;
	s2 =	simm.s32 @!p0 $0x30  }
0x208: {  	[tilespmem:s13], [sflag:$0x2] =	stream.indirect.gather @!p0 [hbm4b:s1+s2], $0x80, s7, s2, $0xb8;
	[tilespmem:$0x1F830] =	vst v63  }
0x209: {  	s2 =	sadd.s32 @!p0 s4, s23  }
0x20a: {  	s2 =	sshrl.u32 @!p0 s2, $0x3  }
0x20b: {  	s4 =	simm.s32 @!p0 $0x0;
	s7 =	simm.s32 @!p0 $0x120;
	s2 =	sadd.s32 @!p0 s5, s2  }
0x20c: {  	[tilespmem:s7], [sflag:$0x9] =	stream.linear.gather @!p0 [hbm4b:s2+s4], $0x90, $0x38;
	[tilespmem:$0x1F830] =	vst v63  }
0x20d: {  	_ = 	snop  }
0x20e: {  	[spmem:s3] =	stream.indirect.scatter.add.f32 [tilespmem:s31], [sflag:$0x5], $0x90, s17, s10, $0xb8;
	[tilespmem:$0x1F830] =	vst v63  }
0x20f: {  	_ =	swait.ge [sflag:s20], $0x1800  }
0x210: {  	[sflag:s20] =	ssyncset.done $0x0  }
0x211: {  	[sflag:s20] =	ssyncadd.s32 $0xFFFFE800  }
0x212: {  	_ =	swait.ge [sflag:s9], $0x1B00  }
0x213: {  	[sflag:s9] =	ssyncset.done $0x0  }
0x214: {  	s13 =	simm.s32 $0x0;
	[sflag:s9] =	ssyncadd.s32 $0xFFFFE500  }
0x215: {  	s16 =	simm.s32 $0x0;
	v1 =	vld [tilespmem:s13+$0x4AA0]  }
0x216: {  	v2 =	vmov s16;
	v3 =	vld [tilespmem:s13+$0x4AB0]  }
0x217: {  	v2 =	vand.u32 $0xFFFFFFFE, v2;
	v48 =	vld [tilespmem:s13+$0x4AC0]  }
0x218: {  	v2 =	vbroadcast v2, $0x0;
	v49 =	vld [tilespmem:s13+$0x4AD0]  }
0x219: {  	v50 =	vld [tilespmem:s13+$0x4AE0]  }
0x21a: {  	v51 =	vld [tilespmem:s13+$0x4AF0]  }
0x21b: {  	v52 =	vld [tilespmem:s13+$0x4B00]  }
0x21c: {  	v53 =	vld [tilespmem:s13+$0x4B10]  }
0x21d: {  	v54 =	vld [tilespmem:s13+$0x4B20]  }
0x21e: {  	v2 =	vld.idx.msk [tilespmem:v2+s11+$0x0], $0xffff  }
0x21f: {  	v55 =	vld [tilespmem:s13+$0x4B30]  }
0x220: {  	s24 =	simm.s32 $0x1;
	v56 =	vld [tilespmem:s13+$0x4B40]  }
0x221: {  	v57 =	vmov s24;
	v58 =	vld [tilespmem:s13+$0x4B50]  }
0x222: {  	v59 =	vld [tilespmem:s13+$0x4B60]  }
0x223: {  	v60 =	vld [tilespmem:s13+$0x4B70]  }
0x224: {  	v61 =	vld [tilespmem:s13+$0x4B80];
	v9 =	vmul.f32 v2, v53  }
0x225: {  	s4 =	simm.s32 $0x7EB0;
	v62 =	vld [tilespmem:s13+$0x4B90];
	v1 =	vmul.f32 v2, v1  }
0x226: {  	v13 =	vld.idx.msk [tilespmem:v57+s11+$0x0], $0xffff;
	v3 =	vmul.f32 v2, v3;
	[tilespmem:s4+$0xFFFFFF60] =	vst v9  }
0x227: {  	v4 =	vmul.f32 v2, v48;
	[tilespmem:s4+$0xFFFFFEF0] =	vst v1  }
0x228: {  	v63 =	vmul.f32 v2, v51;
	[tilespmem:s4+$0xFFFFFF00] =	vst v3  }
0x229: {  	v1 =	vmul.f32 v2, v49;
	[tilespmem:s4+$0xFFFFFF10] =	vst v4  }
0x22a: {  	v3 =	vmul.f32 v2, v50;
	[tilespmem:s4+$0xFFFFFF40] =	vst v63  }
0x22b: {  	[tilespmem:s4+$0xFFFFFF20] =	vst v1  }
0x22c: {  	v1 =	vmul.f32 v2, v52;
	[tilespmem:s4+$0xFFFFFF30] =	vst v3;
	v2 =	vnsel vm0, $0x0, v2  }
0x22d: {  	v3 =	vmul.f32 v13, v54;
	[tilespmem:s4+$0xFFFFFF70] =	vst v2  }
0x22e: {  	v2 =	vmul.f32 v13, v56;
	[tilespmem:s4+$0xFFFFFF50] =	vst v1  }
0x22f: {  	v1 =	vmul.f32 v13, v55;
	[tilespmem:s4+$0xFFFFFF80] =	vst v3  }
0x230: {  	v3 =	vmul.f32 v13, v58;
	[tilespmem:s4+$0xFFFFFFA0] =	vst v2  }
0x231: {  	v2 =	vmul.f32 v13, v60;
	[tilespmem:s4+$0xFFFFFF90] =	vst v1  }
0x232: {  	v1 =	vmul.f32 v13, v59;
	[tilespmem:s4+$0xFFFFFFB0] =	vst v3  }
0x233: {  	v3 =	vmul.f32 v13, v61;
	[tilespmem:s4+$0xFFFFFFD0] =	vst v2  }
0x234: {  	[tilespmem:s4+$0xFFFFFFC0] =	vst v1  }
0x235: {  	v2 =	vnsel vm0, $0x0, v13;
	v1 =	vmul.f32 v13, v62;
	[tilespmem:s4+$0xFFFFFFE0] =	vst v3  }
0x236: {  	[tilespmem:s4+$0x0] =	vst v2  }
0x237: {  	s7 =	simm.s32 $0x100;
	[tilespmem:s4+$0xFFFFFFF0] =	vst v1  }
0x238: {  	s16 =	simm.s32 $0x2;
	s2 =	simm.s32 $0x800;
	s13 =	simm.s32 $0x3;
	v1 =	vld [tilespmem:s7+$0x4AA0]  }
.LBB2_11:
0x239: {  	p1 =	sne.s32 s2, $0x5C00;
	v2 =	vmov s16;
	v3 =	vld [tilespmem:s7+$0x4AB0]  }
0x23a: {  	v2 =	vand.u32 $0xFFFFFFFE, v2;
	v4 =	vld [tilespmem:s7+$0x4AC0]  }
0x23b: {  	v2 =	vbroadcast v2, $0x0;
	v5 =	vld [tilespmem:s7+$0x4AD0]  }
0x23c: {  	v6 =	vld [tilespmem:s7+$0x4AE0]  }
0x23d: {  	v7 =	vld [tilespmem:s7+$0x4AF0]  }
0x23e: {  	v8 =	vld [tilespmem:s7+$0x4B00]  }
0x23f: {  	v9 =	vld [tilespmem:s7+$0x4B10]  }
0x240: {  	v10 =	vld [tilespmem:s7+$0x4B20]  }
0x241: {  	v2 =	vld.idx.msk [tilespmem:v2+s11+$0x0], $0xffff  }
0x242: {  	v11 =	vld [tilespmem:s7+$0x4B30]  }
0x243: {  	v12 =	vld [tilespmem:s7+$0x4B40]  }
0x244: {  	v13 =	vmov s13;
	v14 =	vld [tilespmem:s7+$0x4B50]  }
0x245: {  	v15 =	vld [tilespmem:s7+$0x4B60]  }
0x246: {  	v16 =	vld [tilespmem:s7+$0x4B70]  }
0x247: {  	v1 =	vmul.f32 v2, v1;
	v9 =	vmul.f32 v2, v9;
	v18 =	vnsel vm0, $0x0, v2;
	v17 =	vld [tilespmem:s7+$0x4B80]  }
0x248: {  	s4 =	sadd.s32 $0x120, s4;
	v3 =	vmul.f32 v2, v3;
	v4 =	vmul.f32 v2, v4;
	v19 =	vld [tilespmem:s7+$0x4B90]  }
0x249: {  	v5 =	vmul.f32 v2, v5;
	v6 =	vmul.f32 v2, v6;
	v13 =	vld.idx.msk [tilespmem:v13+s11+$0x0], $0xffff;
	[tilespmem:s4+$0xFFFFFF60] =	vst v9  }
0x24a: {  	v7 =	vmul.f32 v2, v7;
	v2 =	vmul.f32 v2, v8;
	[tilespmem:s4+$0xFFFFFEF0] =	vst v1  }
0x24b: {  	[tilespmem:s4+$0xFFFFFF00] =	vst v3  }
0x24c: {  	[tilespmem:s4+$0xFFFFFF10] =	vst v4  }
0x24d: {  	[tilespmem:s4+$0xFFFFFF20] =	vst v5  }
0x24e: {  	[tilespmem:s4+$0xFFFFFF30] =	vst v6  }
0x24f: {  	v1 =	vmul.f32 v13, v10;
	v3 =	vmul.f32 v13, v11;
	v4 =	vnsel vm0, $0x0, v13;
	[tilespmem:s4+$0xFFFFFF40] =	vst v7  }
0x250: {  	v5 =	vmul.f32 v13, v12;
	v6 =	vmul.f32 v13, v14;
	[tilespmem:s4+$0xFFFFFF50] =	vst v2  }
0x251: {  	v7 =	vmul.f32 v13, v16;
	v2 =	vmul.f32 v13, v15;
	[tilespmem:s4+$0xFFFFFF70] =	vst v18  }
0x252: {  	v8 =	vmul.f32 v13, v17;
	v9 =	vmul.f32 v13, v19;
	[tilespmem:s4+$0xFFFFFF80] =	vst v1  }
0x253: {  	[tilespmem:s4+$0xFFFFFF90] =	vst v3  }
0x254: {  	[tilespmem:s4+$0xFFFFFFA0] =	vst v5  }
0x255: {  	[tilespmem:s4+$0xFFFFFFB0] =	vst v6  }
0x256: {  	[tilespmem:s4+$0xFFFFFFC0] =	vst v2  }
.Ltmp6:
0x257: {  	[tilespmem:s4+$0xFFFFFFD0] =	vst v7;
	(pc) =	sbr.rel @p1 .LBB2_11-.Ltmp6, $4  }
0x258: {  	[tilespmem:s4+$0xFFFFFFE0] =	vst v8  }
0x259: {  	[tilespmem:s4+$0xFFFFFFF0] =	vst v9  }
0x25a: {  	s13 =	sadd.s32 $0x2, s13;
	s7 =	sshra.s32 s2, $0x2;
	[tilespmem:s4+$0x0] =	vst v4  }
0x25b: {  	s16 =	sadd.s32 $0xFFFFFFFF, s13;
	s2 =	sadd.s32 $0x400, s2;
	v1 =	vld [tilespmem:s7+$0x4AA0]  }
0x25c: {  	v3 =	vld [tilespmem:s7+$0x4AB0]  }
0x25d: {  	v2 =	vmov s16;
	v4 =	vld [tilespmem:s7+$0x4AC0]  }
0x25e: {  	v5 =	vld [tilespmem:s7+$0x4AD0];
	v2 =	vand.u32 $0xFFFFFFFE, v2  }
0x25f: {  	v6 =	vld [tilespmem:s7+$0x4AE0];
	v2 =	vbroadcast v2, $0x0  }
0x260: {  	v7 =	vld [tilespmem:s7+$0x4AF0]  }
0x261: {  	v8 =	vld [tilespmem:s7+$0x4B00]  }
0x262: {  	v9 =	vld [tilespmem:s7+$0x4B10]  }
0x263: {  	v10 =	vld [tilespmem:s7+$0x4B20]  }
0x264: {  	v11 =	vld [tilespmem:s7+$0x4B30]  }
0x265: {  	v2 =	vld.idx.msk [tilespmem:v2+s11+$0x0], $0xffff  }
0x266: {  	v12 =	vld [tilespmem:s7+$0x4B40]  }
0x267: {  	v13 =	vmov s13;
	v14 =	vld [tilespmem:s7+$0x4B50]  }
0x268: {  	v15 =	vld [tilespmem:s7+$0x4B60]  }
0x269: {  	v16 =	vld [tilespmem:s7+$0x4B70]  }
0x26a: {  	v17 =	vld [tilespmem:s7+$0x4B80];
	v9 =	vmul.f32 v2, v9  }
0x26b: {  	v18 =	vld [tilespmem:s7+$0x4B90];
	s2 =	sadd.s32 $0x120, s4;
	v1 =	vmul.f32 v2, v1  }
0x26c: {  	v13 =	vld.idx.msk [tilespmem:v13+s11+$0x0], $0xffff;
	v3 =	vmul.f32 v2, v3;
	[tilespmem:s2+$0xFFFFFF60] =	vst v9  }
0x26d: {  	v4 =	vmul.f32 v2, v4;
	[tilespmem:s2+$0xFFFFFEF0] =	vst v1  }
0x26e: {  	v63 =	vmul.f32 v2, v7;
	[tilespmem:s2+$0xFFFFFF00] =	vst v3  }
0x26f: {  	v1 =	vmul.f32 v2, v5;
	[tilespmem:s2+$0xFFFFFF10] =	vst v4  }
0x270: {  	v3 =	vmul.f32 v2, v6;
	[tilespmem:s2+$0xFFFFFF40] =	vst v63  }
0x271: {  	[tilespmem:s2+$0xFFFFFF20] =	vst v1  }
0x272: {  	v1 =	vmul.f32 v2, v8;
	[tilespmem:s2+$0xFFFFFF30] =	vst v3;
	v2 =	vnsel vm0, $0x0, v2  }
0x273: {  	v3 =	vmul.f32 v13, v10;
	[tilespmem:s2+$0xFFFFFF70] =	vst v2  }
0x274: {  	v2 =	vmul.f32 v13, v12;
	[tilespmem:s2+$0xFFFFFF50] =	vst v1  }
0x275: {  	v1 =	vmul.f32 v13, v11;
	[tilespmem:s2+$0xFFFFFF80] =	vst v3  }
0x276: {  	v3 =	vmul.f32 v13, v14;
	[tilespmem:s2+$0xFFFFFFA0] =	vst v2  }
0x277: {  	v2 =	vmul.f32 v13, v16;
	[tilespmem:s2+$0xFFFFFF90] =	vst v1  }
0x278: {  	v1 =	vmul.f32 v13, v15;
	[tilespmem:s2+$0xFFFFFFB0] =	vst v3  }
0x279: {  	v3 =	vmul.f32 v13, v17;
	[tilespmem:s2+$0xFFFFFFD0] =	vst v2  }
0x27a: {  	[tilespmem:s2+$0xFFFFFFC0] =	vst v1  }
0x27b: {  	v2 =	vnsel vm0, $0x0, v13;
	v1 =	vmul.f32 v13, v18;
	[tilespmem:s2+$0xFFFFFFE0] =	vst v3  }
0x27c: {  	[tilespmem:s2+$0x0] =	vst v2  }
0x27d: {  	[tilespmem:s2+$0xFFFFFFF0] =	vst v1  }
0x27e: {  	v1 =	vld [tilespmem:$0x1E0]  }
0x27f: {  	v2 =	vld [tilespmem:$0x1F0]  }
0x280: {  	v3 =	vld [tilespmem:$0x200]  }
.Ltmp7:
0x281: {  	_ = 	snop;
	(pc) =	sbr.rel @p0 .LBB2_14-.Ltmp7, $4  }
0x282: {  	_ = 	snop  }
0x283: {  	[tilespmem:$0x270] =	vst v1  }
0x284: {  	[tilespmem:$0x280] =	vst v2  }
0x285: {  	[tilespmem:$0x290] =	vst v3  }
0x286: {  	_ =	swait.ge [sflag:s12], $0x90;
	s2 =	smul.u32 $0x240, s6  }
0x287: {  	s4 =	simm.s32 $0x120;
	[sflag:s12] =	ssyncset.done $0x0;
	s16 =	rddreg [dreg:$0x13]  }
0x288: {  	s7 =	simm.s32 $0x32A0;
	[sflag:s12] =	ssyncadd.s32 $0xFFFFFF70;
	s2 =	sadd.s32 s2, s16  }
0x289: {  	[tilespmem:s7], [sflag:$0x3] =	stream.indirect.gather [hbm4b:s1+s10], $0x80, s4, s10, $0xb8;
	[tilespmem:$0x1F830] =	vst v63  }
.Ltmp8:
0x28a: {  	s2 =	sshrl.u32 s2, $0x3;
	(pc) =	sbr.rel .LBB2_4-.Ltmp8, $4  }
0x28b: {  	s24 =	simm.s32 $0x0;
	s2 =	sadd.s32 s5, s2  }
0x28c: {  	[tilespmem:s8], [sflag:$0xA] =	stream.linear.gather [hbm4b:s2+s24], $0x90, $0x38;
	[tilespmem:$0x1F830] =	vst v63  }
0x28d: {  	s6 =	sadd.s32 $0x1, s6  }
0x28e: {  	[spmem:s3] =	stream.indirect.scatter.add.f32 [tilespmem:s26], [sflag:$0x6], $0x90, s25, s10, $0xb8;
	[tilespmem:$0x1F830] =	vst v63  }
.LBB2_15:
0x28f: {  	_ =	sfence.sel $0x180000  }
0x290: {  	[bflag:$0x0] =	sbarrier.arrive $0xFFFF  }
0x291: {  	_ =	strace $0x90000047  }
0x292: {  	s0 =	stileid.u32;
	[bflag:$0x2] =	sbarrier.arrive $0xFFFF  }
0x293: {  	p0 =	sne.s32 s0, $0x0;
	s0 =	rddreg [dreg:$0x3]  }
0x294: {  	s0 =	sadd.s32 @!p0 $0x100000, s0  }
0x295: {  	[sflag:s0] =	ssyncadd.tile.s32 @!p0 $0x1;
	_ =	shalt  }
.Lfunc_end2:
_tile_overlayer_lowered:
.L_overlay_start_2:
0x296: {  	(tag) =	ssettag $0x2  }
0x297: {  	s0 =	rddreg [dreg:$0x0];
	s2 =	stileid.u32  }
0x298: {  	s1 =	rddreg [dreg:$0x1];
	p0 =	sne.s32 s2, $0x0  }
0x299: {  	s3 =	rddreg [dreg:$0x2];
	[bflag:$0x3] =	sbarrier.arrive $0xFFFF;
	s2 =	simm.s32 @!p0 $0x1C0B  }
0x29a: {  	[timem:s3], [sflag:s2] =	dma.local @!p0 [hbm:s0], s1  }
0x29b: {  	s0 =	simm.s32 @!p0 $0xB  }
0x29c: {  	_ =	swait.ge @!p0 [sflag:s0], s1  }
0x29d: {  	s1 =	ssub.s32 @!p0 $0x0, s1;
	[sflag:s0] =	ssyncset.done @!p0 $0x0  }
0x29e: {  	[sflag:s0] =	ssyncadd.s32 @!p0 s1  }
0x29f: {  	[bflag:$0x3] =	sbarrier.arrive $0xFFFF  }
0x2a0: {  	_ =	shalt  }

</sc_bundles>
